<compile_context>
chip_gen: v7x
topology: tpu7x:2x2x1
jax: 0.10.2.dev20260603
libtpu: 0.0.44.dev20260713+nightly
codegen_flags: <defaults>
</compile_context>

<pallas_src>
import functools

import jax
import jax.numpy as jnp
from jax import lax
from jax.experimental import pallas as pl
from jax.experimental.pallas import tpu as pltpu
from jax.experimental.pallas import tpu_sc as plsc

N = 10000
E = 160000
D_IN = 256
D_HID = 256
D_OUT = 64

NC = 2
NS = 16
LANES = 16

BN = 2000
NB = N // BN

_f32 = jnp.float32
_i32 = jnp.int32

_PE = 163840
_PCH = _PE // 128
_TPR = _PCH // (NC * NS)
_CPT = _PCH // NS
_ACC1D = 10240
NP = 10240


def _sc_mesh():
    return plsc.VectorSubcoreMesh(
        core_axis_name="c", subcore_axis_name="s", num_cores=NC, num_subcores=NS
    )


def _chunks(total, step):
    out = []
    r = 0
    while r < total:
        out.append((r, min(step, total - r)))
        r += step
    return out




@functools.partial(
    pl.kernel,
    out_type=jax.ShapeDtypeStruct((NC * _ACC1D,), _f32),
    mesh=_sc_mesh(),
    scratch_types=[
        pltpu.VMEM((640,), _f32),
        pltpu.VMEM((128,), _f32),
        pltpu.VMEM((_TPR, 128), _i32),
        pltpu.VMEM_SHARED((_ACC1D,), _f32),
    ],
)
def _deg_kernel(dst_hbm, out_hbm, zbuf, ones_v, didx, acc):
    c = lax.axis_index("c")
    s = lax.axis_index("s")
    for k in range(640 // LANES):
        zbuf[pl.ds(k * LANES, LANES)] = jnp.zeros((LANES,), _f32)
    for k in range(128 // LANES):
        ones_v[pl.ds(k * LANES, LANES)] = jnp.ones((LANES,), _f32)
    tid = c * NS + s
    pltpu.sync_copy(dst_hbm.at[pl.ds(pl.multiple_of(tid * _TPR, 8), _TPR)],
                    didx)
    pltpu.sync_copy(zbuf, acc.at[pl.ds(s * 640, 640)])
    plsc.subcore_barrier()

    def body(j, carry):
        pltpu.sync_copy(ones_v, acc.at[didx.at[j]], add=True)
        return carry

    lax.fori_loop(0, _TPR, body, 0)
    plsc.subcore_barrier()
    pltpu.sync_copy(acc.at[pl.ds(s * 640, 640)], zbuf)
    pltpu.sync_copy(zbuf,
                    out_hbm.at[pl.ds(pl.multiple_of(c * _ACC1D + s * 640, 8),
                                     640)])




def _make_agg(Dh):
    ept = E // NS
    nch = ept // 128
    tail = ept - nch * 128
    rpt = NP // NS

    @functools.partial(
        pl.kernel,
        out_type=jax.ShapeDtypeStruct((2 * NP, Dh), _f32),
        mesh=_sc_mesh(),
        scratch_types=[
            pltpu.VMEM((128,), _i32),
            pltpu.VMEM((128,), _i32),
            pltpu.VMEM((tail,), _i32),
            pltpu.VMEM((tail,), _i32),
            pltpu.VMEM((128, Dh), _f32),
            pltpu.VMEM((tail, Dh), _f32),
            pltpu.VMEM_SHARED((NP, Dh), _f32),
            pltpu.SemaphoreType.DMA,
        ],
    )
    def agg(g_hbm, src_hbm, dst_hbm, zero_hbm, out_hbm,
            src_v, dst_v, srct_v, dstt_v, rows_v, rowst_v, acc, sem):
        c = lax.axis_index("c")
        s = lax.axis_index("s")
        cN = c * N
        r0 = s * rpt
        pltpu.sync_copy(zero_hbm, rows_v)
        for r, cw in _chunks(rpt, 128):
            pltpu.sync_copy(rows_v.at[pl.ds(0, cw)], acc.at[pl.ds(r0 + r, cw)])
        plsc.subcore_barrier()

        base = s * ept

        def body(j, carry):
            off = pl.multiple_of(base + j * 128, 8)
            pltpu.sync_copy(src_hbm.at[pl.ds(off, 128)], src_v)
            pltpu.sync_copy(dst_hbm.at[pl.ds(off, 128)], dst_v)
            for k in range(128 // LANES):
                sl = pl.ds(k * LANES, LANES)
                src_v[sl] = src_v[sl] + cN
            pltpu.async_copy(g_hbm.at[src_v], rows_v, sem).wait()
            pltpu.sync_copy(rows_v, acc.at[dst_v], add=True)
            return carry

        lax.fori_loop(0, nch, body, 0)
        offt = pl.multiple_of(base + nch * 128, 8)
        pltpu.sync_copy(src_hbm.at[pl.ds(offt, tail)], srct_v)
        pltpu.sync_copy(dst_hbm.at[pl.ds(offt, tail)], dstt_v)
        srct_v[...] = srct_v[...] + cN
        pltpu.async_copy(g_hbm.at[srct_v], rowst_v, sem).wait()
        pltpu.sync_copy(rowst_v, acc.at[dstt_v], add=True)
        plsc.subcore_barrier()
        cNP = c * NP
        for r, cw in _chunks(rpt, 128):
            pltpu.sync_copy(acc.at[pl.ds(r0 + r, cw)], rows_v.at[pl.ds(0, cw)])
            pltpu.sync_copy(rows_v.at[pl.ds(0, cw)],
                            out_hbm.at[pl.ds(pl.multiple_of(cNP + r0 + r, 8),
                                             cw)])

    return agg


_agg128 = _make_agg(D_HID // 2)




def _dis(hist_blk):
    deg = hist_blk[:, 0:1] + hist_blk[:, 1:2] + 1.0
    return lax.rsqrt(deg)


def _tc1_body(hist_ref, x_ref, w_ref, out_ref):
    dis = _dis(hist_ref[...])
    h = dis * jnp.dot(x_ref[...], w_ref[...], precision=lax.Precision.HIGHEST,
                      preferred_element_type=_f32)
    out_ref[0] = h[:, : D_HID // 2]
    out_ref[1] = h[:, D_HID // 2:]


_tc1 = pl.pallas_call(
    _tc1_body,
    grid=(NB,),
    in_specs=[
        pl.BlockSpec((BN, 2), lambda i: (i, 0)),
        pl.BlockSpec((BN, D_IN), lambda i: (i, 0)),
        pl.BlockSpec((D_IN, D_HID), lambda i: (0, 0)),
    ],
    out_specs=pl.BlockSpec((NC, BN, D_HID // 2), lambda i: (0, i, 0)),
    out_shape=jax.ShapeDtypeStruct((NC, N, D_HID // 2), _f32),
)


def _tc2_body(hist_ref, acc_ref, g_ref, b1_ref, out_ref):
    dis = _dis(hist_ref[...])
    h = jnp.concatenate([acc_ref[0] + g_ref[0], acc_ref[1] + g_ref[1]], axis=1)
    hidden = dis * h + b1_ref[...]
    q = dis * jnp.maximum(hidden, 0.0)
    out_ref[0] = q[:, : D_HID // 2]
    out_ref[1] = q[:, D_HID // 2:]


_tc2 = pl.pallas_call(
    _tc2_body,
    grid=(NB,),
    in_specs=[
        pl.BlockSpec((BN, 2), lambda i: (i, 0)),
        pl.BlockSpec((NC, BN, D_HID // 2), lambda i: (0, i, 0)),
        pl.BlockSpec((NC, BN, D_HID // 2), lambda i: (0, i, 0)),
        pl.BlockSpec((1, D_HID), lambda i: (0, 0)),
    ],
    out_specs=pl.BlockSpec((NC, BN, D_HID // 2), lambda i: (0, i, 0)),
    out_shape=jax.ShapeDtypeStruct((NC, N, D_HID // 2), _f32),
)


def _tc3_body(hist_ref, acc_ref, q_ref, w2_ref, b2_ref, logsm_ref, out_ref):
    dis = _dis(hist_ref[...])
    m = jnp.concatenate([acc_ref[0] + q_ref[0], acc_ref[1] + q_ref[1]], axis=1)
    o = dis * jnp.dot(m, w2_ref[...], precision=lax.Precision.HIGHEST,
                      preferred_element_type=_f32) + b2_ref[...]
    out_ref[...] = o
    mx = jnp.max(o, axis=1, keepdims=True)
    lse = jnp.log(jnp.sum(jnp.exp(o - mx), axis=1, keepdims=True)) + mx
    logsm_ref[...] = o - lse


_tc3 = pl.pallas_call(
    _tc3_body,
    grid=(NB,),
    in_specs=[
        pl.BlockSpec((BN, 2), lambda i: (i, 0)),
        pl.BlockSpec((NC, BN, D_HID // 2), lambda i: (0, i, 0)),
        pl.BlockSpec((NC, BN, D_HID // 2), lambda i: (0, i, 0)),
        pl.BlockSpec((D_HID, D_OUT), lambda i: (0, 0)),
        pl.BlockSpec((1, D_OUT), lambda i: (0, 0)),
    ],
    out_specs=[
        pl.BlockSpec((BN, D_OUT), lambda i: (i, 0)),
        pl.BlockSpec((BN, D_OUT), lambda i: (i, 0)),
    ],
    out_shape=[
        jax.ShapeDtypeStruct((N, D_OUT), _f32),
        jax.ShapeDtypeStruct((N, D_OUT), _f32),
    ],
)


def kernel(x, edge_index, W1, b1, W2, b2):
    edge_index = edge_index.astype(_i32)
    src = edge_index[0]
    dst = edge_index[1]

    pad = _PE - E
    srcp = jnp.concatenate([src, jnp.zeros((pad,), _i32)])
    padbin = N + (jnp.arange(pad, dtype=_i32) % (NP - N))
    dstp = jnp.concatenate([dst, padbin])
    dst2d = dstp.reshape(_PCH, 128)
    z128 = jnp.zeros((128, D_HID // 2), _f32)

    hist = _deg_kernel(dst2d).reshape(NC, _ACC1D)[:, :N]
    histT = hist.T

    g1 = _tc1(histT, x, W1)
    acc1 = _agg128(g1.reshape(2 * N, D_HID // 2), src, dst, z128)
    q = _tc2(histT, acc1.reshape(NC, NP, D_HID // 2), g1,
             b1.reshape(1, D_HID))
    acc2 = _agg128(q.reshape(2 * N, D_HID // 2), src, dst, z128)
    logsm, out = _tc3(histT, acc2.reshape(NC, NP, D_HID // 2), q,
                      W2, b2.reshape(1, D_OUT))
    return (logsm, out)

# --- scband reference (transcript-rebuilt; emitter-appended) ---
"""Pipeline reference for scband-extracted-gcn-68143951118579 (READ-ONLY COPY).

The authoritative reference and input builder live on the scoring server;
editing this copy changes nothing except your own understanding.
"""

import jax, jax.numpy as jnp
import numpy as np

N_NODES = 10000
N_EDGES = 160000
D_IN = 256
D_HID = 256
D_OUT = 64


def gcn_conv(x, edge_index, W, b):
    # Faithful PyG-style GCNConv: add self-loops, symmetric normalization,
    # linear transform, scatter-add aggregation, bias.
    n = x.shape[0]
    loop = jnp.arange(n, dtype=edge_index.dtype)
    src = jnp.concatenate([edge_index[0], loop])
    dst = jnp.concatenate([edge_index[1], loop])
    h = x @ W
    deg = jnp.zeros((n,), dtype=h.dtype).at[dst].add(1.0)
    deg_inv_sqrt = jnp.where(deg > 0, jax.lax.rsqrt(jnp.maximum(deg, 1e-12)), 0.0)
    norm = deg_inv_sqrt[src] * deg_inv_sqrt[dst]
    msg = h[src] * norm[:, None]
    out = jnp.zeros((n, W.shape[1]), dtype=h.dtype).at[dst].add(msg)
    return out + b


def setup_inputs(seed: int = 0) -> dict:
    key = jax.random.key(seed)
    ks = jax.random.split(key, 6)
    x = jax.random.normal(ks[0], (N_NODES, D_IN), dtype=jnp.float32)
    edge_index = jax.random.randint(ks[1], (2, N_EDGES), 0, N_NODES)
    W1 = jax.random.normal(ks[2], (D_IN, D_HID), dtype=jnp.float32) * 0.05
    b1 = jnp.zeros((D_HID,), dtype=jnp.float32)
    W2 = jax.random.normal(ks[3], (D_HID, D_OUT), dtype=jnp.float32) * 0.05
    b2 = jnp.zeros((D_OUT,), dtype=jnp.float32)
    return {"x": x, "edge_index": edge_index, "W1": W1, "b1": b1, "W2": W2, "b2": b2}


def reference(x, edge_index, W1, b1, W2, b2):
    hidden = gcn_conv(x, edge_index, W1, b1)
    h = jax.nn.relu(hidden)
    output = gcn_conv(h, edge_index, W2, b2)
    return (jax.nn.log_softmax(output, axis=1), output)

if __name__ == "__main__":
    import jax
    _d = setup_inputs()
    print(jax.jit(kernel)(*tuple(_d.values())))

</pallas_src>

<mosaic_0001>
#map = affine_map<(d0, d1) -> (0, 0)>
#map1 = affine_map<(d0, d1) -> (0)>
module attributes {stable_mosaic.version = 14 : i64} {
  func.func @_deg_kernel(%arg0: i32, %arg1: i32, %arg2: memref<1280x128xi32, #tpu.memory_space<hbm>>, %arg3: memref<20480xf32, #tpu.memory_space<hbm>>, %arg4: memref<640xf32, #tpu.memory_space<vmem>>, %arg5: memref<128xf32, #tpu.memory_space<vmem>>, %arg6: memref<40x128xi32, #tpu.memory_space<vmem>>, %arg7: memref<10240xf32, #tpu.memory_space<vmem_shared>>) attributes {dimension_semantics = [#tpu.dimension_semantics<core_parallel>, #tpu.dimension_semantics<subcore_parallel>], iteration_bounds = array<i64: 2, 16>, scalar_prefetch = 0 : i64, scratch_operands = 4 : i64, tpu.core_type = #tpu.core_type<sc_vector_subcore>, window_params = [{transform_indices = #map}, {transform_indices = #map1}]} {
    %broadcast_in_dim3A = arith.constant 0.000000e+00 : f32
    %broadcast_in_dim3A_0 = vector.broadcast %broadcast_in_dim3A : f32 to vector<16xf32>
    %swap3A = arith.constant 0 : index
    %swap3A_1 = tpu.vector_load %arg4[%swap3A] {strides = array<i32>} : memref<640xf32, #tpu.memory_space<vmem>>, vector<16xf32>,
    %swap3A_2 = vector.shape_cast %swap3A_1 : vector<16xf32> to vector<16xf32>
    %swap3A_3 = vector.shape_cast %broadcast_in_dim3A_0 : vector<16xf32> to vector<16xf32>
    tpu.vector_store %arg4[%swap3A], %swap3A_3 {strides = array<i32>} : memref<640xf32, #tpu.memory_space<vmem>>, vector<16xf32>,
    %broadcast_in_dim3A_4 = arith.constant 0.000000e+00 : f32
    %broadcast_in_dim3A_5 = vector.broadcast %broadcast_in_dim3A_4 : f32 to vector<16xf32>
    %swap3A_6 = arith.constant 16 : index
    %swap3A_7 = tpu.vector_load %arg4[%swap3A_6] {strides = array<i32>} : memref<640xf32, #tpu.memory_space<vmem>>, vector<16xf32>,
    %swap3A_8 = vector.shape_cast %swap3A_7 : vector<16xf32> to vector<16xf32>
    %swap3A_9 = vector.shape_cast %broadcast_in_dim3A_5 : vector<16xf32> to vector<16xf32>
    tpu.vector_store %arg4[%swap3A_6], %swap3A_9 {strides = array<i32>} : memref<640xf32, #tpu.memory_space<vmem>>, vector<16xf32>,
    %broadcast_in_dim3A_10 = arith.constant 0.000000e+00 : f32
    %broadcast_in_dim3A_11 = vector.broadcast %broadcast_in_dim3A_10 : f32 to vector<16xf32>
    %swap3A_12 = arith.constant 32 : index
    %swap3A_13 = tpu.vector_load %arg4[%swap3A_12] {strides = array<i32>} : memref<640xf32, #tpu.memory_space<vmem>>, vector<16xf32>,
    %swap3A_14 = vector.shape_cast %swap3A_13 : vector<16xf32> to vector<16xf32>
    %swap3A_15 = vector.shape_cast %broadcast_in_dim3A_11 : vector<16xf32> to vector<16xf32>
    tpu.vector_store %arg4[%swap3A_12], %swap3A_15 {strides = array<i32>} : memref<640xf32, #tpu.memory_space<vmem>>, vector<16xf32>,
    %broadcast_in_dim3A_16 = arith.constant 0.000000e+00 : f32
    %broadcast_in_dim3A_17 = vector.broadcast %broadcast_in_dim3A_16 : f32 to vector<16xf32>
    %swap3A_18 = arith.constant 48 : index
    %swap3A_19 = tpu.vector_load %arg4[%swap3A_18] {strides = array<i32>} : memref<640xf32, #tpu.memory_space<vmem>>, vector<16xf32>,
    %swap3A_20 = vector.shape_cast %swap3A_19 : vector<16xf32> to vector<16xf32>
    %swap3A_21 = vector.shape_cast %broadcast_in_dim3A_17 : vector<16xf32> to vector<16xf32>
    tpu.vector_store %arg4[%swap3A_18], %swap3A_21 {strides = array<i32>} : memref<640xf32, #tpu.memory_space<vmem>>, vector<16xf32>,
    %broadcast_in_dim3A_22 = arith.constant 0.000000e+00 : f32
    %broadcast_in_dim3A_23 = vector.broadcast %broadcast_in_dim3A_22 : f32 to vector<16xf32>
    %swap3A_24 = arith.constant 64 : index
    %swap3A_25 = tpu.vector_load %arg4[%swap3A_24] {strides = array<i32>} : memref<640xf32, #tpu.memory_space<vmem>>, vector<16xf32>,
    %swap3A_26 = vector.shape_cast %swap3A_25 : vector<16xf32> to vector<16xf32>
    %swap3A_27 = vector.shape_cast %broadcast_in_dim3A_23 : vector<16xf32> to vector<16xf32>
    tpu.vector_store %arg4[%swap3A_24], %swap3A_27 {strides = array<i32>} : memref<640xf32, #tpu.memory_space<vmem>>, vector<16xf32>,
    %broadcast_in_dim3A_28 = arith.constant 0.000000e+00 : f32
    %broadcast_in_dim3A_29 = vector.broadcast %broadcast_in_dim3A_28 : f32 to vector<16xf32>
    %swap3A_30 = arith.constant 80 : index
    %swap3A_31 = tpu.vector_load %arg4[%swap3A_30] {strides = array<i32>} : memref<640xf32, #tpu.memory_space<vmem>>, vector<16xf32>,
    %swap3A_32 = vector.shape_cast %swap3A_31 : vector<16xf32> to vector<16xf32>
    %swap3A_33 = vector.shape_cast %broadcast_in_dim3A_29 : vector<16xf32> to vector<16xf32>
    tpu.vector_store %arg4[%swap3A_30], %swap3A_33 {strides = array<i32>} : memref<640xf32, #tpu.memory_space<vmem>>, vector<16xf32>,
    %broadcast_in_dim3A_34 = arith.constant 0.000000e+00 : f32
    %broadcast_in_dim3A_35 = vector.broadcast %broadcast_in_dim3A_34 : f32 to vector<16xf32>
    %swap3A_36 = arith.constant 96 : index
    %swap3A_37 = tpu.vector_load %arg4[%swap3A_36] {strides = array<i32>} : memref<640xf32, #tpu.memory_space<vmem>>, vector<16xf32>,
    %swap3A_38 = vector.shape_cast %swap3A_37 : vector<16xf32> to vector<16xf32>
    %swap3A_39 = vector.shape_cast %broadcast_in_dim3A_35 : vector<16xf32> to vector<16xf32>
    tpu.vector_store %arg4[%swap3A_36], %swap3A_39 {strides = array<i32>} : memref<640xf32, #tpu.memory_space<vmem>>, vector<16xf32>,
    %broadcast_in_dim3A_40 = arith.constant 0.000000e+00 : f32
    %broadcast_in_dim3A_41 = vector.broadcast %broadcast_in_dim3A_40 : f32 to vector<16xf32>
    %swap3A_42 = arith.constant 112 : index
    %swap3A_43 = tpu.vector_load %arg4[%swap3A_42] {strides = array<i32>} : memref<640xf32, #tpu.memory_space<vmem>>, vector<16xf32>,
    %swap3A_44 = vector.shape_cast %swap3A_43 : vector<16xf32> to vector<16xf32>
    %swap3A_45 = vector.shape_cast %broadcast_in_dim3A_41 : vector<16xf32> to vector<16xf32>
    tpu.vector_store %arg4[%swap3A_42], %swap3A_45 {strides = array<i32>} : memref<640xf32, #tpu.memory_space<vmem>>, vector<16xf32>,
    %broadcast_in_dim3A_46 = arith.constant 0.000000e+00 : f32
    %broadcast_in_dim3A_47 = vector.broadcast %broadcast_in_dim3A_46 : f32 to vector<16xf32>
    %swap3A_48 = arith.constant 128 : index
    %swap3A_49 = tpu.vector_load %arg4[%swap3A_48] {strides = array<i32>} : memref<640xf32, #tpu.memory_space<vmem>>, vector<16xf32>,
    %swap3A_50 = vector.shape_cast %swap3A_49 : vector<16xf32> to vector<16xf32>
    %swap3A_51 = vector.shape_cast %broadcast_in_dim3A_47 : vector<16xf32> to vector<16xf32>
    tpu.vector_store %arg4[%swap3A_48], %swap3A_51 {strides = array<i32>} : memref<640xf32, #tpu.memory_space<vmem>>, vector<16xf32>,
    %broadcast_in_dim3A_52 = arith.constant 0.000000e+00 : f32
    %broadcast_in_dim3A_53 = vector.broadcast %broadcast_in_dim3A_52 : f32 to vector<16xf32>
    %swap3A_54 = arith.constant 144 : index
    %swap3A_55 = tpu.vector_load %arg4[%swap3A_54] {strides = array<i32>} : memref<640xf32, #tpu.memory_space<vmem>>, vector<16xf32>,
    %swap3A_56 = vector.shape_cast %swap3A_55 : vector<16xf32> to vector<16xf32>
    %swap3A_57 = vector.shape_cast %broadcast_in_dim3A_53 : vector<16xf32> to vector<16xf32>
    tpu.vector_store %arg4[%swap3A_54], %swap3A_57 {strides = array<i32>} : memref<640xf32, #tpu.memory_space<vmem>>, vector<16xf32>,
    %broadcast_in_dim3A_58 = arith.constant 0.000000e+00 : f32
    %broadcast_in_dim3A_59 = vector.broadcast %broadcast_in_dim3A_58 : f32 to vector<16xf32>
    %swap3A_60 = arith.constant 160 : index
    %swap3A_61 = tpu.vector_load %arg4[%swap3A_60] {strides = array<i32>} : memref<640xf32, #tpu.memory_space<vmem>>, vector<16xf32>,
    %swap3A_62 = vector.shape_cast %swap3A_61 : vector<16xf32> to vector<16xf32>
    %swap3A_63 = vector.shape_cast %broadcast_in_dim3A_59 : vector<16xf32> to vector<16xf32>
    tpu.vector_store %arg4[%swap3A_60], %swap3A_63 {strides = array<i32>} : memref<640xf32, #tpu.memory_space<vmem>>, vector<16xf32>,
    %broadcast_in_dim3A_64 = arith.constant 0.000000e+00 : f32
    %broadcast_in_dim3A_65 = vector.broadcast %broadcast_in_dim3A_64 : f32 to vector<16xf32>
    %swap3A_66 = arith.constant 176 : index
    %swap3A_67 = tpu.vector_load %arg4[%swap3A_66] {strides = array<i32>} : memref<640xf32, #tpu.memory_space<vmem>>, vector<16xf32>,
    %swap3A_68 = vector.shape_cast %swap3A_67 : vector<16xf32> to vector<16xf32>
    %swap3A_69 = vector.shape_cast %broadcast_in_dim3A_65 : vector<16xf32> to vector<16xf32>
    tpu.vector_store %arg4[%swap3A_66], %swap3A_69 {strides = array<i32>} : memref<640xf32, #tpu.memory_space<vmem>>, vector<16xf32>,
    %broadcast_in_dim3A_70 = arith.constant 0.000000e+00 : f32
    %broadcast_in_dim3A_71 = vector.broadcast %broadcast_in_dim3A_70 : f32 to vector<16xf32>
    %swap3A_72 = arith.constant 192 : index
    %swap3A_73 = tpu.vector_load %arg4[%swap3A_72] {strides = array<i32>} : memref<640xf32, #tpu.memory_space<vmem>>, vector<16xf32>,
    %swap3A_74 = vector.shape_cast %swap3A_73 : vector<16xf32> to vector<16xf32>
    %swap3A_75 = vector.shape_cast %broadcast_in_dim3A_71 : vector<16xf32> to vector<16xf32>
    tpu.vector_store %arg4[%swap3A_72], %swap3A_75 {strides = array<i32>} : memref<640xf32, #tpu.memory_space<vmem>>, vector<16xf32>,
    %broadcast_in_dim3A_76 = arith.constant 0.000000e+00 : f32
    %broadcast_in_dim3A_77 = vector.broadcast %broadcast_in_dim3A_76 : f32 to vector<16xf32>
    %swap3A_78 = arith.constant 208 : index
    %swap3A_79 = tpu.vector_load %arg4[%swap3A_78] {strides = array<i32>} : memref<640xf32, #tpu.memory_space<vmem>>, vector<16xf32>,
    %swap3A_80 = vector.shape_cast %swap3A_79 : vector<16xf32> to vector<16xf32>
    %swap3A_81 = vector.shape_cast %broadcast_in_dim3A_77 : vector<16xf32> to vector<16xf32>
    tpu.vector_store %arg4[%swap3A_78], %swap3A_81 {strides = array<i32>} : memref<640xf32, #tpu.memory_space<vmem>>, vector<16xf32>,
    %broadcast_in_dim3A_82 = arith.constant 0.000000e+00 : f32
    %broadcast_in_dim3A_83 = vector.broadcast %broadcast_in_dim3A_82 : f32 to vector<16xf32>
    %swap3A_84 = arith.constant 224 : index
    %swap3A_85 = tpu.vector_load %arg4[%swap3A_84] {strides = array<i32>} : memref<640xf32, #tpu.memory_space<vmem>>, vector<16xf32>,
    %swap3A_86 = vector.shape_cast %swap3A_85 : vector<16xf32> to vector<16xf32>
    %swap3A_87 = vector.shape_cast %broadcast_in_dim3A_83 : vector<16xf32> to vector<16xf32>
    tpu.vector_store %arg4[%swap3A_84], %swap3A_87 {strides = array<i32>} : memref<640xf32, #tpu.memory_space<vmem>>, vector<16xf32>,
    %broadcast_in_dim3A_88 = arith.constant 0.000000e+00 : f32
    %broadcast_in_dim3A_89 = vector.broadcast %broadcast_in_dim3A_88 : f32 to vector<16xf32>
    %swap3A_90 = arith.constant 240 : index
    %swap3A_91 = tpu.vector_load %arg4[%swap3A_90] {strides = array<i32>} : memref<640xf32, #tpu.memory_space<vmem>>, vector<16xf32>,
    %swap3A_92 = vector.shape_cast %swap3A_91 : vector<16xf32> to vector<16xf32>
    %swap3A_93 = vector.shape_cast %broadcast_in_dim3A_89 : vector<16xf32> to vector<16xf32>
    tpu.vector_store %arg4[%swap3A_90], %swap3A_93 {strides = array<i32>} : memref<640xf32, #tpu.memory_space<vmem>>, vector<16xf32>,
    %broadcast_in_dim3A_94 = arith.constant 0.000000e+00 : f32
    %broadcast_in_dim3A_95 = vector.broadcast %broadcast_in_dim3A_94 : f32 to vector<16xf32>
    %swap3A_96 = arith.constant 256 : index
    %swap3A_97 = tpu.vector_load %arg4[%swap3A_96] {strides = array<i32>} : memref<640xf32, #tpu.memory_space<vmem>>, vector<16xf32>,
    %swap3A_98 = vector.shape_cast %swap3A_97 : vector<16xf32> to vector<16xf32>
    %swap3A_99 = vector.shape_cast %broadcast_in_dim3A_95 : vector<16xf32> to vector<16xf32>
    tpu.vector_store %arg4[%swap3A_96], %swap3A_99 {strides = array<i32>} : memref<640xf32, #tpu.memory_space<vmem>>, vector<16xf32>,
    %broadcast_in_dim3A_100 = arith.constant 0.000000e+00 : f32
    %broadcast_in_dim3A_101 = vector.broadcast %broadcast_in_dim3A_100 : f32 to vector<16xf32>
    %swap3A_102 = arith.constant 272 : index
    %swap3A_103 = tpu.vector_load %arg4[%swap3A_102] {strides = array<i32>} : memref<640xf32, #tpu.memory_space<vmem>>, vector<16xf32>,
    %swap3A_104 = vector.shape_cast %swap3A_103 : vector<16xf32> to vector<16xf32>
    %swap3A_105 = vector.shape_cast %broadcast_in_dim3A_101 : vector<16xf32> to vector<16xf32>
    tpu.vector_store %arg4[%swap3A_102], %swap3A_105 {strides = array<i32>} : memref<640xf32, #tpu.memory_space<vmem>>, vector<16xf32>,
    %broadcast_in_dim3A_106 = arith.constant 0.000000e+00 : f32
    %broadcast_in_dim3A_107 = vector.broadcast %broadcast_in_dim3A_106 : f32 to vector<16xf32>
    %swap3A_108 = arith.constant 288 : index
    %swap3A_109 = tpu.vector_load %arg4[%swap3A_108] {strides = array<i32>} : memref<640xf32, #tpu.memory_space<vmem>>, vector<16xf32>,
    %swap3A_110 = vector.shape_cast %swap3A_109 : vector<16xf32> to vector<16xf32>
    %swap3A_111 = vector.shape_cast %broadcast_in_dim3A_107 : vector<16xf32> to vector<16xf32>
    tpu.vector_store %arg4[%swap3A_108], %swap3A_111 {strides = array<i32>} : memref<640xf32, #tpu.memory_space<vmem>>, vector<16xf32>,
    %broadcast_in_dim3A_112 = arith.constant 0.000000e+00 : f32
    %broadcast_in_dim3A_113 = vector.broadcast %broadcast_in_dim3A_112 : f32 to vector<16xf32>
    %swap3A_114 = arith.constant 304 : index
    %swap3A_115 = tpu.vector_load %arg4[%swap3A_114] {strides = array<i32>} : memref<640xf32, #tpu.memory_space<vmem>>, vector<16xf32>,
    %swap3A_116 = vector.shape_cast %swap3A_115 : vector<16xf32> to vector<16xf32>
    %swap3A_117 = vector.shape_cast %broadcast_in_dim3A_113 : vector<16xf32> to vector<16xf32>
    tpu.vector_store %arg4[%swap3A_114], %swap3A_117 {strides = array<i32>} : memref<640xf32, #tpu.memory_space<vmem>>, vector<16xf32>,
    %broadcast_in_dim3A_118 = arith.constant 0.000000e+00 : f32
    %broadcast_in_dim3A_119 = vector.broadcast %broadcast_in_dim3A_118 : f32 to vector<16xf32>
    %swap3A_120 = arith.constant 320 : index
    %swap3A_121 = tpu.vector_load %arg4[%swap3A_120] {strides = array<i32>} : memref<640xf32, #tpu.memory_space<vmem>>, vector<16xf32>,
    %swap3A_122 = vector.shape_cast %swap3A_121 : vector<16xf32> to vector<16xf32>
    %swap3A_123 = vector.shape_cast %broadcast_in_dim3A_119 : vector<16xf32> to vector<16xf32>
    tpu.vector_store %arg4[%swap3A_120], %swap3A_123 {strides = array<i32>} : memref<640xf32, #tpu.memory_space<vmem>>, vector<16xf32>,
    %broadcast_in_dim3A_124 = arith.constant 0.000000e+00 : f32
    %broadcast_in_dim3A_125 = vector.broadcast %broadcast_in_dim3A_124 : f32 to vector<16xf32>
    %swap3A_126 = arith.constant 336 : index
    %swap3A_127 = tpu.vector_load %arg4[%swap3A_126] {strides = array<i32>} : memref<640xf32, #tpu.memory_space<vmem>>, vector<16xf32>,
    %swap3A_128 = vector.shape_cast %swap3A_127 : vector<16xf32> to vector<16xf32>
    %swap3A_129 = vector.shape_cast %broadcast_in_dim3A_125 : vector<16xf32> to vector<16xf32>
    tpu.vector_store %arg4[%swap3A_126], %swap3A_129 {strides = array<i32>} : memref<640xf32, #tpu.memory_space<vmem>>, vector<16xf32>,
    %broadcast_in_dim3A_130 = arith.constant 0.000000e+00 : f32
    %broadcast_in_dim3A_131 = vector.broadcast %broadcast_in_dim3A_130 : f32 to vector<16xf32>
    %swap3A_132 = arith.constant 352 : index
    %swap3A_133 = tpu.vector_load %arg4[%swap3A_132] {strides = array<i32>} : memref<640xf32, #tpu.memory_space<vmem>>, vector<16xf32>,
    %swap3A_134 = vector.shape_cast %swap3A_133 : vector<16xf32> to vector<16xf32>
    %swap3A_135 = vector.shape_cast %broadcast_in_dim3A_131 : vector<16xf32> to vector<16xf32>
    tpu.vector_store %arg4[%swap3A_132], %swap3A_135 {strides = array<i32>} : memref<640xf32, #tpu.memory_space<vmem>>, vector<16xf32>,
    %broadcast_in_dim3A_136 = arith.constant 0.000000e+00 : f32
    %broadcast_in_dim3A_137 = vector.broadcast %broadcast_in_dim3A_136 : f32 to vector<16xf32>
    %swap3A_138 = arith.constant 368 : index
    %swap3A_139 = tpu.vector_load %arg4[%swap3A_138] {strides = array<i32>} : memref<640xf32, #tpu.memory_space<vmem>>, vector<16xf32>,
    %swap3A_140 = vector.shape_cast %swap3A_139 : vector<16xf32> to vector<16xf32>
    %swap3A_141 = vector.shape_cast %broadcast_in_dim3A_137 : vector<16xf32> to vector<16xf32>
    tpu.vector_store %arg4[%swap3A_138], %swap3A_141 {strides = array<i32>} : memref<640xf32, #tpu.memory_space<vmem>>, vector<16xf32>,
    %broadcast_in_dim3A_142 = arith.constant 0.000000e+00 : f32
    %broadcast_in_dim3A_143 = vector.broadcast %broadcast_in_dim3A_142 : f32 to vector<16xf32>
    %swap3A_144 = arith.constant 384 : index
    %swap3A_145 = tpu.vector_load %arg4[%swap3A_144] {strides = array<i32>} : memref<640xf32, #tpu.memory_space<vmem>>, vector<16xf32>,
    %swap3A_146 = vector.shape_cast %swap3A_145 : vector<16xf32> to vector<16xf32>
    %swap3A_147 = vector.shape_cast %broadcast_in_dim3A_143 : vector<16xf32> to vector<16xf32>
    tpu.vector_store %arg4[%swap3A_144], %swap3A_147 {strides = array<i32>} : memref<640xf32, #tpu.memory_space<vmem>>, vector<16xf32>,
    %broadcast_in_dim3A_148 = arith.constant 0.000000e+00 : f32
    %broadcast_in_dim3A_149 = vector.broadcast %broadcast_in_dim3A_148 : f32 to vector<16xf32>
    %swap3A_150 = arith.constant 400 : index
    %swap3A_151 = tpu.vector_load %arg4[%swap3A_150] {strides = array<i32>} : memref<640xf32, #tpu.memory_space<vmem>>, vector<16xf32>,
    %swap3A_152 = vector.shape_cast %swap3A_151 : vector<16xf32> to vector<16xf32>
    %swap3A_153 = vector.shape_cast %broadcast_in_dim3A_149 : vector<16xf32> to vector<16xf32>
    tpu.vector_store %arg4[%swap3A_150], %swap3A_153 {strides = array<i32>} : memref<640xf32, #tpu.memory_space<vmem>>, vector<16xf32>,
    %broadcast_in_dim3A_154 = arith.constant 0.000000e+00 : f32
    %broadcast_in_dim3A_155 = vector.broadcast %broadcast_in_dim3A_154 : f32 to vector<16xf32>
    %swap3A_156 = arith.constant 416 : index
    %swap3A_157 = tpu.vector_load %arg4[%swap3A_156] {strides = array<i32>} : memref<640xf32, #tpu.memory_space<vmem>>, vector<16xf32>,
    %swap3A_158 = vector.shape_cast %swap3A_157 : vector<16xf32> to vector<16xf32>
    %swap3A_159 = vector.shape_cast %broadcast_in_dim3A_155 : vector<16xf32> to vector<16xf32>
    tpu.vector_store %arg4[%swap3A_156], %swap3A_159 {strides = array<i32>} : memref<640xf32, #tpu.memory_space<vmem>>, vector<16xf32>,
    %broadcast_in_dim3A_160 = arith.constant 0.000000e+00 : f32
    %broadcast_in_dim3A_161 = vector.broadcast %broadcast_in_dim3A_160 : f32 to vector<16xf32>
    %swap3A_162 = arith.constant 432 : index
    %swap3A_163 = tpu.vector_load %arg4[%swap3A_162] {strides = array<i32>} : memref<640xf32, #tpu.memory_space<vmem>>, vector<16xf32>,
    %swap3A_164 = vector.shape_cast %swap3A_163 : vector<16xf32> to vector<16xf32>
    %swap3A_165 = vector.shape_cast %broadcast_in_dim3A_161 : vector<16xf32> to vector<16xf32>
    tpu.vector_store %arg4[%swap3A_162], %swap3A_165 {strides = array<i32>} : memref<640xf32, #tpu.memory_space<vmem>>, vector<16xf32>,
    %broadcast_in_dim3A_166 = arith.constant 0.000000e+00 : f32
    %broadcast_in_dim3A_167 = vector.broadcast %broadcast_in_dim3A_166 : f32 to vector<16xf32>
    %swap3A_168 = arith.constant 448 : index
    %swap3A_169 = tpu.vector_load %arg4[%swap3A_168] {strides = array<i32>} : memref<640xf32, #tpu.memory_space<vmem>>, vector<16xf32>,
    %swap3A_170 = vector.shape_cast %swap3A_169 : vector<16xf32> to vector<16xf32>
    %swap3A_171 = vector.shape_cast %broadcast_in_dim3A_167 : vector<16xf32> to vector<16xf32>
    tpu.vector_store %arg4[%swap3A_168], %swap3A_171 {strides = array<i32>} : memref<640xf32, #tpu.memory_space<vmem>>, vector<16xf32>,
    %broadcast_in_dim3A_172 = arith.constant 0.000000e+00 : f32
    %broadcast_in_dim3A_173 = vector.broadcast %broadcast_in_dim3A_172 : f32 to vector<16xf32>
    %swap3A_174 = arith.constant 464 : index
    %swap3A_175 = tpu.vector_load %arg4[%swap3A_174] {strides = array<i32>} : memref<640xf32, #tpu.memory_space<vmem>>, vector<16xf32>,
    %swap3A_176 = vector.shape_cast %swap3A_175 : vector<16xf32> to vector<16xf32>
    %swap3A_177 = vector.shape_cast %broadcast_in_dim3A_173 : vector<16xf32> to vector<16xf32>
    tpu.vector_store %arg4[%swap3A_174], %swap3A_177 {strides = array<i32>} : memref<640xf32, #tpu.memory_space<vmem>>, vector<16xf32>,
    %broadcast_in_dim3A_178 = arith.constant 0.000000e+00 : f32
    %broadcast_in_dim3A_179 = vector.broadcast %broadcast_in_dim3A_178 : f32 to vector<16xf32>
    %swap3A_180 = arith.constant 480 : index
    %swap3A_181 = tpu.vector_load %arg4[%swap3A_180] {strides = array<i32>} : memref<640xf32, #tpu.memory_space<vmem>>, vector<16xf32>,
    %swap3A_182 = vector.shape_cast %swap3A_181 : vector<16xf32> to vector<16xf32>
    %swap3A_183 = vector.shape_cast %broadcast_in_dim3A_179 : vector<16xf32> to vector<16xf32>
    tpu.vector_store %arg4[%swap3A_180], %swap3A_183 {strides = array<i32>} : memref<640xf32, #tpu.memory_space<vmem>>, vector<16xf32>,
    %broadcast_in_dim3A_184 = arith.constant 0.000000e+00 : f32
    %broadcast_in_dim3A_185 = vector.broadcast %broadcast_in_dim3A_184 : f32 to vector<16xf32>
    %swap3A_186 = arith.constant 496 : index
    %swap3A_187 = tpu.vector_load %arg4[%swap3A_186] {strides = array<i32>} : memref<640xf32, #tpu.memory_space<vmem>>, vector<16xf32>,
    %swap3A_188 = vector.shape_cast %swap3A_187 : vector<16xf32> to vector<16xf32>
    %swap3A_189 = vector.shape_cast %broadcast_in_dim3A_185 : vector<16xf32> to vector<16xf32>
    tpu.vector_store %arg4[%swap3A_186], %swap3A_189 {strides = array<i32>} : memref<640xf32, #tpu.memory_space<vmem>>, vector<16xf32>,
    %broadcast_in_dim3A_190 = arith.constant 0.000000e+00 : f32
    %broadcast_in_dim3A_191 = vector.broadcast %broadcast_in_dim3A_190 : f32 to vector<16xf32>
    %swap3A_192 = arith.constant 512 : index
    %swap3A_193 = tpu.vector_load %arg4[%swap3A_192] {strides = array<i32>} : memref<640xf32, #tpu.memory_space<vmem>>, vector<16xf32>,
    %swap3A_194 = vector.shape_cast %swap3A_193 : vector<16xf32> to vector<16xf32>
    %swap3A_195 = vector.shape_cast %broadcast_in_dim3A_191 : vector<16xf32> to vector<16xf32>
    tpu.vector_store %arg4[%swap3A_192], %swap3A_195 {strides = array<i32>} : memref<640xf32, #tpu.memory_space<vmem>>, vector<16xf32>,
    %broadcast_in_dim3A_196 = arith.constant 0.000000e+00 : f32
    %broadcast_in_dim3A_197 = vector.broadcast %broadcast_in_dim3A_196 : f32 to vector<16xf32>
    %swap3A_198 = arith.constant 528 : index
    %swap3A_199 = tpu.vector_load %arg4[%swap3A_198] {strides = array<i32>} : memref<640xf32, #tpu.memory_space<vmem>>, vector<16xf32>,
    %swap3A_200 = vector.shape_cast %swap3A_199 : vector<16xf32> to vector<16xf32>
    %swap3A_201 = vector.shape_cast %broadcast_in_dim3A_197 : vector<16xf32> to vector<16xf32>
    tpu.vector_store %arg4[%swap3A_198], %swap3A_201 {strides = array<i32>} : memref<640xf32, #tpu.memory_space<vmem>>, vector<16xf32>,
    %broadcast_in_dim3A_202 = arith.constant 0.000000e+00 : f32
    %broadcast_in_dim3A_203 = vector.broadcast %broadcast_in_dim3A_202 : f32 to vector<16xf32>
    %swap3A_204 = arith.constant 544 : index
    %swap3A_205 = tpu.vector_load %arg4[%swap3A_204] {strides = array<i32>} : memref<640xf32, #tpu.memory_space<vmem>>, vector<16xf32>,
    %swap3A_206 = vector.shape_cast %swap3A_205 : vector<16xf32> to vector<16xf32>
    %swap3A_207 = vector.shape_cast %broadcast_in_dim3A_203 : vector<16xf32> to vector<16xf32>
    tpu.vector_store %arg4[%swap3A_204], %swap3A_207 {strides = array<i32>} : memref<640xf32, #tpu.memory_space<vmem>>, vector<16xf32>,
    %broadcast_in_dim3A_208 = arith.constant 0.000000e+00 : f32
    %broadcast_in_dim3A_209 = vector.broadcast %broadcast_in_dim3A_208 : f32 to vector<16xf32>
    %swap3A_210 = arith.constant 560 : index
    %swap3A_211 = tpu.vector_load %arg4[%swap3A_210] {strides = array<i32>} : memref<640xf32, #tpu.memory_space<vmem>>, vector<16xf32>,
    %swap3A_212 = vector.shape_cast %swap3A_211 : vector<16xf32> to vector<16xf32>
    %swap3A_213 = vector.shape_cast %broadcast_in_dim3A_209 : vector<16xf32> to vector<16xf32>
    tpu.vector_store %arg4[%swap3A_210], %swap3A_213 {strides = array<i32>} : memref<640xf32, #tpu.memory_space<vmem>>, vector<16xf32>,
    %broadcast_in_dim3A_214 = arith.constant 0.000000e+00 : f32
    %broadcast_in_dim3A_215 = vector.broadcast %broadcast_in_dim3A_214 : f32 to vector<16xf32>
    %swap3A_216 = arith.constant 576 : index
    %swap3A_217 = tpu.vector_load %arg4[%swap3A_216] {strides = array<i32>} : memref<640xf32, #tpu.memory_space<vmem>>, vector<16xf32>,
    %swap3A_218 = vector.shape_cast %swap3A_217 : vector<16xf32> to vector<16xf32>
    %swap3A_219 = vector.shape_cast %broadcast_in_dim3A_215 : vector<16xf32> to vector<16xf32>
    tpu.vector_store %arg4[%swap3A_216], %swap3A_219 {strides = array<i32>} : memref<640xf32, #tpu.memory_space<vmem>>, vector<16xf32>,
    %broadcast_in_dim3A_220 = arith.constant 0.000000e+00 : f32
    %broadcast_in_dim3A_221 = vector.broadcast %broadcast_in_dim3A_220 : f32 to vector<16xf32>
    %swap3A_222 = arith.constant 592 : index
    %swap3A_223 = tpu.vector_load %arg4[%swap3A_222] {strides = array<i32>} : memref<640xf32, #tpu.memory_space<vmem>>, vector<16xf32>,
    %swap3A_224 = vector.shape_cast %swap3A_223 : vector<16xf32> to vector<16xf32>
    %swap3A_225 = vector.shape_cast %broadcast_in_dim3A_221 : vector<16xf32> to vector<16xf32>
    tpu.vector_store %arg4[%swap3A_222], %swap3A_225 {strides = array<i32>} : memref<640xf32, #tpu.memory_space<vmem>>, vector<16xf32>,
    %broadcast_in_dim3A_226 = arith.constant 0.000000e+00 : f32
    %broadcast_in_dim3A_227 = vector.broadcast %broadcast_in_dim3A_226 : f32 to vector<16xf32>
    %swap3A_228 = arith.constant 608 : index
    %swap3A_229 = tpu.vector_load %arg4[%swap3A_228] {strides = array<i32>} : memref<640xf32, #tpu.memory_space<vmem>>, vector<16xf32>,
    %swap3A_230 = vector.shape_cast %swap3A_229 : vector<16xf32> to vector<16xf32>
    %swap3A_231 = vector.shape_cast %broadcast_in_dim3A_227 : vector<16xf32> to vector<16xf32>
    tpu.vector_store %arg4[%swap3A_228], %swap3A_231 {strides = array<i32>} : memref<640xf32, #tpu.memory_space<vmem>>, vector<16xf32>,
    %broadcast_in_dim3A_232 = arith.constant 0.000000e+00 : f32
    %broadcast_in_dim3A_233 = vector.broadcast %broadcast_in_dim3A_232 : f32 to vector<16xf32>
    %swap3A_234 = arith.constant 624 : index
    %swap3A_235 = tpu.vector_load %arg4[%swap3A_234] {strides = array<i32>} : memref<640xf32, #tpu.memory_space<vmem>>, vector<16xf32>,
    %swap3A_236 = vector.shape_cast %swap3A_235 : vector<16xf32> to vector<16xf32>
    %swap3A_237 = vector.shape_cast %broadcast_in_dim3A_233 : vector<16xf32> to vector<16xf32>
    tpu.vector_store %arg4[%swap3A_234], %swap3A_237 {strides = array<i32>} : memref<640xf32, #tpu.memory_space<vmem>>, vector<16xf32>,
    %broadcast_in_dim3A_238 = arith.constant 1.000000e+00 : f32
    %broadcast_in_dim3A_239 = vector.broadcast %broadcast_in_dim3A_238 : f32 to vector<16xf32>
    %swap3A_240 = arith.constant 0 : index
    %swap3A_241 = tpu.vector_load %arg5[%swap3A_240] {strides = array<i32>} : memref<128xf32, #tpu.memory_space<vmem>>, vector<16xf32>,
    %swap3A_242 = vector.shape_cast %swap3A_241 : vector<16xf32> to vector<16xf32>
    %swap3A_243 = vector.shape_cast %broadcast_in_dim3A_239 : vector<16xf32> to vector<16xf32>
    tpu.vector_store %arg5[%swap3A_240], %swap3A_243 {strides = array<i32>} : memref<128xf32, #tpu.memory_space<vmem>>, vector<16xf32>,
    %broadcast_in_dim3A_244 = arith.constant 1.000000e+00 : f32
    %broadcast_in_dim3A_245 = vector.broadcast %broadcast_in_dim3A_244 : f32 to vector<16xf32>
    %swap3A_246 = arith.constant 16 : index
    %swap3A_247 = tpu.vector_load %arg5[%swap3A_246] {strides = array<i32>} : memref<128xf32, #tpu.memory_space<vmem>>, vector<16xf32>,
    %swap3A_248 = vector.shape_cast %swap3A_247 : vector<16xf32> to vector<16xf32>
    %swap3A_249 = vector.shape_cast %broadcast_in_dim3A_245 : vector<16xf32> to vector<16xf32>
    tpu.vector_store %arg5[%swap3A_246], %swap3A_249 {strides = array<i32>} : memref<128xf32, #tpu.memory_space<vmem>>, vector<16xf32>,
    %broadcast_in_dim3A_250 = arith.constant 1.000000e+00 : f32
    %broadcast_in_dim3A_251 = vector.broadcast %broadcast_in_dim3A_250 : f32 to vector<16xf32>
    %swap3A_252 = arith.constant 32 : index
    %swap3A_253 = tpu.vector_load %arg5[%swap3A_252] {strides = array<i32>} : memref<128xf32, #tpu.memory_space<vmem>>, vector<16xf32>,
    %swap3A_254 = vector.shape_cast %swap3A_253 : vector<16xf32> to vector<16xf32>
    %swap3A_255 = vector.shape_cast %broadcast_in_dim3A_251 : vector<16xf32> to vector<16xf32>
    tpu.vector_store %arg5[%swap3A_252], %swap3A_255 {strides = array<i32>} : memref<128xf32, #tpu.memory_space<vmem>>, vector<16xf32>,
    %broadcast_in_dim3A_256 = arith.constant 1.000000e+00 : f32
    %broadcast_in_dim3A_257 = vector.broadcast %broadcast_in_dim3A_256 : f32 to vector<16xf32>
    %swap3A_258 = arith.constant 48 : index
    %swap3A_259 = tpu.vector_load %arg5[%swap3A_258] {strides = array<i32>} : memref<128xf32, #tpu.memory_space<vmem>>, vector<16xf32>,
    %swap3A_260 = vector.shape_cast %swap3A_259 : vector<16xf32> to vector<16xf32>
    %swap3A_261 = vector.shape_cast %broadcast_in_dim3A_257 : vector<16xf32> to vector<16xf32>
    tpu.vector_store %arg5[%swap3A_258], %swap3A_261 {strides = array<i32>} : memref<128xf32, #tpu.memory_space<vmem>>, vector<16xf32>,
    %broadcast_in_dim3A_262 = arith.constant 1.000000e+00 : f32
    %broadcast_in_dim3A_263 = vector.broadcast %broadcast_in_dim3A_262 : f32 to vector<16xf32>
    %swap3A_264 = arith.constant 64 : index
    %swap3A_265 = tpu.vector_load %arg5[%swap3A_264] {strides = array<i32>} : memref<128xf32, #tpu.memory_space<vmem>>, vector<16xf32>,
    %swap3A_266 = vector.shape_cast %swap3A_265 : vector<16xf32> to vector<16xf32>
    %swap3A_267 = vector.shape_cast %broadcast_in_dim3A_263 : vector<16xf32> to vector<16xf32>
    tpu.vector_store %arg5[%swap3A_264], %swap3A_267 {strides = array<i32>} : memref<128xf32, #tpu.memory_space<vmem>>, vector<16xf32>,
    %broadcast_in_dim3A_268 = arith.constant 1.000000e+00 : f32
    %broadcast_in_dim3A_269 = vector.broadcast %broadcast_in_dim3A_268 : f32 to vector<16xf32>
    %swap3A_270 = arith.constant 80 : index
    %swap3A_271 = tpu.vector_load %arg5[%swap3A_270] {strides = array<i32>} : memref<128xf32, #tpu.memory_space<vmem>>, vector<16xf32>,
    %swap3A_272 = vector.shape_cast %swap3A_271 : vector<16xf32> to vector<16xf32>
    %swap3A_273 = vector.shape_cast %broadcast_in_dim3A_269 : vector<16xf32> to vector<16xf32>
    tpu.vector_store %arg5[%swap3A_270], %swap3A_273 {strides = array<i32>} : memref<128xf32, #tpu.memory_space<vmem>>, vector<16xf32>,
    %broadcast_in_dim3A_274 = arith.constant 1.000000e+00 : f32
    %broadcast_in_dim3A_275 = vector.broadcast %broadcast_in_dim3A_274 : f32 to vector<16xf32>
    %swap3A_276 = arith.constant 96 : index
    %swap3A_277 = tpu.vector_load %arg5[%swap3A_276] {strides = array<i32>} : memref<128xf32, #tpu.memory_space<vmem>>, vector<16xf32>,
    %swap3A_278 = vector.shape_cast %swap3A_277 : vector<16xf32> to vector<16xf32>
    %swap3A_279 = vector.shape_cast %broadcast_in_dim3A_275 : vector<16xf32> to vector<16xf32>
    tpu.vector_store %arg5[%swap3A_276], %swap3A_279 {strides = array<i32>} : memref<128xf32, #tpu.memory_space<vmem>>, vector<16xf32>,
    %broadcast_in_dim3A_280 = arith.constant 1.000000e+00 : f32
    %broadcast_in_dim3A_281 = vector.broadcast %broadcast_in_dim3A_280 : f32 to vector<16xf32>
    %swap3A_282 = arith.constant 112 : index
    %swap3A_283 = tpu.vector_load %arg5[%swap3A_282] {strides = array<i32>} : memref<128xf32, #tpu.memory_space<vmem>>, vector<16xf32>,
    %swap3A_284 = vector.shape_cast %swap3A_283 : vector<16xf32> to vector<16xf32>
    %swap3A_285 = vector.shape_cast %broadcast_in_dim3A_281 : vector<16xf32> to vector<16xf32>
    tpu.vector_store %arg5[%swap3A_282], %swap3A_285 {strides = array<i32>} : memref<128xf32, #tpu.memory_space<vmem>>, vector<16xf32>,
    %mul3A = arith.constant 16 : i32
    %mul3A_286 = arith.muli %arg0, %mul3A : i32
    %add3A = arith.addi %mul3A_286, %arg1 : i32
    %mul3A_287 = arith.constant 40 : i32
    %mul3A_288 = arith.muli %add3A, %mul3A_287 : i32
    %multiple_of3A = tpu.assume_multiple %mul3A_288, 8 : i32
    "tpu.region"() ({
      %run_scoped3A = tpu.sem_alloc : memref<!tpu.dma_semaphore, #tpu.memory_space<semaphore_mem>>
      %dma_start3A = arith.constant 0 : i32
      %dma_start3A_305 = tpu.memref_slice %arg2[%multiple_of3A, %dma_start3A] : memref<1280x128xi32, #tpu.memory_space<hbm>> -> memref<40x128xi32, #tpu.memory_space<hbm>>
      %dma_start3A_306 = arith.constant 0 : i32
      %dma_start3A_307 = tpu.memref_slice %arg2[%multiple_of3A, %dma_start3A_306] : memref<1280x128xi32, #tpu.memory_space<hbm>> -> memref<40x128xi32, #tpu.memory_space<hbm>>
      tpu.enqueue_dma source(%dma_start3A_307 : memref<40x128xi32, #tpu.memory_space<hbm>>) target(%arg6 : memref<40x128xi32, #tpu.memory_space<vmem>>) target_semaphore(%run_scoped3A : memref<!tpu.dma_semaphore, #tpu.memory_space<semaphore_mem>>)
      %dma_wait3A = arith.constant 0 : i32
      %dma_wait3A_308 = tpu.memref_slice %arg2[%multiple_of3A, %dma_wait3A] : memref<1280x128xi32, #tpu.memory_space<hbm>> -> memref<40x128xi32, #tpu.memory_space<hbm>>
      %dma_wait3A_309 = arith.constant 0 : i32
      %dma_wait3A_310 = tpu.memref_slice %arg2[%multiple_of3A, %dma_wait3A_309] : memref<1280x128xi32, #tpu.memory_space<hbm>> -> memref<40x128xi32, #tpu.memory_space<hbm>>
      tpu.wait_dma2 semaphore(%run_scoped3A : memref<!tpu.dma_semaphore, #tpu.memory_space<semaphore_mem>>) src(%dma_wait3A_310 : memref<40x128xi32, #tpu.memory_space<hbm>>) dst(%arg6 : memref<40x128xi32, #tpu.memory_space<vmem>>)
      tpu.yield
    }) : () -> ()
    %mul3A_289 = arith.constant 640 : i32
    %mul3A_290 = arith.muli %arg1, %mul3A_289 : i32
    "tpu.region"() ({
      %run_scoped3A = tpu.sem_alloc : memref<!tpu.dma_semaphore, #tpu.memory_space<semaphore_mem>>
      %dma_start3A = tpu.memref_slice %arg7[%mul3A_290] : memref<10240xf32, #tpu.memory_space<vmem_shared>> -> memref<640xf32, #tpu.memory_space<vmem_shared>>
      %dma_start3A_305 = tpu.memref_slice %arg7[%mul3A_290] : memref<10240xf32, #tpu.memory_space<vmem_shared>> -> memref<640xf32, #tpu.memory_space<vmem_shared>>
      tpu.enqueue_dma source(%arg4 : memref<640xf32, #tpu.memory_space<vmem>>) target(%dma_start3A_305 : memref<640xf32, #tpu.memory_space<vmem_shared>>) target_semaphore(%run_scoped3A : memref<!tpu.dma_semaphore, #tpu.memory_space<semaphore_mem>>)
      %dma_wait3A = tpu.memref_slice %arg7[%mul3A_290] : memref<10240xf32, #tpu.memory_space<vmem_shared>> -> memref<640xf32, #tpu.memory_space<vmem_shared>>
      %dma_wait3A_306 = tpu.memref_slice %arg7[%mul3A_290] : memref<10240xf32, #tpu.memory_space<vmem_shared>> -> memref<640xf32, #tpu.memory_space<vmem_shared>>
      tpu.wait_dma2 semaphore(%run_scoped3A : memref<!tpu.dma_semaphore, #tpu.memory_space<semaphore_mem>>) src(%arg4 : memref<640xf32, #tpu.memory_space<vmem>>) dst(%dma_wait3A_306 : memref<640xf32, #tpu.memory_space<vmem_shared>>)
      tpu.yield
    }) : () -> ()
    %barrier3A = arith.constant 0 : index
    tpu.barrier barrier_id(%barrier3A)
    %scan3A = arith.constant 0 : i32
    %scan3A_291 = arith.constant 0 : i32
    %scan3A_292 = arith.constant 40 : i32
    %scan3A_293 = arith.addi %scan3A_291, %scan3A_292 : i32
    %scan3A_294 = arith.constant 1 : i32
    scf.for %scan3A_305 = %scan3A_291 to %scan3A_293 step %scan3A_294  : i32 {
      "tpu.region"() ({
        %run_scoped3A = tpu.sem_alloc : memref<!tpu.dma_semaphore, #tpu.memory_space<semaphore_mem>>
        %dma_start3A = arith.constant 0 : i32
        %dma_start3A_306 = tpu.memref_slice %arg6[%scan3A_305, %dma_start3A] : memref<40x128xi32, #tpu.memory_space<vmem>> -> memref<1x128xi32, #tpu.memory_space<vmem>>
        %dma_start3A_307 = tpu.memref_squeeze %dma_start3A_306 : memref<1x128xi32, #tpu.memory_space<vmem>> -> memref<128xi32, #tpu.memory_space<vmem>>
        %dma_start3A_308 = arith.constant 0 : i32
        %dma_start3A_309 = tpu.memref_slice %arg7[%dma_start3A_308] : memref<10240xf32, #tpu.memory_space<vmem_shared>> -> memref<10240xf32, #tpu.memory_space<vmem_shared>>
        tpu.enqueue_indirect_dma source(%arg5 : memref<128xf32, #tpu.memory_space<vmem>>) target(%dma_start3A_309 : memref<10240xf32, #tpu.memory_space<vmem_shared>>) offsets(%dma_start3A_307 : memref<128xi32, #tpu.memory_space<vmem>>) semaphore(%run_scoped3A : memref<!tpu.dma_semaphore, #tpu.memory_space<semaphore_mem>>) {add = true}
        %dma_wait3A = arith.constant 0 : i32
        %dma_wait3A_310 = tpu.memref_slice %arg6[%scan3A_305, %dma_wait3A] : memref<40x128xi32, #tpu.memory_space<vmem>> -> memref<1x128xi32, #tpu.memory_space<vmem>>
        %dma_wait3A_311 = tpu.memref_squeeze %dma_wait3A_310 : memref<1x128xi32, #tpu.memory_space<vmem>> -> memref<128xi32, #tpu.memory_space<vmem>>
        %dma_wait3A_312 = arith.constant 0 : i32
        %dma_wait3A_313 = tpu.memref_slice %arg7[%dma_wait3A_312] : memref<10240xf32, #tpu.memory_space<vmem_shared>> -> memref<10240xf32, #tpu.memory_space<vmem_shared>>
        tpu.wait_indirect_dma semaphore(%run_scoped3A : memref<!tpu.dma_semaphore, #tpu.memory_space<semaphore_mem>>) src(%arg5 : memref<128xf32, #tpu.memory_space<vmem>>) dst(%dma_wait3A_313 : memref<10240xf32, #tpu.memory_space<vmem_shared>>)
        tpu.yield
      }) : () -> ()
    }
    %scan3A_295 = arith.constant 40 : i32
    %barrier3A_296 = arith.constant 0 : index
    tpu.barrier barrier_id(%barrier3A_296)
    %mul3A_297 = arith.constant 640 : i32
    %mul3A_298 = arith.muli %arg1, %mul3A_297 : i32
    "tpu.region"() ({
      %run_scoped3A = tpu.sem_alloc : memref<!tpu.dma_semaphore, #tpu.memory_space<semaphore_mem>>
      %dma_start3A = tpu.memref_slice %arg7[%mul3A_298] : memref<10240xf32, #tpu.memory_space<vmem_shared>> -> memref<640xf32, #tpu.memory_space<vmem_shared>>
      %dma_start3A_305 = tpu.memref_slice %arg7[%mul3A_298] : memref<10240xf32, #tpu.memory_space<vmem_shared>> -> memref<640xf32, #tpu.memory_space<vmem_shared>>
      tpu.enqueue_dma source(%dma_start3A_305 : memref<640xf32, #tpu.memory_space<vmem_shared>>) target(%arg4 : memref<640xf32, #tpu.memory_space<vmem>>) target_semaphore(%run_scoped3A : memref<!tpu.dma_semaphore, #tpu.memory_space<semaphore_mem>>)
      %dma_wait3A = tpu.memref_slice %arg7[%mul3A_298] : memref<10240xf32, #tpu.memory_space<vmem_shared>> -> memref<640xf32, #tpu.memory_space<vmem_shared>>
      %dma_wait3A_306 = tpu.memref_slice %arg7[%mul3A_298] : memref<10240xf32, #tpu.memory_space<vmem_shared>> -> memref<640xf32, #tpu.memory_space<vmem_shared>>
      tpu.wait_dma2 semaphore(%run_scoped3A : memref<!tpu.dma_semaphore, #tpu.memory_space<semaphore_mem>>) src(%dma_wait3A_306 : memref<640xf32, #tpu.memory_space<vmem_shared>>) dst(%arg4 : memref<640xf32, #tpu.memory_space<vmem>>)
      tpu.yield
    }) : () -> ()
    %mul3A_299 = arith.constant 10240 : i32
    %mul3A_300 = arith.muli %arg0, %mul3A_299 : i32
    %mul3A_301 = arith.constant 640 : i32
    %mul3A_302 = arith.muli %arg1, %mul3A_301 : i32
    %add3A_303 = arith.addi %mul3A_300, %mul3A_302 : i32
    %multiple_of3A_304 = tpu.assume_multiple %add3A_303, 8 : i32
    "tpu.region"() ({
      %run_scoped3A = tpu.sem_alloc : memref<!tpu.dma_semaphore, #tpu.memory_space<semaphore_mem>>
      %dma_start3A = tpu.memref_slice %arg3[%multiple_of3A_304] : memref<20480xf32, #tpu.memory_space<hbm>> -> memref<640xf32, #tpu.memory_space<hbm>>
      %dma_start3A_305 = tpu.memref_slice %arg3[%multiple_of3A_304] : memref<20480xf32, #tpu.memory_space<hbm>> -> memref<640xf32, #tpu.memory_space<hbm>>
      tpu.enqueue_dma source(%arg4 : memref<640xf32, #tpu.memory_space<vmem>>) target(%dma_start3A_305 : memref<640xf32, #tpu.memory_space<hbm>>) target_semaphore(%run_scoped3A : memref<!tpu.dma_semaphore, #tpu.memory_space<semaphore_mem>>)
      %dma_wait3A = tpu.memref_slice %arg3[%multiple_of3A_304] : memref<20480xf32, #tpu.memory_space<hbm>> -> memref<640xf32, #tpu.memory_space<hbm>>
      %dma_wait3A_306 = tpu.memref_slice %arg3[%multiple_of3A_304] : memref<20480xf32, #tpu.memory_space<hbm>> -> memref<640xf32, #tpu.memory_space<hbm>>
      tpu.wait_dma2 semaphore(%run_scoped3A : memref<!tpu.dma_semaphore, #tpu.memory_space<semaphore_mem>>) src(%arg4 : memref<640xf32, #tpu.memory_space<vmem>>) dst(%dma_wait3A_306 : memref<640xf32, #tpu.memory_space<hbm>>)
      tpu.yield
    }) : () -> ()
    return
  }
}

#map = affine_map<(d0, d1) -> (0, 0)>
#map1 = affine_map<(d0, d1) -> (0)>
module attributes {stable_mosaic.version = 14 : i64} {
  func.func @agg(%arg0: i32, %arg1: i32, %arg2: memref<20000x128xf32, #tpu.memory_space<hbm>>, %arg3: memref<160000xi32, #tpu.memory_space<hbm>>, %arg4: memref<160000xi32, #tpu.memory_space<hbm>>, %arg5: memref<128x128xf32, #tpu.memory_space<hbm>>, %arg6: memref<20480x128xf32, #tpu.memory_space<hbm>>, %arg7: memref<128xi32, #tpu.memory_space<vmem>>, %arg8: memref<128xi32, #tpu.memory_space<vmem>>, %arg9: memref<16xi32, #tpu.memory_space<vmem>>, %arg10: memref<16xi32, #tpu.memory_space<vmem>>, %arg11: memref<128x128xf32, #tpu.memory_space<vmem>>, %arg12: memref<16x128xf32, #tpu.memory_space<vmem>>, %arg13: memref<10240x128xf32, #tpu.memory_space<vmem_shared>>, %arg14: memref<!tpu.dma_semaphore, #tpu.memory_space<semaphore_mem>>) attributes {dimension_semantics = [#tpu.dimension_semantics<core_parallel>, #tpu.dimension_semantics<subcore_parallel>], iteration_bounds = array<i64: 2, 16>, scalar_prefetch = 0 : i64, scratch_operands = 8 : i64, tpu.core_type = #tpu.core_type<sc_vector_subcore>, window_params = [{transform_indices = #map}, {transform_indices = #map1}, {transform_indices = #map1}, {transform_indices = #map}, {transform_indices = #map}]} {
    %mul3A = arith.constant 10000 : i32
    %mul3A_0 = arith.muli %arg0, %mul3A : i32
    %mul3A_1 = arith.constant 640 : i32
    %mul3A_2 = arith.muli %arg1, %mul3A_1 : i32
    "tpu.region"() ({
      %run_scoped3A = tpu.sem_alloc : memref<!tpu.dma_semaphore, #tpu.memory_space<semaphore_mem>>
      tpu.enqueue_dma source(%arg5 : memref<128x128xf32, #tpu.memory_space<hbm>>) target(%arg11 : memref<128x128xf32, #tpu.memory_space<vmem>>) target_semaphore(%run_scoped3A : memref<!tpu.dma_semaphore, #tpu.memory_space<semaphore_mem>>)
      tpu.wait_dma2 semaphore(%run_scoped3A : memref<!tpu.dma_semaphore, #tpu.memory_space<semaphore_mem>>) src(%arg5 : memref<128x128xf32, #tpu.memory_space<hbm>>) dst(%arg11 : memref<128x128xf32, #tpu.memory_space<vmem>>)
      tpu.yield
    }) : () -> ()
    %add3A = arith.constant 0 : i32
    %add3A_3 = arith.addi %mul3A_2, %add3A : i32
    "tpu.region"() ({
      %run_scoped3A = tpu.sem_alloc : memref<!tpu.dma_semaphore, #tpu.memory_space<semaphore_mem>>
      %dma_start3A_65 = arith.constant 0 : i32
      %dma_start3A_66 = arith.constant 0 : i32
      %dma_start3A_67 = tpu.memref_slice %arg11[%dma_start3A_65, %dma_start3A_66] : memref<128x128xf32, #tpu.memory_space<vmem>> -> memref<128x128xf32, #tpu.memory_space<vmem>>
      %dma_start3A_68 = arith.constant 0 : i32
      %dma_start3A_69 = tpu.memref_slice %arg13[%add3A_3, %dma_start3A_68] : memref<10240x128xf32, #tpu.memory_space<vmem_shared>> -> memref<128x128xf32, #tpu.memory_space<vmem_shared>>
      %dma_start3A_70 = arith.constant 0 : i32
      %dma_start3A_71 = tpu.memref_slice %arg13[%add3A_3, %dma_start3A_70] : memref<10240x128xf32, #tpu.memory_space<vmem_shared>> -> memref<128x128xf32, #tpu.memory_space<vmem_shared>>
      %dma_start3A_72 = arith.constant 0 : i32
      %dma_start3A_73 = arith.constant 0 : i32
      %dma_start3A_74 = tpu.memref_slice %arg11[%dma_start3A_72, %dma_start3A_73] : memref<128x128xf32, #tpu.memory_space<vmem>> -> memref<128x128xf32, #tpu.memory_space<vmem>>
      tpu.enqueue_dma source(%dma_start3A_74 : memref<128x128xf32, #tpu.memory_space<vmem>>) target(%dma_start3A_71 : memref<128x128xf32, #tpu.memory_space<vmem_shared>>) target_semaphore(%run_scoped3A : memref<!tpu.dma_semaphore, #tpu.memory_space<semaphore_mem>>)
      %dma_wait3A_75 = arith.constant 0 : i32
      %dma_wait3A_76 = arith.constant 0 : i32
      %dma_wait3A_77 = tpu.memref_slice %arg11[%dma_wait3A_75, %dma_wait3A_76] : memref<128x128xf32, #tpu.memory_space<vmem>> -> memref<128x128xf32, #tpu.memory_space<vmem>>
      %dma_wait3A_78 = arith.constant 0 : i32
      %dma_wait3A_79 = tpu.memref_slice %arg13[%add3A_3, %dma_wait3A_78] : memref<10240x128xf32, #tpu.memory_space<vmem_shared>> -> memref<128x128xf32, #tpu.memory_space<vmem_shared>>
      %dma_wait3A_80 = arith.constant 0 : i32
      %dma_wait3A_81 = tpu.memref_slice %arg13[%add3A_3, %dma_wait3A_80] : memref<10240x128xf32, #tpu.memory_space<vmem_shared>> -> memref<128x128xf32, #tpu.memory_space<vmem_shared>>
      %dma_wait3A_82 = arith.constant 0 : i32
      %dma_wait3A_83 = arith.constant 0 : i32
      %dma_wait3A_84 = tpu.memref_slice %arg11[%dma_wait3A_82, %dma_wait3A_83] : memref<128x128xf32, #tpu.memory_space<vmem>> -> memref<128x128xf32, #tpu.memory_space<vmem>>
      tpu.wait_dma2 semaphore(%run_scoped3A : memref<!tpu.dma_semaphore, #tpu.memory_space<semaphore_mem>>) src(%dma_wait3A_84 : memref<128x128xf32, #tpu.memory_space<vmem>>) dst(%dma_wait3A_81 : memref<128x128xf32, #tpu.memory_space<vmem_shared>>)
      tpu.yield
    }) : () -> ()
    %add3A_4 = arith.constant 128 : i32
    %add3A_5 = arith.addi %mul3A_2, %add3A_4 : i32
    "tpu.region"() ({
      %run_scoped3A = tpu.sem_alloc : memref<!tpu.dma_semaphore, #tpu.memory_space<semaphore_mem>>
      %dma_start3A_65 = arith.constant 0 : i32
      %dma_start3A_66 = arith.constant 0 : i32
      %dma_start3A_67 = tpu.memref_slice %arg11[%dma_start3A_65, %dma_start3A_66] : memref<128x128xf32, #tpu.memory_space<vmem>> -> memref<128x128xf32, #tpu.memory_space<vmem>>
      %dma_start3A_68 = arith.constant 0 : i32
      %dma_start3A_69 = tpu.memref_slice %arg13[%add3A_5, %dma_start3A_68] : memref<10240x128xf32, #tpu.memory_space<vmem_shared>> -> memref<128x128xf32, #tpu.memory_space<vmem_shared>>
      %dma_start3A_70 = arith.constant 0 : i32
      %dma_start3A_71 = tpu.memref_slice %arg13[%add3A_5, %dma_start3A_70] : memref<10240x128xf32, #tpu.memory_space<vmem_shared>> -> memref<128x128xf32, #tpu.memory_space<vmem_shared>>
      %dma_start3A_72 = arith.constant 0 : i32
      %dma_start3A_73 = arith.constant 0 : i32
      %dma_start3A_74 = tpu.memref_slice %arg11[%dma_start3A_72, %dma_start3A_73] : memref<128x128xf32, #tpu.memory_space<vmem>> -> memref<128x128xf32, #tpu.memory_space<vmem>>
      tpu.enqueue_dma source(%dma_start3A_74 : memref<128x128xf32, #tpu.memory_space<vmem>>) target(%dma_start3A_71 : memref<128x128xf32, #tpu.memory_space<vmem_shared>>) target_semaphore(%run_scoped3A : memref<!tpu.dma_semaphore, #tpu.memory_space<semaphore_mem>>)
      %dma_wait3A_75 = arith.constant 0 : i32
      %dma_wait3A_76 = arith.constant 0 : i32
      %dma_wait3A_77 = tpu.memref_slice %arg11[%dma_wait3A_75, %dma_wait3A_76] : memref<128x128xf32, #tpu.memory_space<vmem>> -> memref<128x128xf32, #tpu.memory_space<vmem>>
      %dma_wait3A_78 = arith.constant 0 : i32
      %dma_wait3A_79 = tpu.memref_slice %arg13[%add3A_5, %dma_wait3A_78] : memref<10240x128xf32, #tpu.memory_space<vmem_shared>> -> memref<128x128xf32, #tpu.memory_space<vmem_shared>>
      %dma_wait3A_80 = arith.constant 0 : i32
      %dma_wait3A_81 = tpu.memref_slice %arg13[%add3A_5, %dma_wait3A_80] : memref<10240x128xf32, #tpu.memory_space<vmem_shared>> -> memref<128x128xf32, #tpu.memory_space<vmem_shared>>
      %dma_wait3A_82 = arith.constant 0 : i32
      %dma_wait3A_83 = arith.constant 0 : i32
      %dma_wait3A_84 = tpu.memref_slice %arg11[%dma_wait3A_82, %dma_wait3A_83] : memref<128x128xf32, #tpu.memory_space<vmem>> -> memref<128x128xf32, #tpu.memory_space<vmem>>
      tpu.wait_dma2 semaphore(%run_scoped3A : memref<!tpu.dma_semaphore, #tpu.memory_space<semaphore_mem>>) src(%dma_wait3A_84 : memref<128x128xf32, #tpu.memory_space<vmem>>) dst(%dma_wait3A_81 : memref<128x128xf32, #tpu.memory_space<vmem_shared>>)
      tpu.yield
    }) : () -> ()
    %add3A_6 = arith.constant 256 : i32
    %add3A_7 = arith.addi %mul3A_2, %add3A_6 : i32
    "tpu.region"() ({
      %run_scoped3A = tpu.sem_alloc : memref<!tpu.dma_semaphore, #tpu.memory_space<semaphore_mem>>
      %dma_start3A_65 = arith.constant 0 : i32
      %dma_start3A_66 = arith.constant 0 : i32
      %dma_start3A_67 = tpu.memref_slice %arg11[%dma_start3A_65, %dma_start3A_66] : memref<128x128xf32, #tpu.memory_space<vmem>> -> memref<128x128xf32, #tpu.memory_space<vmem>>
      %dma_start3A_68 = arith.constant 0 : i32
      %dma_start3A_69 = tpu.memref_slice %arg13[%add3A_7, %dma_start3A_68] : memref<10240x128xf32, #tpu.memory_space<vmem_shared>> -> memref<128x128xf32, #tpu.memory_space<vmem_shared>>
      %dma_start3A_70 = arith.constant 0 : i32
      %dma_start3A_71 = tpu.memref_slice %arg13[%add3A_7, %dma_start3A_70] : memref<10240x128xf32, #tpu.memory_space<vmem_shared>> -> memref<128x128xf32, #tpu.memory_space<vmem_shared>>
      %dma_start3A_72 = arith.constant 0 : i32
      %dma_start3A_73 = arith.constant 0 : i32
      %dma_start3A_74 = tpu.memref_slice %arg11[%dma_start3A_72, %dma_start3A_73] : memref<128x128xf32, #tpu.memory_space<vmem>> -> memref<128x128xf32, #tpu.memory_space<vmem>>
      tpu.enqueue_dma source(%dma_start3A_74 : memref<128x128xf32, #tpu.memory_space<vmem>>) target(%dma_start3A_71 : memref<128x128xf32, #tpu.memory_space<vmem_shared>>) target_semaphore(%run_scoped3A : memref<!tpu.dma_semaphore, #tpu.memory_space<semaphore_mem>>)
      %dma_wait3A_75 = arith.constant 0 : i32
      %dma_wait3A_76 = arith.constant 0 : i32
      %dma_wait3A_77 = tpu.memref_slice %arg11[%dma_wait3A_75, %dma_wait3A_76] : memref<128x128xf32, #tpu.memory_space<vmem>> -> memref<128x128xf32, #tpu.memory_space<vmem>>
      %dma_wait3A_78 = arith.constant 0 : i32
      %dma_wait3A_79 = tpu.memref_slice %arg13[%add3A_7, %dma_wait3A_78] : memref<10240x128xf32, #tpu.memory_space<vmem_shared>> -> memref<128x128xf32, #tpu.memory_space<vmem_shared>>
      %dma_wait3A_80 = arith.constant 0 : i32
      %dma_wait3A_81 = tpu.memref_slice %arg13[%add3A_7, %dma_wait3A_80] : memref<10240x128xf32, #tpu.memory_space<vmem_shared>> -> memref<128x128xf32, #tpu.memory_space<vmem_shared>>
      %dma_wait3A_82 = arith.constant 0 : i32
      %dma_wait3A_83 = arith.constant 0 : i32
      %dma_wait3A_84 = tpu.memref_slice %arg11[%dma_wait3A_82, %dma_wait3A_83] : memref<128x128xf32, #tpu.memory_space<vmem>> -> memref<128x128xf32, #tpu.memory_space<vmem>>
      tpu.wait_dma2 semaphore(%run_scoped3A : memref<!tpu.dma_semaphore, #tpu.memory_space<semaphore_mem>>) src(%dma_wait3A_84 : memref<128x128xf32, #tpu.memory_space<vmem>>) dst(%dma_wait3A_81 : memref<128x128xf32, #tpu.memory_space<vmem_shared>>)
      tpu.yield
    }) : () -> ()
    %add3A_8 = arith.constant 384 : i32
    %add3A_9 = arith.addi %mul3A_2, %add3A_8 : i32
    "tpu.region"() ({
      %run_scoped3A = tpu.sem_alloc : memref<!tpu.dma_semaphore, #tpu.memory_space<semaphore_mem>>
      %dma_start3A_65 = arith.constant 0 : i32
      %dma_start3A_66 = arith.constant 0 : i32
      %dma_start3A_67 = tpu.memref_slice %arg11[%dma_start3A_65, %dma_start3A_66] : memref<128x128xf32, #tpu.memory_space<vmem>> -> memref<128x128xf32, #tpu.memory_space<vmem>>
      %dma_start3A_68 = arith.constant 0 : i32
      %dma_start3A_69 = tpu.memref_slice %arg13[%add3A_9, %dma_start3A_68] : memref<10240x128xf32, #tpu.memory_space<vmem_shared>> -> memref<128x128xf32, #tpu.memory_space<vmem_shared>>
      %dma_start3A_70 = arith.constant 0 : i32
      %dma_start3A_71 = tpu.memref_slice %arg13[%add3A_9, %dma_start3A_70] : memref<10240x128xf32, #tpu.memory_space<vmem_shared>> -> memref<128x128xf32, #tpu.memory_space<vmem_shared>>
      %dma_start3A_72 = arith.constant 0 : i32
      %dma_start3A_73 = arith.constant 0 : i32
      %dma_start3A_74 = tpu.memref_slice %arg11[%dma_start3A_72, %dma_start3A_73] : memref<128x128xf32, #tpu.memory_space<vmem>> -> memref<128x128xf32, #tpu.memory_space<vmem>>
      tpu.enqueue_dma source(%dma_start3A_74 : memref<128x128xf32, #tpu.memory_space<vmem>>) target(%dma_start3A_71 : memref<128x128xf32, #tpu.memory_space<vmem_shared>>) target_semaphore(%run_scoped3A : memref<!tpu.dma_semaphore, #tpu.memory_space<semaphore_mem>>)
      %dma_wait3A_75 = arith.constant 0 : i32
      %dma_wait3A_76 = arith.constant 0 : i32
      %dma_wait3A_77 = tpu.memref_slice %arg11[%dma_wait3A_75, %dma_wait3A_76] : memref<128x128xf32, #tpu.memory_space<vmem>> -> memref<128x128xf32, #tpu.memory_space<vmem>>
      %dma_wait3A_78 = arith.constant 0 : i32
      %dma_wait3A_79 = tpu.memref_slice %arg13[%add3A_9, %dma_wait3A_78] : memref<10240x128xf32, #tpu.memory_space<vmem_shared>> -> memref<128x128xf32, #tpu.memory_space<vmem_shared>>
      %dma_wait3A_80 = arith.constant 0 : i32
      %dma_wait3A_81 = tpu.memref_slice %arg13[%add3A_9, %dma_wait3A_80] : memref<10240x128xf32, #tpu.memory_space<vmem_shared>> -> memref<128x128xf32, #tpu.memory_space<vmem_shared>>
      %dma_wait3A_82 = arith.constant 0 : i32
      %dma_wait3A_83 = arith.constant 0 : i32
      %dma_wait3A_84 = tpu.memref_slice %arg11[%dma_wait3A_82, %dma_wait3A_83] : memref<128x128xf32, #tpu.memory_space<vmem>> -> memref<128x128xf32, #tpu.memory_space<vmem>>
      tpu.wait_dma2 semaphore(%run_scoped3A : memref<!tpu.dma_semaphore, #tpu.memory_space<semaphore_mem>>) src(%dma_wait3A_84 : memref<128x128xf32, #tpu.memory_space<vmem>>) dst(%dma_wait3A_81 : memref<128x128xf32, #tpu.memory_space<vmem_shared>>)
      tpu.yield
    }) : () -> ()
    %add3A_10 = arith.constant 512 : i32
    %add3A_11 = arith.addi %mul3A_2, %add3A_10 : i32
    "tpu.region"() ({
      %run_scoped3A = tpu.sem_alloc : memref<!tpu.dma_semaphore, #tpu.memory_space<semaphore_mem>>
      %dma_start3A_65 = arith.constant 0 : i32
      %dma_start3A_66 = arith.constant 0 : i32
      %dma_start3A_67 = tpu.memref_slice %arg11[%dma_start3A_65, %dma_start3A_66] : memref<128x128xf32, #tpu.memory_space<vmem>> -> memref<128x128xf32, #tpu.memory_space<vmem>>
      %dma_start3A_68 = arith.constant 0 : i32
      %dma_start3A_69 = tpu.memref_slice %arg13[%add3A_11, %dma_start3A_68] : memref<10240x128xf32, #tpu.memory_space<vmem_shared>> -> memref<128x128xf32, #tpu.memory_space<vmem_shared>>
      %dma_start3A_70 = arith.constant 0 : i32
      %dma_start3A_71 = tpu.memref_slice %arg13[%add3A_11, %dma_start3A_70] : memref<10240x128xf32, #tpu.memory_space<vmem_shared>> -> memref<128x128xf32, #tpu.memory_space<vmem_shared>>
      %dma_start3A_72 = arith.constant 0 : i32
      %dma_start3A_73 = arith.constant 0 : i32
      %dma_start3A_74 = tpu.memref_slice %arg11[%dma_start3A_72, %dma_start3A_73] : memref<128x128xf32, #tpu.memory_space<vmem>> -> memref<128x128xf32, #tpu.memory_space<vmem>>
      tpu.enqueue_dma source(%dma_start3A_74 : memref<128x128xf32, #tpu.memory_space<vmem>>) target(%dma_start3A_71 : memref<128x128xf32, #tpu.memory_space<vmem_shared>>) target_semaphore(%run_scoped3A : memref<!tpu.dma_semaphore, #tpu.memory_space<semaphore_mem>>)
      %dma_wait3A_75 = arith.constant 0 : i32
      %dma_wait3A_76 = arith.constant 0 : i32
      %dma_wait3A_77 = tpu.memref_slice %arg11[%dma_wait3A_75, %dma_wait3A_76] : memref<128x128xf32, #tpu.memory_space<vmem>> -> memref<128x128xf32, #tpu.memory_space<vmem>>
      %dma_wait3A_78 = arith.constant 0 : i32
      %dma_wait3A_79 = tpu.memref_slice %arg13[%add3A_11, %dma_wait3A_78] : memref<10240x128xf32, #tpu.memory_space<vmem_shared>> -> memref<128x128xf32, #tpu.memory_space<vmem_shared>>
      %dma_wait3A_80 = arith.constant 0 : i32
      %dma_wait3A_81 = tpu.memref_slice %arg13[%add3A_11, %dma_wait3A_80] : memref<10240x128xf32, #tpu.memory_space<vmem_shared>> -> memref<128x128xf32, #tpu.memory_space<vmem_shared>>
      %dma_wait3A_82 = arith.constant 0 : i32
      %dma_wait3A_83 = arith.constant 0 : i32
      %dma_wait3A_84 = tpu.memref_slice %arg11[%dma_wait3A_82, %dma_wait3A_83] : memref<128x128xf32, #tpu.memory_space<vmem>> -> memref<128x128xf32, #tpu.memory_space<vmem>>
      tpu.wait_dma2 semaphore(%run_scoped3A : memref<!tpu.dma_semaphore, #tpu.memory_space<semaphore_mem>>) src(%dma_wait3A_84 : memref<128x128xf32, #tpu.memory_space<vmem>>) dst(%dma_wait3A_81 : memref<128x128xf32, #tpu.memory_space<vmem_shared>>)
      tpu.yield
    }) : () -> ()
    %barrier3A = arith.constant 0 : index
    tpu.barrier barrier_id(%barrier3A)
    %mul3A_12 = arith.constant 10000 : i32
    %mul3A_13 = arith.muli %arg1, %mul3A_12 : i32
    %scan3A = arith.constant 0 : i32
    %scan3A_14 = arith.constant 0 : i32
    %scan3A_15 = arith.constant 78 : i32
    %scan3A_16 = arith.addi %scan3A_14, %scan3A_15 : i32
    %scan3A_17 = arith.constant 1 : i32
    scf.for %scan3A_65 = %scan3A_14 to %scan3A_16 step %scan3A_17  : i32 {
      %mul3A_66 = arith.constant 128 : i32
      %mul3A_67 = arith.muli %scan3A_65, %mul3A_66 : i32
      %add3A_68 = arith.addi %mul3A_13, %mul3A_67 : i32
      %multiple_of3A_69 = tpu.assume_multiple %add3A_68, 8 : i32
      "tpu.region"() ({
        %run_scoped3A = tpu.sem_alloc : memref<!tpu.dma_semaphore, #tpu.memory_space<semaphore_mem>>
        %dma_start3A_148 = tpu.memref_slice %arg3[%multiple_of3A_69] : memref<160000xi32, #tpu.memory_space<hbm>> -> memref<128xi32, #tpu.memory_space<hbm>>
        %dma_start3A_149 = tpu.memref_slice %arg3[%multiple_of3A_69] : memref<160000xi32, #tpu.memory_space<hbm>> -> memref<128xi32, #tpu.memory_space<hbm>>
        tpu.enqueue_dma source(%dma_start3A_149 : memref<128xi32, #tpu.memory_space<hbm>>) target(%arg7 : memref<128xi32, #tpu.memory_space<vmem>>) target_semaphore(%run_scoped3A : memref<!tpu.dma_semaphore, #tpu.memory_space<semaphore_mem>>)
        %dma_wait3A_150 = tpu.memref_slice %arg3[%multiple_of3A_69] : memref<160000xi32, #tpu.memory_space<hbm>> -> memref<128xi32, #tpu.memory_space<hbm>>
        %dma_wait3A_151 = tpu.memref_slice %arg3[%multiple_of3A_69] : memref<160000xi32, #tpu.memory_space<hbm>> -> memref<128xi32, #tpu.memory_space<hbm>>
        tpu.wait_dma2 semaphore(%run_scoped3A : memref<!tpu.dma_semaphore, #tpu.memory_space<semaphore_mem>>) src(%dma_wait3A_151 : memref<128xi32, #tpu.memory_space<hbm>>) dst(%arg7 : memref<128xi32, #tpu.memory_space<vmem>>)
        tpu.yield
      }) : () -> ()
      "tpu.region"() ({
        %run_scoped3A = tpu.sem_alloc : memref<!tpu.dma_semaphore, #tpu.memory_space<semaphore_mem>>
        %dma_start3A_148 = tpu.memref_slice %arg4[%multiple_of3A_69] : memref<160000xi32, #tpu.memory_space<hbm>> -> memref<128xi32, #tpu.memory_space<hbm>>
        %dma_start3A_149 = tpu.memref_slice %arg4[%multiple_of3A_69] : memref<160000xi32, #tpu.memory_space<hbm>> -> memref<128xi32, #tpu.memory_space<hbm>>
        tpu.enqueue_dma source(%dma_start3A_149 : memref<128xi32, #tpu.memory_space<hbm>>) target(%arg8 : memref<128xi32, #tpu.memory_space<vmem>>) target_semaphore(%run_scoped3A : memref<!tpu.dma_semaphore, #tpu.memory_space<semaphore_mem>>)
        %dma_wait3A_150 = tpu.memref_slice %arg4[%multiple_of3A_69] : memref<160000xi32, #tpu.memory_space<hbm>> -> memref<128xi32, #tpu.memory_space<hbm>>
        %dma_wait3A_151 = tpu.memref_slice %arg4[%multiple_of3A_69] : memref<160000xi32, #tpu.memory_space<hbm>> -> memref<128xi32, #tpu.memory_space<hbm>>
        tpu.wait_dma2 semaphore(%run_scoped3A : memref<!tpu.dma_semaphore, #tpu.memory_space<semaphore_mem>>) src(%dma_wait3A_151 : memref<128xi32, #tpu.memory_space<hbm>>) dst(%arg8 : memref<128xi32, #tpu.memory_space<vmem>>)
        tpu.yield
      }) : () -> ()
      %get3A_70 = arith.constant 0 : index
      %get3A_71 = tpu.vector_load %arg7[%get3A_70] {strides = array<i32>} : memref<128xi32, #tpu.memory_space<vmem>>, vector<16xi32>,
      %get3A_72 = vector.shape_cast %get3A_71 : vector<16xi32> to vector<16xi32>
      %add3A_73 = vector.broadcast %mul3A_0 : i32 to vector<16xi32>
      %add3A_74 = arith.addi %get3A_72, %add3A_73 : vector<16xi32>
      %swap3A_75 = arith.constant 0 : index
      %swap3A_76 = tpu.vector_load %arg7[%swap3A_75] {strides = array<i32>} : memref<128xi32, #tpu.memory_space<vmem>>, vector<16xi32>,
      %swap3A_77 = vector.shape_cast %swap3A_76 : vector<16xi32> to vector<16xi32>
      %swap3A_78 = vector.shape_cast %add3A_74 : vector<16xi32> to vector<16xi32>
      tpu.vector_store %arg7[%swap3A_75], %swap3A_78 {strides = array<i32>} : memref<128xi32, #tpu.memory_space<vmem>>, vector<16xi32>,
      %get3A_79 = arith.constant 16 : index
      %get3A_80 = tpu.vector_load %arg7[%get3A_79] {strides = array<i32>} : memref<128xi32, #tpu.memory_space<vmem>>, vector<16xi32>,
      %get3A_81 = vector.shape_cast %get3A_80 : vector<16xi32> to vector<16xi32>
      %add3A_82 = vector.broadcast %mul3A_0 : i32 to vector<16xi32>
      %add3A_83 = arith.addi %get3A_81, %add3A_82 : vector<16xi32>
      %swap3A_84 = arith.constant 16 : index
      %swap3A_85 = tpu.vector_load %arg7[%swap3A_84] {strides = array<i32>} : memref<128xi32, #tpu.memory_space<vmem>>, vector<16xi32>,
      %swap3A_86 = vector.shape_cast %swap3A_85 : vector<16xi32> to vector<16xi32>
      %swap3A_87 = vector.shape_cast %add3A_83 : vector<16xi32> to vector<16xi32>
      tpu.vector_store %arg7[%swap3A_84], %swap3A_87 {strides = array<i32>} : memref<128xi32, #tpu.memory_space<vmem>>, vector<16xi32>,
      %get3A_88 = arith.constant 32 : index
      %get3A_89 = tpu.vector_load %arg7[%get3A_88] {strides = array<i32>} : memref<128xi32, #tpu.memory_space<vmem>>, vector<16xi32>,
      %get3A_90 = vector.shape_cast %get3A_89 : vector<16xi32> to vector<16xi32>
      %add3A_91 = vector.broadcast %mul3A_0 : i32 to vector<16xi32>
      %add3A_92 = arith.addi %get3A_90, %add3A_91 : vector<16xi32>
      %swap3A_93 = arith.constant 32 : index
      %swap3A_94 = tpu.vector_load %arg7[%swap3A_93] {strides = array<i32>} : memref<128xi32, #tpu.memory_space<vmem>>, vector<16xi32>,
      %swap3A_95 = vector.shape_cast %swap3A_94 : vector<16xi32> to vector<16xi32>
      %swap3A_96 = vector.shape_cast %add3A_92 : vector<16xi32> to vector<16xi32>
      tpu.vector_store %arg7[%swap3A_93], %swap3A_96 {strides = array<i32>} : memref<128xi32, #tpu.memory_space<vmem>>, vector<16xi32>,
      %get3A_97 = arith.constant 48 : index
      %get3A_98 = tpu.vector_load %arg7[%get3A_97] {strides = array<i32>} : memref<128xi32, #tpu.memory_space<vmem>>, vector<16xi32>,
      %get3A_99 = vector.shape_cast %get3A_98 : vector<16xi32> to vector<16xi32>
      %add3A_100 = vector.broadcast %mul3A_0 : i32 to vector<16xi32>
      %add3A_101 = arith.addi %get3A_99, %add3A_100 : vector<16xi32>
      %swap3A_102 = arith.constant 48 : index
      %swap3A_103 = tpu.vector_load %arg7[%swap3A_102] {strides = array<i32>} : memref<128xi32, #tpu.memory_space<vmem>>, vector<16xi32>,
      %swap3A_104 = vector.shape_cast %swap3A_103 : vector<16xi32> to vector<16xi32>
      %swap3A_105 = vector.shape_cast %add3A_101 : vector<16xi32> to vector<16xi32>
      tpu.vector_store %arg7[%swap3A_102], %swap3A_105 {strides = array<i32>} : memref<128xi32, #tpu.memory_space<vmem>>, vector<16xi32>,
      %get3A_106 = arith.constant 64 : index
      %get3A_107 = tpu.vector_load %arg7[%get3A_106] {strides = array<i32>} : memref<128xi32, #tpu.memory_space<vmem>>, vector<16xi32>,
      %get3A_108 = vector.shape_cast %get3A_107 : vector<16xi32> to vector<16xi32>
      %add3A_109 = vector.broadcast %mul3A_0 : i32 to vector<16xi32>
      %add3A_110 = arith.addi %get3A_108, %add3A_109 : vector<16xi32>
      %swap3A_111 = arith.constant 64 : index
      %swap3A_112 = tpu.vector_load %arg7[%swap3A_111] {strides = array<i32>} : memref<128xi32, #tpu.memory_space<vmem>>, vector<16xi32>,
      %swap3A_113 = vector.shape_cast %swap3A_112 : vector<16xi32> to vector<16xi32>
      %swap3A_114 = vector.shape_cast %add3A_110 : vector<16xi32> to vector<16xi32>
      tpu.vector_store %arg7[%swap3A_111], %swap3A_114 {strides = array<i32>} : memref<128xi32, #tpu.memory_space<vmem>>, vector<16xi32>,
      %get3A_115 = arith.constant 80 : index
      %get3A_116 = tpu.vector_load %arg7[%get3A_115] {strides = array<i32>} : memref<128xi32, #tpu.memory_space<vmem>>, vector<16xi32>,
      %get3A_117 = vector.shape_cast %get3A_116 : vector<16xi32> to vector<16xi32>
      %add3A_118 = vector.broadcast %mul3A_0 : i32 to vector<16xi32>
      %add3A_119 = arith.addi %get3A_117, %add3A_118 : vector<16xi32>
      %swap3A_120 = arith.constant 80 : index
      %swap3A_121 = tpu.vector_load %arg7[%swap3A_120] {strides = array<i32>} : memref<128xi32, #tpu.memory_space<vmem>>, vector<16xi32>,
      %swap3A_122 = vector.shape_cast %swap3A_121 : vector<16xi32> to vector<16xi32>
      %swap3A_123 = vector.shape_cast %add3A_119 : vector<16xi32> to vector<16xi32>
      tpu.vector_store %arg7[%swap3A_120], %swap3A_123 {strides = array<i32>} : memref<128xi32, #tpu.memory_space<vmem>>, vector<16xi32>,
      %get3A_124 = arith.constant 96 : index
      %get3A_125 = tpu.vector_load %arg7[%get3A_124] {strides = array<i32>} : memref<128xi32, #tpu.memory_space<vmem>>, vector<16xi32>,
      %get3A_126 = vector.shape_cast %get3A_125 : vector<16xi32> to vector<16xi32>
      %add3A_127 = vector.broadcast %mul3A_0 : i32 to vector<16xi32>
      %add3A_128 = arith.addi %get3A_126, %add3A_127 : vector<16xi32>
      %swap3A_129 = arith.constant 96 : index
      %swap3A_130 = tpu.vector_load %arg7[%swap3A_129] {strides = array<i32>} : memref<128xi32, #tpu.memory_space<vmem>>, vector<16xi32>,
      %swap3A_131 = vector.shape_cast %swap3A_130 : vector<16xi32> to vector<16xi32>
      %swap3A_132 = vector.shape_cast %add3A_128 : vector<16xi32> to vector<16xi32>
      tpu.vector_store %arg7[%swap3A_129], %swap3A_132 {strides = array<i32>} : memref<128xi32, #tpu.memory_space<vmem>>, vector<16xi32>,
      %get3A_133 = arith.constant 112 : index
      %get3A_134 = tpu.vector_load %arg7[%get3A_133] {strides = array<i32>} : memref<128xi32, #tpu.memory_space<vmem>>, vector<16xi32>,
      %get3A_135 = vector.shape_cast %get3A_134 : vector<16xi32> to vector<16xi32>
      %add3A_136 = vector.broadcast %mul3A_0 : i32 to vector<16xi32>
      %add3A_137 = arith.addi %get3A_135, %add3A_136 : vector<16xi32>
      %swap3A_138 = arith.constant 112 : index
      %swap3A_139 = tpu.vector_load %arg7[%swap3A_138] {strides = array<i32>} : memref<128xi32, #tpu.memory_space<vmem>>, vector<16xi32>,
      %swap3A_140 = vector.shape_cast %swap3A_139 : vector<16xi32> to vector<16xi32>
      %swap3A_141 = vector.shape_cast %add3A_137 : vector<16xi32> to vector<16xi32>
      tpu.vector_store %arg7[%swap3A_138], %swap3A_141 {strides = array<i32>} : memref<128xi32, #tpu.memory_space<vmem>>, vector<16xi32>,
      %dma_start3A_142 = arith.constant 0 : i32
      %dma_start3A_143 = arith.constant 0 : i32
      %dma_start3A_144 = tpu.memref_slice %arg2[%dma_start3A_142, %dma_start3A_143] : memref<20000x128xf32, #tpu.memory_space<hbm>> -> memref<20000x128xf32, #tpu.memory_space<hbm>>
      tpu.enqueue_indirect_dma source(%dma_start3A_144 : memref<20000x128xf32, #tpu.memory_space<hbm>>) target(%arg11 : memref<128x128xf32, #tpu.memory_space<vmem>>) offsets(%arg7 : memref<128xi32, #tpu.memory_space<vmem>>) semaphore(%arg14 : memref<!tpu.dma_semaphore, #tpu.memory_space<semaphore_mem>>)
      %dma_wait3A_145 = arith.constant 0 : i32
      %dma_wait3A_146 = arith.constant 0 : i32
      %dma_wait3A_147 = tpu.memref_slice %arg2[%dma_wait3A_145, %dma_wait3A_146] : memref<20000x128xf32, #tpu.memory_space<hbm>> -> memref<20000x128xf32, #tpu.memory_space<hbm>>
      tpu.wait_indirect_dma semaphore(%arg14 : memref<!tpu.dma_semaphore, #tpu.memory_space<semaphore_mem>>) src(%dma_wait3A_147 : memref<20000x128xf32, #tpu.memory_space<hbm>>) dst(%arg11 : memref<128x128xf32, #tpu.memory_space<vmem>>)
      "tpu.region"() ({
        %run_scoped3A = tpu.sem_alloc : memref<!tpu.dma_semaphore, #tpu.memory_space<semaphore_mem>>
        %dma_start3A_148 = arith.constant 0 : i32
        %dma_start3A_149 = arith.constant 0 : i32
        %dma_start3A_150 = tpu.memref_slice %arg13[%dma_start3A_148, %dma_start3A_149] : memref<10240x128xf32, #tpu.memory_space<vmem_shared>> -> memref<10240x128xf32, #tpu.memory_space<vmem_shared>>
        tpu.enqueue_indirect_dma source(%arg11 : memref<128x128xf32, #tpu.memory_space<vmem>>) target(%dma_start3A_150 : memref<10240x128xf32, #tpu.memory_space<vmem_shared>>) offsets(%arg8 : memref<128xi32, #tpu.memory_space<vmem>>) semaphore(%run_scoped3A : memref<!tpu.dma_semaphore, #tpu.memory_space<semaphore_mem>>) {add = true}
        %dma_wait3A_151 = arith.constant 0 : i32
        %dma_wait3A_152 = arith.constant 0 : i32
        %dma_wait3A_153 = tpu.memref_slice %arg13[%dma_wait3A_151, %dma_wait3A_152] : memref<10240x128xf32, #tpu.memory_space<vmem_shared>> -> memref<10240x128xf32, #tpu.memory_space<vmem_shared>>
        tpu.wait_indirect_dma semaphore(%run_scoped3A : memref<!tpu.dma_semaphore, #tpu.memory_space<semaphore_mem>>) src(%arg11 : memref<128x128xf32, #tpu.memory_space<vmem>>) dst(%dma_wait3A_153 : memref<10240x128xf32, #tpu.memory_space<vmem_shared>>)
        tpu.yield
      }) : () -> ()
    }
    %scan3A_18 = arith.constant 78 : i32
    %add3A_19 = arith.constant 9984 : i32
    %add3A_20 = arith.addi %mul3A_13, %add3A_19 : i32
    %multiple_of3A = tpu.assume_multiple %add3A_20, 8 : i32
    "tpu.region"() ({
      %run_scoped3A = tpu.sem_alloc : memref<!tpu.dma_semaphore, #tpu.memory_space<semaphore_mem>>
      %dma_start3A_65 = tpu.memref_slice %arg3[%multiple_of3A] : memref<160000xi32, #tpu.memory_space<hbm>> -> memref<16xi32, #tpu.memory_space<hbm>>
      %dma_start3A_66 = tpu.memref_slice %arg3[%multiple_of3A] : memref<160000xi32, #tpu.memory_space<hbm>> -> memref<16xi32, #tpu.memory_space<hbm>>
      tpu.enqueue_dma source(%dma_start3A_66 : memref<16xi32, #tpu.memory_space<hbm>>) target(%arg9 : memref<16xi32, #tpu.memory_space<vmem>>) target_semaphore(%run_scoped3A : memref<!tpu.dma_semaphore, #tpu.memory_space<semaphore_mem>>)
      %dma_wait3A_67 = tpu.memref_slice %arg3[%multiple_of3A] : memref<160000xi32, #tpu.memory_space<hbm>> -> memref<16xi32, #tpu.memory_space<hbm>>
      %dma_wait3A_68 = tpu.memref_slice %arg3[%multiple_of3A] : memref<160000xi32, #tpu.memory_space<hbm>> -> memref<16xi32, #tpu.memory_space<hbm>>
      tpu.wait_dma2 semaphore(%run_scoped3A : memref<!tpu.dma_semaphore, #tpu.memory_space<semaphore_mem>>) src(%dma_wait3A_68 : memref<16xi32, #tpu.memory_space<hbm>>) dst(%arg9 : memref<16xi32, #tpu.memory_space<vmem>>)
      tpu.yield
    }) : () -> ()
    "tpu.region"() ({
      %run_scoped3A = tpu.sem_alloc : memref<!tpu.dma_semaphore, #tpu.memory_space<semaphore_mem>>
      %dma_start3A_65 = tpu.memref_slice %arg4[%multiple_of3A] : memref<160000xi32, #tpu.memory_space<hbm>> -> memref<16xi32, #tpu.memory_space<hbm>>
      %dma_start3A_66 = tpu.memref_slice %arg4[%multiple_of3A] : memref<160000xi32, #tpu.memory_space<hbm>> -> memref<16xi32, #tpu.memory_space<hbm>>
      tpu.enqueue_dma source(%dma_start3A_66 : memref<16xi32, #tpu.memory_space<hbm>>) target(%arg10 : memref<16xi32, #tpu.memory_space<vmem>>) target_semaphore(%run_scoped3A : memref<!tpu.dma_semaphore, #tpu.memory_space<semaphore_mem>>)
      %dma_wait3A_67 = tpu.memref_slice %arg4[%multiple_of3A] : memref<160000xi32, #tpu.memory_space<hbm>> -> memref<16xi32, #tpu.memory_space<hbm>>
      %dma_wait3A_68 = tpu.memref_slice %arg4[%multiple_of3A] : memref<160000xi32, #tpu.memory_space<hbm>> -> memref<16xi32, #tpu.memory_space<hbm>>
      tpu.wait_dma2 semaphore(%run_scoped3A : memref<!tpu.dma_semaphore, #tpu.memory_space<semaphore_mem>>) src(%dma_wait3A_68 : memref<16xi32, #tpu.memory_space<hbm>>) dst(%arg10 : memref<16xi32, #tpu.memory_space<vmem>>)
      tpu.yield
    }) : () -> ()
    %get3A = arith.constant 0 : index
    %get3A_21 = tpu.vector_load %arg9[%get3A] {strides = array<i32>} : memref<16xi32, #tpu.memory_space<vmem>>, vector<16xi32>,
    %get3A_22 = vector.shape_cast %get3A_21 : vector<16xi32> to vector<16xi32>
    %add3A_23 = vector.broadcast %mul3A_0 : i32 to vector<16xi32>
    %add3A_24 = arith.addi %get3A_22, %add3A_23 : vector<16xi32>
    %swap3A = arith.constant 0 : index
    %swap3A_25 = tpu.vector_load %arg9[%swap3A] {strides = array<i32>} : memref<16xi32, #tpu.memory_space<vmem>>, vector<16xi32>,
    %swap3A_26 = vector.shape_cast %swap3A_25 : vector<16xi32> to vector<16xi32>
    %swap3A_27 = vector.shape_cast %add3A_24 : vector<16xi32> to vector<16xi32>
    tpu.vector_store %arg9[%swap3A], %swap3A_27 {strides = array<i32>} : memref<16xi32, #tpu.memory_space<vmem>>, vector<16xi32>,
    %dma_start3A = arith.constant 0 : i32
    %dma_start3A_28 = arith.constant 0 : i32
    %dma_start3A_29 = tpu.memref_slice %arg2[%dma_start3A, %dma_start3A_28] : memref<20000x128xf32, #tpu.memory_space<hbm>> -> memref<20000x128xf32, #tpu.memory_space<hbm>>
    tpu.enqueue_indirect_dma source(%dma_start3A_29 : memref<20000x128xf32, #tpu.memory_space<hbm>>) target(%arg12 : memref<16x128xf32, #tpu.memory_space<vmem>>) offsets(%arg9 : memref<16xi32, #tpu.memory_space<vmem>>) semaphore(%arg14 : memref<!tpu.dma_semaphore, #tpu.memory_space<semaphore_mem>>)
    %dma_wait3A = arith.constant 0 : i32
    %dma_wait3A_30 = arith.constant 0 : i32
    %dma_wait3A_31 = tpu.memref_slice %arg2[%dma_wait3A, %dma_wait3A_30] : memref<20000x128xf32, #tpu.memory_space<hbm>> -> memref<20000x128xf32, #tpu.memory_space<hbm>>
    tpu.wait_indirect_dma semaphore(%arg14 : memref<!tpu.dma_semaphore, #tpu.memory_space<semaphore_mem>>) src(%dma_wait3A_31 : memref<20000x128xf32, #tpu.memory_space<hbm>>) dst(%arg12 : memref<16x128xf32, #tpu.memory_space<vmem>>)
    "tpu.region"() ({
      %run_scoped3A = tpu.sem_alloc : memref<!tpu.dma_semaphore, #tpu.memory_space<semaphore_mem>>
      %dma_start3A_65 = arith.constant 0 : i32
      %dma_start3A_66 = arith.constant 0 : i32
      %dma_start3A_67 = tpu.memref_slice %arg13[%dma_start3A_65, %dma_start3A_66] : memref<10240x128xf32, #tpu.memory_space<vmem_shared>> -> memref<10240x128xf32, #tpu.memory_space<vmem_shared>>
      tpu.enqueue_indirect_dma source(%arg12 : memref<16x128xf32, #tpu.memory_space<vmem>>) target(%dma_start3A_67 : memref<10240x128xf32, #tpu.memory_space<vmem_shared>>) offsets(%arg10 : memref<16xi32, #tpu.memory_space<vmem>>) semaphore(%run_scoped3A : memref<!tpu.dma_semaphore, #tpu.memory_space<semaphore_mem>>) {add = true}
      %dma_wait3A_68 = arith.constant 0 : i32
      %dma_wait3A_69 = arith.constant 0 : i32
      %dma_wait3A_70 = tpu.memref_slice %arg13[%dma_wait3A_68, %dma_wait3A_69] : memref<10240x128xf32, #tpu.memory_space<vmem_shared>> -> memref<10240x128xf32, #tpu.memory_space<vmem_shared>>
      tpu.wait_indirect_dma semaphore(%run_scoped3A : memref<!tpu.dma_semaphore, #tpu.memory_space<semaphore_mem>>) src(%arg12 : memref<16x128xf32, #tpu.memory_space<vmem>>) dst(%dma_wait3A_70 : memref<10240x128xf32, #tpu.memory_space<vmem_shared>>)
      tpu.yield
    }) : () -> ()
    %barrier3A_32 = arith.constant 0 : index
    tpu.barrier barrier_id(%barrier3A_32)
    %mul3A_33 = arith.constant 10240 : i32
    %mul3A_34 = arith.muli %arg0, %mul3A_33 : i32
    %add3A_35 = arith.constant 0 : i32
    %add3A_36 = arith.addi %mul3A_2, %add3A_35 : i32
    "tpu.region"() ({
      %run_scoped3A = tpu.sem_alloc : memref<!tpu.dma_semaphore, #tpu.memory_space<semaphore_mem>>
      %dma_start3A_65 = arith.constant 0 : i32
      %dma_start3A_66 = arith.constant 0 : i32
      %dma_start3A_67 = tpu.memref_slice %arg11[%dma_start3A_65, %dma_start3A_66] : memref<128x128xf32, #tpu.memory_space<vmem>> -> memref<128x128xf32, #tpu.memory_space<vmem>>
      %dma_start3A_68 = arith.constant 0 : i32
      %dma_start3A_69 = tpu.memref_slice %arg13[%add3A_36, %dma_start3A_68] : memref<10240x128xf32, #tpu.memory_space<vmem_shared>> -> memref<128x128xf32, #tpu.memory_space<vmem_shared>>
      %dma_start3A_70 = arith.constant 0 : i32
      %dma_start3A_71 = arith.constant 0 : i32
      %dma_start3A_72 = tpu.memref_slice %arg11[%dma_start3A_70, %dma_start3A_71] : memref<128x128xf32, #tpu.memory_space<vmem>> -> memref<128x128xf32, #tpu.memory_space<vmem>>
      %dma_start3A_73 = arith.constant 0 : i32
      %dma_start3A_74 = tpu.memref_slice %arg13[%add3A_36, %dma_start3A_73] : memref<10240x128xf32, #tpu.memory_space<vmem_shared>> -> memref<128x128xf32, #tpu.memory_space<vmem_shared>>
      tpu.enqueue_dma source(%dma_start3A_74 : memref<128x128xf32, #tpu.memory_space<vmem_shared>>) target(%dma_start3A_72 : memref<128x128xf32, #tpu.memory_space<vmem>>) target_semaphore(%run_scoped3A : memref<!tpu.dma_semaphore, #tpu.memory_space<semaphore_mem>>)
      %dma_wait3A_75 = arith.constant 0 : i32
      %dma_wait3A_76 = arith.constant 0 : i32
      %dma_wait3A_77 = tpu.memref_slice %arg11[%dma_wait3A_75, %dma_wait3A_76] : memref<128x128xf32, #tpu.memory_space<vmem>> -> memref<128x128xf32, #tpu.memory_space<vmem>>
      %dma_wait3A_78 = arith.constant 0 : i32
      %dma_wait3A_79 = tpu.memref_slice %arg13[%add3A_36, %dma_wait3A_78] : memref<10240x128xf32, #tpu.memory_space<vmem_shared>> -> memref<128x128xf32, #tpu.memory_space<vmem_shared>>
      %dma_wait3A_80 = arith.constant 0 : i32
      %dma_wait3A_81 = arith.constant 0 : i32
      %dma_wait3A_82 = tpu.memref_slice %arg11[%dma_wait3A_80, %dma_wait3A_81] : memref<128x128xf32, #tpu.memory_space<vmem>> -> memref<128x128xf32, #tpu.memory_space<vmem>>
      %dma_wait3A_83 = arith.constant 0 : i32
      %dma_wait3A_84 = tpu.memref_slice %arg13[%add3A_36, %dma_wait3A_83] : memref<10240x128xf32, #tpu.memory_space<vmem_shared>> -> memref<128x128xf32, #tpu.memory_space<vmem_shared>>
      tpu.wait_dma2 semaphore(%run_scoped3A : memref<!tpu.dma_semaphore, #tpu.memory_space<semaphore_mem>>) src(%dma_wait3A_84 : memref<128x128xf32, #tpu.memory_space<vmem_shared>>) dst(%dma_wait3A_82 : memref<128x128xf32, #tpu.memory_space<vmem>>)
      tpu.yield
    }) : () -> ()
    %add3A_37 = arith.addi %mul3A_34, %mul3A_2 : i32
    %add3A_38 = arith.constant 0 : i32
    %add3A_39 = arith.addi %add3A_37, %add3A_38 : i32
    %multiple_of3A_40 = tpu.assume_multiple %add3A_39, 8 : i32
    "tpu.region"() ({
      %run_scoped3A = tpu.sem_alloc : memref<!tpu.dma_semaphore, #tpu.memory_space<semaphore_mem>>
      %dma_start3A_65 = arith.constant 0 : i32
      %dma_start3A_66 = arith.constant 0 : i32
      %dma_start3A_67 = tpu.memref_slice %arg11[%dma_start3A_65, %dma_start3A_66] : memref<128x128xf32, #tpu.memory_space<vmem>> -> memref<128x128xf32, #tpu.memory_space<vmem>>
      %dma_start3A_68 = arith.constant 0 : i32
      %dma_start3A_69 = tpu.memref_slice %arg6[%multiple_of3A_40, %dma_start3A_68] : memref<20480x128xf32, #tpu.memory_space<hbm>> -> memref<128x128xf32, #tpu.memory_space<hbm>>
      %dma_start3A_70 = arith.constant 0 : i32
      %dma_start3A_71 = tpu.memref_slice %arg6[%multiple_of3A_40, %dma_start3A_70] : memref<20480x128xf32, #tpu.memory_space<hbm>> -> memref<128x128xf32, #tpu.memory_space<hbm>>
      %dma_start3A_72 = arith.constant 0 : i32
      %dma_start3A_73 = arith.constant 0 : i32
      %dma_start3A_74 = tpu.memref_slice %arg11[%dma_start3A_72, %dma_start3A_73] : memref<128x128xf32, #tpu.memory_space<vmem>> -> memref<128x128xf32, #tpu.memory_space<vmem>>
      tpu.enqueue_dma source(%dma_start3A_74 : memref<128x128xf32, #tpu.memory_space<vmem>>) target(%dma_start3A_71 : memref<128x128xf32, #tpu.memory_space<hbm>>) target_semaphore(%run_scoped3A : memref<!tpu.dma_semaphore, #tpu.memory_space<semaphore_mem>>)
      %dma_wait3A_75 = arith.constant 0 : i32
      %dma_wait3A_76 = arith.constant 0 : i32
      %dma_wait3A_77 = tpu.memref_slice %arg11[%dma_wait3A_75, %dma_wait3A_76] : memref<128x128xf32, #tpu.memory_space<vmem>> -> memref<128x128xf32, #tpu.memory_space<vmem>>
      %dma_wait3A_78 = arith.constant 0 : i32
      %dma_wait3A_79 = tpu.memref_slice %arg6[%multiple_of3A_40, %dma_wait3A_78] : memref<20480x128xf32, #tpu.memory_space<hbm>> -> memref<128x128xf32, #tpu.memory_space<hbm>>
      %dma_wait3A_80 = arith.constant 0 : i32
      %dma_wait3A_81 = tpu.memref_slice %arg6[%multiple_of3A_40, %dma_wait3A_80] : memref<20480x128xf32, #tpu.memory_space<hbm>> -> memref<128x128xf32, #tpu.memory_space<hbm>>
      %dma_wait3A_82 = arith.constant 0 : i32
      %dma_wait3A_83 = arith.constant 0 : i32
      %dma_wait3A_84 = tpu.memref_slice %arg11[%dma_wait3A_82, %dma_wait3A_83] : memref<128x128xf32, #tpu.memory_space<vmem>> -> memref<128x128xf32, #tpu.memory_space<vmem>>
      tpu.wait_dma2 semaphore(%run_scoped3A : memref<!tpu.dma_semaphore, #tpu.memory_space<semaphore_mem>>) src(%dma_wait3A_84 : memref<128x128xf32, #tpu.memory_space<vmem>>) dst(%dma_wait3A_81 : memref<128x128xf32, #tpu.memory_space<hbm>>)
      tpu.yield
    }) : () -> ()
    %add3A_41 = arith.constant 128 : i32
    %add3A_42 = arith.addi %mul3A_2, %add3A_41 : i32
    "tpu.region"() ({
      %run_scoped3A = tpu.sem_alloc : memref<!tpu.dma_semaphore, #tpu.memory_space<semaphore_mem>>
      %dma_start3A_65 = arith.constant 0 : i32
      %dma_start3A_66 = arith.constant 0 : i32
      %dma_start3A_67 = tpu.memref_slice %arg11[%dma_start3A_65, %dma_start3A_66] : memref<128x128xf32, #tpu.memory_space<vmem>> -> memref<128x128xf32, #tpu.memory_space<vmem>>
      %dma_start3A_68 = arith.constant 0 : i32
      %dma_start3A_69 = tpu.memref_slice %arg13[%add3A_42, %dma_start3A_68] : memref<10240x128xf32, #tpu.memory_space<vmem_shared>> -> memref<128x128xf32, #tpu.memory_space<vmem_shared>>
      %dma_start3A_70 = arith.constant 0 : i32
      %dma_start3A_71 = arith.constant 0 : i32
      %dma_start3A_72 = tpu.memref_slice %arg11[%dma_start3A_70, %dma_start3A_71] : memref<128x128xf32, #tpu.memory_space<vmem>> -> memref<128x128xf32, #tpu.memory_space<vmem>>
      %dma_start3A_73 = arith.constant 0 : i32
      %dma_start3A_74 = tpu.memref_slice %arg13[%add3A_42, %dma_start3A_73] : memref<10240x128xf32, #tpu.memory_space<vmem_shared>> -> memref<128x128xf32, #tpu.memory_space<vmem_shared>>
      tpu.enqueue_dma source(%dma_start3A_74 : memref<128x128xf32, #tpu.memory_space<vmem_shared>>) target(%dma_start3A_72 : memref<128x128xf32, #tpu.memory_space<vmem>>) target_semaphore(%run_scoped3A : memref<!tpu.dma_semaphore, #tpu.memory_space<semaphore_mem>>)
      %dma_wait3A_75 = arith.constant 0 : i32
      %dma_wait3A_76 = arith.constant 0 : i32
      %dma_wait3A_77 = tpu.memref_slice %arg11[%dma_wait3A_75, %dma_wait3A_76] : memref<128x128xf32, #tpu.memory_space<vmem>> -> memref<128x128xf32, #tpu.memory_space<vmem>>
      %dma_wait3A_78 = arith.constant 0 : i32
      %dma_wait3A_79 = tpu.memref_slice %arg13[%add3A_42, %dma_wait3A_78] : memref<10240x128xf32, #tpu.memory_space<vmem_shared>> -> memref<128x128xf32, #tpu.memory_space<vmem_shared>>
      %dma_wait3A_80 = arith.constant 0 : i32
      %dma_wait3A_81 = arith.constant 0 : i32
      %dma_wait3A_82 = tpu.memref_slice %arg11[%dma_wait3A_80, %dma_wait3A_81] : memref<128x128xf32, #tpu.memory_space<vmem>> -> memref<128x128xf32, #tpu.memory_space<vmem>>
      %dma_wait3A_83 = arith.constant 0 : i32
      %dma_wait3A_84 = tpu.memref_slice %arg13[%add3A_42, %dma_wait3A_83] : memref<10240x128xf32, #tpu.memory_space<vmem_shared>> -> memref<128x128xf32, #tpu.memory_space<vmem_shared>>
      tpu.wait_dma2 semaphore(%run_scoped3A : memref<!tpu.dma_semaphore, #tpu.memory_space<semaphore_mem>>) src(%dma_wait3A_84 : memref<128x128xf32, #tpu.memory_space<vmem_shared>>) dst(%dma_wait3A_82 : memref<128x128xf32, #tpu.memory_space<vmem>>)
      tpu.yield
    }) : () -> ()
    %add3A_43 = arith.addi %mul3A_34, %mul3A_2 : i32
    %add3A_44 = arith.constant 128 : i32
    %add3A_45 = arith.addi %add3A_43, %add3A_44 : i32
    %multiple_of3A_46 = tpu.assume_multiple %add3A_45, 8 : i32
    "tpu.region"() ({
      %run_scoped3A = tpu.sem_alloc : memref<!tpu.dma_semaphore, #tpu.memory_space<semaphore_mem>>
      %dma_start3A_65 = arith.constant 0 : i32
      %dma_start3A_66 = arith.constant 0 : i32
      %dma_start3A_67 = tpu.memref_slice %arg11[%dma_start3A_65, %dma_start3A_66] : memref<128x128xf32, #tpu.memory_space<vmem>> -> memref<128x128xf32, #tpu.memory_space<vmem>>
      %dma_start3A_68 = arith.constant 0 : i32
      %dma_start3A_69 = tpu.memref_slice %arg6[%multiple_of3A_46, %dma_start3A_68] : memref<20480x128xf32, #tpu.memory_space<hbm>> -> memref<128x128xf32, #tpu.memory_space<hbm>>
      %dma_start3A_70 = arith.constant 0 : i32
      %dma_start3A_71 = tpu.memref_slice %arg6[%multiple_of3A_46, %dma_start3A_70] : memref<20480x128xf32, #tpu.memory_space<hbm>> -> memref<128x128xf32, #tpu.memory_space<hbm>>
      %dma_start3A_72 = arith.constant 0 : i32
      %dma_start3A_73 = arith.constant 0 : i32
      %dma_start3A_74 = tpu.memref_slice %arg11[%dma_start3A_72, %dma_start3A_73] : memref<128x128xf32, #tpu.memory_space<vmem>> -> memref<128x128xf32, #tpu.memory_space<vmem>>
      tpu.enqueue_dma source(%dma_start3A_74 : memref<128x128xf32, #tpu.memory_space<vmem>>) target(%dma_start3A_71 : memref<128x128xf32, #tpu.memory_space<hbm>>) target_semaphore(%run_scoped3A : memref<!tpu.dma_semaphore, #tpu.memory_space<semaphore_mem>>)
      %dma_wait3A_75 = arith.constant 0 : i32
      %dma_wait3A_76 = arith.constant 0 : i32
      %dma_wait3A_77 = tpu.memref_slice %arg11[%dma_wait3A_75, %dma_wait3A_76] : memref<128x128xf32, #tpu.memory_space<vmem>> -> memref<128x128xf32, #tpu.memory_space<vmem>>
      %dma_wait3A_78 = arith.constant 0 : i32
      %dma_wait3A_79 = tpu.memref_slice %arg6[%multiple_of3A_46, %dma_wait3A_78] : memref<20480x128xf32, #tpu.memory_space<hbm>> -> memref<128x128xf32, #tpu.memory_space<hbm>>
      %dma_wait3A_80 = arith.constant 0 : i32
      %dma_wait3A_81 = tpu.memref_slice %arg6[%multiple_of3A_46, %dma_wait3A_80] : memref<20480x128xf32, #tpu.memory_space<hbm>> -> memref<128x128xf32, #tpu.memory_space<hbm>>
      %dma_wait3A_82 = arith.constant 0 : i32
      %dma_wait3A_83 = arith.constant 0 : i32
      %dma_wait3A_84 = tpu.memref_slice %arg11[%dma_wait3A_82, %dma_wait3A_83] : memref<128x128xf32, #tpu.memory_space<vmem>> -> memref<128x128xf32, #tpu.memory_space<vmem>>
      tpu.wait_dma2 semaphore(%run_scoped3A : memref<!tpu.dma_semaphore, #tpu.memory_space<semaphore_mem>>) src(%dma_wait3A_84 : memref<128x128xf32, #tpu.memory_space<vmem>>) dst(%dma_wait3A_81 : memref<128x128xf32, #tpu.memory_space<hbm>>)
      tpu.yield
    }) : () -> ()
    %add3A_47 = arith.constant 256 : i32
    %add3A_48 = arith.addi %mul3A_2, %add3A_47 : i32
    "tpu.region"() ({
      %run_scoped3A = tpu.sem_alloc : memref<!tpu.dma_semaphore, #tpu.memory_space<semaphore_mem>>
      %dma_start3A_65 = arith.constant 0 : i32
      %dma_start3A_66 = arith.constant 0 : i32
      %dma_start3A_67 = tpu.memref_slice %arg11[%dma_start3A_65, %dma_start3A_66] : memref<128x128xf32, #tpu.memory_space<vmem>> -> memref<128x128xf32, #tpu.memory_space<vmem>>
      %dma_start3A_68 = arith.constant 0 : i32
      %dma_start3A_69 = tpu.memref_slice %arg13[%add3A_48, %dma_start3A_68] : memref<10240x128xf32, #tpu.memory_space<vmem_shared>> -> memref<128x128xf32, #tpu.memory_space<vmem_shared>>
      %dma_start3A_70 = arith.constant 0 : i32
      %dma_start3A_71 = arith.constant 0 : i32
      %dma_start3A_72 = tpu.memref_slice %arg11[%dma_start3A_70, %dma_start3A_71] : memref<128x128xf32, #tpu.memory_space<vmem>> -> memref<128x128xf32, #tpu.memory_space<vmem>>
      %dma_start3A_73 = arith.constant 0 : i32
      %dma_start3A_74 = tpu.memref_slice %arg13[%add3A_48, %dma_start3A_73] : memref<10240x128xf32, #tpu.memory_space<vmem_shared>> -> memref<128x128xf32, #tpu.memory_space<vmem_shared>>
      tpu.enqueue_dma source(%dma_start3A_74 : memref<128x128xf32, #tpu.memory_space<vmem_shared>>) target(%dma_start3A_72 : memref<128x128xf32, #tpu.memory_space<vmem>>) target_semaphore(%run_scoped3A : memref<!tpu.dma_semaphore, #tpu.memory_space<semaphore_mem>>)
      %dma_wait3A_75 = arith.constant 0 : i32
      %dma_wait3A_76 = arith.constant 0 : i32
      %dma_wait3A_77 = tpu.memref_slice %arg11[%dma_wait3A_75, %dma_wait3A_76] : memref<128x128xf32, #tpu.memory_space<vmem>> -> memref<128x128xf32, #tpu.memory_space<vmem>>
      %dma_wait3A_78 = arith.constant 0 : i32
      %dma_wait3A_79 = tpu.memref_slice %arg13[%add3A_48, %dma_wait3A_78] : memref<10240x128xf32, #tpu.memory_space<vmem_shared>> -> memref<128x128xf32, #tpu.memory_space<vmem_shared>>
      %dma_wait3A_80 = arith.constant 0 : i32
      %dma_wait3A_81 = arith.constant 0 : i32
      %dma_wait3A_82 = tpu.memref_slice %arg11[%dma_wait3A_80, %dma_wait3A_81] : memref<128x128xf32, #tpu.memory_space<vmem>> -> memref<128x128xf32, #tpu.memory_space<vmem>>
      %dma_wait3A_83 = arith.constant 0 : i32
      %dma_wait3A_84 = tpu.memref_slice %arg13[%add3A_48, %dma_wait3A_83] : memref<10240x128xf32, #tpu.memory_space<vmem_shared>> -> memref<128x128xf32, #tpu.memory_space<vmem_shared>>
      tpu.wait_dma2 semaphore(%run_scoped3A : memref<!tpu.dma_semaphore, #tpu.memory_space<semaphore_mem>>) src(%dma_wait3A_84 : memref<128x128xf32, #tpu.memory_space<vmem_shared>>) dst(%dma_wait3A_82 : memref<128x128xf32, #tpu.memory_space<vmem>>)
      tpu.yield
    }) : () -> ()
    %add3A_49 = arith.addi %mul3A_34, %mul3A_2 : i32
    %add3A_50 = arith.constant 256 : i32
    %add3A_51 = arith.addi %add3A_49, %add3A_50 : i32
    %multiple_of3A_52 = tpu.assume_multiple %add3A_51, 8 : i32
    "tpu.region"() ({
      %run_scoped3A = tpu.sem_alloc : memref<!tpu.dma_semaphore, #tpu.memory_space<semaphore_mem>>
      %dma_start3A_65 = arith.constant 0 : i32
      %dma_start3A_66 = arith.constant 0 : i32
      %dma_start3A_67 = tpu.memref_slice %arg11[%dma_start3A_65, %dma_start3A_66] : memref<128x128xf32, #tpu.memory_space<vmem>> -> memref<128x128xf32, #tpu.memory_space<vmem>>
      %dma_start3A_68 = arith.constant 0 : i32
      %dma_start3A_69 = tpu.memref_slice %arg6[%multiple_of3A_52, %dma_start3A_68] : memref<20480x128xf32, #tpu.memory_space<hbm>> -> memref<128x128xf32, #tpu.memory_space<hbm>>
      %dma_start3A_70 = arith.constant 0 : i32
      %dma_start3A_71 = tpu.memref_slice %arg6[%multiple_of3A_52, %dma_start3A_70] : memref<20480x128xf32, #tpu.memory_space<hbm>> -> memref<128x128xf32, #tpu.memory_space<hbm>>
      %dma_start3A_72 = arith.constant 0 : i32
      %dma_start3A_73 = arith.constant 0 : i32
      %dma_start3A_74 = tpu.memref_slice %arg11[%dma_start3A_72, %dma_start3A_73] : memref<128x128xf32, #tpu.memory_space<vmem>> -> memref<128x128xf32, #tpu.memory_space<vmem>>
      tpu.enqueue_dma source(%dma_start3A_74 : memref<128x128xf32, #tpu.memory_space<vmem>>) target(%dma_start3A_71 : memref<128x128xf32, #tpu.memory_space<hbm>>) target_semaphore(%run_scoped3A : memref<!tpu.dma_semaphore, #tpu.memory_space<semaphore_mem>>)
      %dma_wait3A_75 = arith.constant 0 : i32
      %dma_wait3A_76 = arith.constant 0 : i32
      %dma_wait3A_77 = tpu.memref_slice %arg11[%dma_wait3A_75, %dma_wait3A_76] : memref<128x128xf32, #tpu.memory_space<vmem>> -> memref<128x128xf32, #tpu.memory_space<vmem>>
      %dma_wait3A_78 = arith.constant 0 : i32
      %dma_wait3A_79 = tpu.memref_slice %arg6[%multiple_of3A_52, %dma_wait3A_78] : memref<20480x128xf32, #tpu.memory_space<hbm>> -> memref<128x128xf32, #tpu.memory_space<hbm>>
      %dma_wait3A_80 = arith.constant 0 : i32
      %dma_wait3A_81 = tpu.memref_slice %arg6[%multiple_of3A_52, %dma_wait3A_80] : memref<20480x128xf32, #tpu.memory_space<hbm>> -> memref<128x128xf32, #tpu.memory_space<hbm>>
      %dma_wait3A_82 = arith.constant 0 : i32
      %dma_wait3A_83 = arith.constant 0 : i32
      %dma_wait3A_84 = tpu.memref_slice %arg11[%dma_wait3A_82, %dma_wait3A_83] : memref<128x128xf32, #tpu.memory_space<vmem>> -> memref<128x128xf32, #tpu.memory_space<vmem>>
      tpu.wait_dma2 semaphore(%run_scoped3A : memref<!tpu.dma_semaphore, #tpu.memory_space<semaphore_mem>>) src(%dma_wait3A_84 : memref<128x128xf32, #tpu.memory_space<vmem>>) dst(%dma_wait3A_81 : memref<128x128xf32, #tpu.memory_space<hbm>>)
      tpu.yield
    }) : () -> ()
    %add3A_53 = arith.constant 384 : i32
    %add3A_54 = arith.addi %mul3A_2, %add3A_53 : i32
    "tpu.region"() ({
      %run_scoped3A = tpu.sem_alloc : memref<!tpu.dma_semaphore, #tpu.memory_space<semaphore_mem>>
      %dma_start3A_65 = arith.constant 0 : i32
      %dma_start3A_66 = arith.constant 0 : i32
      %dma_start3A_67 = tpu.memref_slice %arg11[%dma_start3A_65, %dma_start3A_66] : memref<128x128xf32, #tpu.memory_space<vmem>> -> memref<128x128xf32, #tpu.memory_space<vmem>>
      %dma_start3A_68 = arith.constant 0 : i32
      %dma_start3A_69 = tpu.memref_slice %arg13[%add3A_54, %dma_start3A_68] : memref<10240x128xf32, #tpu.memory_space<vmem_shared>> -> memref<128x128xf32, #tpu.memory_space<vmem_shared>>
      %dma_start3A_70 = arith.constant 0 : i32
      %dma_start3A_71 = arith.constant 0 : i32
      %dma_start3A_72 = tpu.memref_slice %arg11[%dma_start3A_70, %dma_start3A_71] : memref<128x128xf32, #tpu.memory_space<vmem>> -> memref<128x128xf32, #tpu.memory_space<vmem>>
      %dma_start3A_73 = arith.constant 0 : i32
      %dma_start3A_74 = tpu.memref_slice %arg13[%add3A_54, %dma_start3A_73] : memref<10240x128xf32, #tpu.memory_space<vmem_shared>> -> memref<128x128xf32, #tpu.memory_space<vmem_shared>>
      tpu.enqueue_dma source(%dma_start3A_74 : memref<128x128xf32, #tpu.memory_space<vmem_shared>>) target(%dma_start3A_72 : memref<128x128xf32, #tpu.memory_space<vmem>>) target_semaphore(%run_scoped3A : memref<!tpu.dma_semaphore, #tpu.memory_space<semaphore_mem>>)
      %dma_wait3A_75 = arith.constant 0 : i32
      %dma_wait3A_76 = arith.constant 0 : i32
      %dma_wait3A_77 = tpu.memref_slice %arg11[%dma_wait3A_75, %dma_wait3A_76] : memref<128x128xf32, #tpu.memory_space<vmem>> -> memref<128x128xf32, #tpu.memory_space<vmem>>
      %dma_wait3A_78 = arith.constant 0 : i32
      %dma_wait3A_79 = tpu.memref_slice %arg13[%add3A_54, %dma_wait3A_78] : memref<10240x128xf32, #tpu.memory_space<vmem_shared>> -> memref<128x128xf32, #tpu.memory_space<vmem_shared>>
      %dma_wait3A_80 = arith.constant 0 : i32
      %dma_wait3A_81 = arith.constant 0 : i32
      %dma_wait3A_82 = tpu.memref_slice %arg11[%dma_wait3A_80, %dma_wait3A_81] : memref<128x128xf32, #tpu.memory_space<vmem>> -> memref<128x128xf32, #tpu.memory_space<vmem>>
      %dma_wait3A_83 = arith.constant 0 : i32
      %dma_wait3A_84 = tpu.memref_slice %arg13[%add3A_54, %dma_wait3A_83] : memref<10240x128xf32, #tpu.memory_space<vmem_shared>> -> memref<128x128xf32, #tpu.memory_space<vmem_shared>>
      tpu.wait_dma2 semaphore(%run_scoped3A : memref<!tpu.dma_semaphore, #tpu.memory_space<semaphore_mem>>) src(%dma_wait3A_84 : memref<128x128xf32, #tpu.memory_space<vmem_shared>>) dst(%dma_wait3A_82 : memref<128x128xf32, #tpu.memory_space<vmem>>)
      tpu.yield
    }) : () -> ()
    %add3A_55 = arith.addi %mul3A_34, %mul3A_2 : i32
    %add3A_56 = arith.constant 384 : i32
    %add3A_57 = arith.addi %add3A_55, %add3A_56 : i32
    %multiple_of3A_58 = tpu.assume_multiple %add3A_57, 8 : i32
    "tpu.region"() ({
      %run_scoped3A = tpu.sem_alloc : memref<!tpu.dma_semaphore, #tpu.memory_space<semaphore_mem>>
      %dma_start3A_65 = arith.constant 0 : i32
      %dma_start3A_66 = arith.constant 0 : i32
      %dma_start3A_67 = tpu.memref_slice %arg11[%dma_start3A_65, %dma_start3A_66] : memref<128x128xf32, #tpu.memory_space<vmem>> -> memref<128x128xf32, #tpu.memory_space<vmem>>
      %dma_start3A_68 = arith.constant 0 : i32
      %dma_start3A_69 = tpu.memref_slice %arg6[%multiple_of3A_58, %dma_start3A_68] : memref<20480x128xf32, #tpu.memory_space<hbm>> -> memref<128x128xf32, #tpu.memory_space<hbm>>
      %dma_start3A_70 = arith.constant 0 : i32
      %dma_start3A_71 = tpu.memref_slice %arg6[%multiple_of3A_58, %dma_start3A_70] : memref<20480x128xf32, #tpu.memory_space<hbm>> -> memref<128x128xf32, #tpu.memory_space<hbm>>
      %dma_start3A_72 = arith.constant 0 : i32
      %dma_start3A_73 = arith.constant 0 : i32
      %dma_start3A_74 = tpu.memref_slice %arg11[%dma_start3A_72, %dma_start3A_73] : memref<128x128xf32, #tpu.memory_space<vmem>> -> memref<128x128xf32, #tpu.memory_space<vmem>>
      tpu.enqueue_dma source(%dma_start3A_74 : memref<128x128xf32, #tpu.memory_space<vmem>>) target(%dma_start3A_71 : memref<128x128xf32, #tpu.memory_space<hbm>>) target_semaphore(%run_scoped3A : memref<!tpu.dma_semaphore, #tpu.memory_space<semaphore_mem>>)
      %dma_wait3A_75 = arith.constant 0 : i32
      %dma_wait3A_76 = arith.constant 0 : i32
      %dma_wait3A_77 = tpu.memref_slice %arg11[%dma_wait3A_75, %dma_wait3A_76] : memref<128x128xf32, #tpu.memory_space<vmem>> -> memref<128x128xf32, #tpu.memory_space<vmem>>
      %dma_wait3A_78 = arith.constant 0 : i32
      %dma_wait3A_79 = tpu.memref_slice %arg6[%multiple_of3A_58, %dma_wait3A_78] : memref<20480x128xf32, #tpu.memory_space<hbm>> -> memref<128x128xf32, #tpu.memory_space<hbm>>
      %dma_wait3A_80 = arith.constant 0 : i32
      %dma_wait3A_81 = tpu.memref_slice %arg6[%multiple_of3A_58, %dma_wait3A_80] : memref<20480x128xf32, #tpu.memory_space<hbm>> -> memref<128x128xf32, #tpu.memory_space<hbm>>
      %dma_wait3A_82 = arith.constant 0 : i32
      %dma_wait3A_83 = arith.constant 0 : i32
      %dma_wait3A_84 = tpu.memref_slice %arg11[%dma_wait3A_82, %dma_wait3A_83] : memref<128x128xf32, #tpu.memory_space<vmem>> -> memref<128x128xf32, #tpu.memory_space<vmem>>
      tpu.wait_dma2 semaphore(%run_scoped3A : memref<!tpu.dma_semaphore, #tpu.memory_space<semaphore_mem>>) src(%dma_wait3A_84 : memref<128x128xf32, #tpu.memory_space<vmem>>) dst(%dma_wait3A_81 : memref<128x128xf32, #tpu.memory_space<hbm>>)
      tpu.yield
    }) : () -> ()
    %add3A_59 = arith.constant 512 : i32
    %add3A_60 = arith.addi %mul3A_2, %add3A_59 : i32
    "tpu.region"() ({
      %run_scoped3A = tpu.sem_alloc : memref<!tpu.dma_semaphore, #tpu.memory_space<semaphore_mem>>
      %dma_start3A_65 = arith.constant 0 : i32
      %dma_start3A_66 = arith.constant 0 : i32
      %dma_start3A_67 = tpu.memref_slice %arg11[%dma_start3A_65, %dma_start3A_66] : memref<128x128xf32, #tpu.memory_space<vmem>> -> memref<128x128xf32, #tpu.memory_space<vmem>>
      %dma_start3A_68 = arith.constant 0 : i32
      %dma_start3A_69 = tpu.memref_slice %arg13[%add3A_60, %dma_start3A_68] : memref<10240x128xf32, #tpu.memory_space<vmem_shared>> -> memref<128x128xf32, #tpu.memory_space<vmem_shared>>
      %dma_start3A_70 = arith.constant 0 : i32
      %dma_start3A_71 = arith.constant 0 : i32
      %dma_start3A_72 = tpu.memref_slice %arg11[%dma_start3A_70, %dma_start3A_71] : memref<128x128xf32, #tpu.memory_space<vmem>> -> memref<128x128xf32, #tpu.memory_space<vmem>>
      %dma_start3A_73 = arith.constant 0 : i32
      %dma_start3A_74 = tpu.memref_slice %arg13[%add3A_60, %dma_start3A_73] : memref<10240x128xf32, #tpu.memory_space<vmem_shared>> -> memref<128x128xf32, #tpu.memory_space<vmem_shared>>
      tpu.enqueue_dma source(%dma_start3A_74 : memref<128x128xf32, #tpu.memory_space<vmem_shared>>) target(%dma_start3A_72 : memref<128x128xf32, #tpu.memory_space<vmem>>) target_semaphore(%run_scoped3A : memref<!tpu.dma_semaphore, #tpu.memory_space<semaphore_mem>>)
      %dma_wait3A_75 = arith.constant 0 : i32
      %dma_wait3A_76 = arith.constant 0 : i32
      %dma_wait3A_77 = tpu.memref_slice %arg11[%dma_wait3A_75, %dma_wait3A_76] : memref<128x128xf32, #tpu.memory_space<vmem>> -> memref<128x128xf32, #tpu.memory_space<vmem>>
      %dma_wait3A_78 = arith.constant 0 : i32
      %dma_wait3A_79 = tpu.memref_slice %arg13[%add3A_60, %dma_wait3A_78] : memref<10240x128xf32, #tpu.memory_space<vmem_shared>> -> memref<128x128xf32, #tpu.memory_space<vmem_shared>>
      %dma_wait3A_80 = arith.constant 0 : i32
      %dma_wait3A_81 = arith.constant 0 : i32
      %dma_wait3A_82 = tpu.memref_slice %arg11[%dma_wait3A_80, %dma_wait3A_81] : memref<128x128xf32, #tpu.memory_space<vmem>> -> memref<128x128xf32, #tpu.memory_space<vmem>>
      %dma_wait3A_83 = arith.constant 0 : i32
      %dma_wait3A_84 = tpu.memref_slice %arg13[%add3A_60, %dma_wait3A_83] : memref<10240x128xf32, #tpu.memory_space<vmem_shared>> -> memref<128x128xf32, #tpu.memory_space<vmem_shared>>
      tpu.wait_dma2 semaphore(%run_scoped3A : memref<!tpu.dma_semaphore, #tpu.memory_space<semaphore_mem>>) src(%dma_wait3A_84 : memref<128x128xf32, #tpu.memory_space<vmem_shared>>) dst(%dma_wait3A_82 : memref<128x128xf32, #tpu.memory_space<vmem>>)
      tpu.yield
    }) : () -> ()
    %add3A_61 = arith.addi %mul3A_34, %mul3A_2 : i32
    %add3A_62 = arith.constant 512 : i32
    %add3A_63 = arith.addi %add3A_61, %add3A_62 : i32
    %multiple_of3A_64 = tpu.assume_multiple %add3A_63, 8 : i32
    "tpu.region"() ({
      %run_scoped3A = tpu.sem_alloc : memref<!tpu.dma_semaphore, #tpu.memory_space<semaphore_mem>>
      %dma_start3A_65 = arith.constant 0 : i32
      %dma_start3A_66 = arith.constant 0 : i32
      %dma_start3A_67 = tpu.memref_slice %arg11[%dma_start3A_65, %dma_start3A_66] : memref<128x128xf32, #tpu.memory_space<vmem>> -> memref<128x128xf32, #tpu.memory_space<vmem>>
      %dma_start3A_68 = arith.constant 0 : i32
      %dma_start3A_69 = tpu.memref_slice %arg6[%multiple_of3A_64, %dma_start3A_68] : memref<20480x128xf32, #tpu.memory_space<hbm>> -> memref<128x128xf32, #tpu.memory_space<hbm>>
      %dma_start3A_70 = arith.constant 0 : i32
      %dma_start3A_71 = tpu.memref_slice %arg6[%multiple_of3A_64, %dma_start3A_70] : memref<20480x128xf32, #tpu.memory_space<hbm>> -> memref<128x128xf32, #tpu.memory_space<hbm>>
      %dma_start3A_72 = arith.constant 0 : i32
      %dma_start3A_73 = arith.constant 0 : i32
      %dma_start3A_74 = tpu.memref_slice %arg11[%dma_start3A_72, %dma_start3A_73] : memref<128x128xf32, #tpu.memory_space<vmem>> -> memref<128x128xf32, #tpu.memory_space<vmem>>
      tpu.enqueue_dma source(%dma_start3A_74 : memref<128x128xf32, #tpu.memory_space<vmem>>) target(%dma_start3A_71 : memref<128x128xf32, #tpu.memory_space<hbm>>) target_semaphore(%run_scoped3A : memref<!tpu.dma_semaphore, #tpu.memory_space<semaphore_mem>>)
      %dma_wait3A_75 = arith.constant 0 : i32
      %dma_wait3A_76 = arith.constant 0 : i32
      %dma_wait3A_77 = tpu.memref_slice %arg11[%dma_wait3A_75, %dma_wait3A_76] : memref<128x128xf32, #tpu.memory_space<vmem>> -> memref<128x128xf32, #tpu.memory_space<vmem>>
      %dma_wait3A_78 = arith.constant 0 : i32
      %dma_wait3A_79 = tpu.memref_slice %arg6[%multiple_of3A_64, %dma_wait3A_78] : memref<20480x128xf32, #tpu.memory_space<hbm>> -> memref<128x128xf32, #tpu.memory_space<hbm>>
      %dma_wait3A_80 = arith.constant 0 : i32
      %dma_wait3A_81 = tpu.memref_slice %arg6[%multiple_of3A_64, %dma_wait3A_80] : memref<20480x128xf32, #tpu.memory_space<hbm>> -> memref<128x128xf32, #tpu.memory_space<hbm>>
      %dma_wait3A_82 = arith.constant 0 : i32
      %dma_wait3A_83 = arith.constant 0 : i32
      %dma_wait3A_84 = tpu.memref_slice %arg11[%dma_wait3A_82, %dma_wait3A_83] : memref<128x128xf32, #tpu.memory_space<vmem>> -> memref<128x128xf32, #tpu.memory_space<vmem>>
      tpu.wait_dma2 semaphore(%run_scoped3A : memref<!tpu.dma_semaphore, #tpu.memory_space<semaphore_mem>>) src(%dma_wait3A_84 : memref<128x128xf32, #tpu.memory_space<vmem>>) dst(%dma_wait3A_81 : memref<128x128xf32, #tpu.memory_space<hbm>>)
      tpu.yield
    }) : () -> ()
    return
  }
}

#map = affine_map<(d0, d1) -> (0, 0)>
#map1 = affine_map<(d0, d1) -> (0)>
module attributes {stable_mosaic.version = 14 : i64} {
  func.func @agg(%arg0: i32, %arg1: i32, %arg2: memref<20000x128xf32, #tpu.memory_space<hbm>>, %arg3: memref<160000xi32, #tpu.memory_space<hbm>>, %arg4: memref<160000xi32, #tpu.memory_space<hbm>>, %arg5: memref<128x128xf32, #tpu.memory_space<hbm>>, %arg6: memref<20480x128xf32, #tpu.memory_space<hbm>>, %arg7: memref<128xi32, #tpu.memory_space<vmem>>, %arg8: memref<128xi32, #tpu.memory_space<vmem>>, %arg9: memref<16xi32, #tpu.memory_space<vmem>>, %arg10: memref<16xi32, #tpu.memory_space<vmem>>, %arg11: memref<128x128xf32, #tpu.memory_space<vmem>>, %arg12: memref<16x128xf32, #tpu.memory_space<vmem>>, %arg13: memref<10240x128xf32, #tpu.memory_space<vmem_shared>>, %arg14: memref<!tpu.dma_semaphore, #tpu.memory_space<semaphore_mem>>) attributes {dimension_semantics = [#tpu.dimension_semantics<core_parallel>, #tpu.dimension_semantics<subcore_parallel>], iteration_bounds = array<i64: 2, 16>, scalar_prefetch = 0 : i64, scratch_operands = 8 : i64, tpu.core_type = #tpu.core_type<sc_vector_subcore>, window_params = [{transform_indices = #map}, {transform_indices = #map1}, {transform_indices = #map1}, {transform_indices = #map}, {transform_indices = #map}]} {
    %mul3A = arith.constant 10000 : i32
    %mul3A_0 = arith.muli %arg0, %mul3A : i32
    %mul3A_1 = arith.constant 640 : i32
    %mul3A_2 = arith.muli %arg1, %mul3A_1 : i32
    "tpu.region"() ({
      %run_scoped3A = tpu.sem_alloc : memref<!tpu.dma_semaphore, #tpu.memory_space<semaphore_mem>>
      tpu.enqueue_dma source(%arg5 : memref<128x128xf32, #tpu.memory_space<hbm>>) target(%arg11 : memref<128x128xf32, #tpu.memory_space<vmem>>) target_semaphore(%run_scoped3A : memref<!tpu.dma_semaphore, #tpu.memory_space<semaphore_mem>>)
      tpu.wait_dma2 semaphore(%run_scoped3A : memref<!tpu.dma_semaphore, #tpu.memory_space<semaphore_mem>>) src(%arg5 : memref<128x128xf32, #tpu.memory_space<hbm>>) dst(%arg11 : memref<128x128xf32, #tpu.memory_space<vmem>>)
      tpu.yield
    }) : () -> ()
    %add3A = arith.constant 0 : i32
    %add3A_3 = arith.addi %mul3A_2, %add3A : i32
    "tpu.region"() ({
      %run_scoped3A = tpu.sem_alloc : memref<!tpu.dma_semaphore, #tpu.memory_space<semaphore_mem>>
      %dma_start3A_65 = arith.constant 0 : i32
      %dma_start3A_66 = arith.constant 0 : i32
      %dma_start3A_67 = tpu.memref_slice %arg11[%dma_start3A_65, %dma_start3A_66] : memref<128x128xf32, #tpu.memory_space<vmem>> -> memref<128x128xf32, #tpu.memory_space<vmem>>
      %dma_start3A_68 = arith.constant 0 : i32
      %dma_start3A_69 = tpu.memref_slice %arg13[%add3A_3, %dma_start3A_68] : memref<10240x128xf32, #tpu.memory_space<vmem_shared>> -> memref<128x128xf32, #tpu.memory_space<vmem_shared>>
      %dma_start3A_70 = arith.constant 0 : i32
      %dma_start3A_71 = tpu.memref_slice %arg13[%add3A_3, %dma_start3A_70] : memref<10240x128xf32, #tpu.memory_space<vmem_shared>> -> memref<128x128xf32, #tpu.memory_space<vmem_shared>>
      %dma_start3A_72 = arith.constant 0 : i32
      %dma_start3A_73 = arith.constant 0 : i32
      %dma_start3A_74 = tpu.memref_slice %arg11[%dma_start3A_72, %dma_start3A_73] : memref<128x128xf32, #tpu.memory_space<vmem>> -> memref<128x128xf32, #tpu.memory_space<vmem>>
      tpu.enqueue_dma source(%dma_start3A_74 : memref<128x128xf32, #tpu.memory_space<vmem>>) target(%dma_start3A_71 : memref<128x128xf32, #tpu.memory_space<vmem_shared>>) target_semaphore(%run_scoped3A : memref<!tpu.dma_semaphore, #tpu.memory_space<semaphore_mem>>)
      %dma_wait3A_75 = arith.constant 0 : i32
      %dma_wait3A_76 = arith.constant 0 : i32
      %dma_wait3A_77 = tpu.memref_slice %arg11[%dma_wait3A_75, %dma_wait3A_76] : memref<128x128xf32, #tpu.memory_space<vmem>> -> memref<128x128xf32, #tpu.memory_space<vmem>>
      %dma_wait3A_78 = arith.constant 0 : i32
      %dma_wait3A_79 = tpu.memref_slice %arg13[%add3A_3, %dma_wait3A_78] : memref<10240x128xf32, #tpu.memory_space<vmem_shared>> -> memref<128x128xf32, #tpu.memory_space<vmem_shared>>
      %dma_wait3A_80 = arith.constant 0 : i32
      %dma_wait3A_81 = tpu.memref_slice %arg13[%add3A_3, %dma_wait3A_80] : memref<10240x128xf32, #tpu.memory_space<vmem_shared>> -> memref<128x128xf32, #tpu.memory_space<vmem_shared>>
      %dma_wait3A_82 = arith.constant 0 : i32
      %dma_wait3A_83 = arith.constant 0 : i32
      %dma_wait3A_84 = tpu.memref_slice %arg11[%dma_wait3A_82, %dma_wait3A_83] : memref<128x128xf32, #tpu.memory_space<vmem>> -> memref<128x128xf32, #tpu.memory_space<vmem>>
      tpu.wait_dma2 semaphore(%run_scoped3A : memref<!tpu.dma_semaphore, #tpu.memory_space<semaphore_mem>>) src(%dma_wait3A_84 : memref<128x128xf32, #tpu.memory_space<vmem>>) dst(%dma_wait3A_81 : memref<128x128xf32, #tpu.memory_space<vmem_shared>>)
      tpu.yield
    }) : () -> ()
    %add3A_4 = arith.constant 128 : i32
    %add3A_5 = arith.addi %mul3A_2, %add3A_4 : i32
    "tpu.region"() ({
      %run_scoped3A = tpu.sem_alloc : memref<!tpu.dma_semaphore, #tpu.memory_space<semaphore_mem>>
      %dma_start3A_65 = arith.constant 0 : i32
      %dma_start3A_66 = arith.constant 0 : i32
      %dma_start3A_67 = tpu.memref_slice %arg11[%dma_start3A_65, %dma_start3A_66] : memref<128x128xf32, #tpu.memory_space<vmem>> -> memref<128x128xf32, #tpu.memory_space<vmem>>
      %dma_start3A_68 = arith.constant 0 : i32
      %dma_start3A_69 = tpu.memref_slice %arg13[%add3A_5, %dma_start3A_68] : memref<10240x128xf32, #tpu.memory_space<vmem_shared>> -> memref<128x128xf32, #tpu.memory_space<vmem_shared>>
      %dma_start3A_70 = arith.constant 0 : i32
      %dma_start3A_71 = tpu.memref_slice %arg13[%add3A_5, %dma_start3A_70] : memref<10240x128xf32, #tpu.memory_space<vmem_shared>> -> memref<128x128xf32, #tpu.memory_space<vmem_shared>>
      %dma_start3A_72 = arith.constant 0 : i32
      %dma_start3A_73 = arith.constant 0 : i32
      %dma_start3A_74 = tpu.memref_slice %arg11[%dma_start3A_72, %dma_start3A_73] : memref<128x128xf32, #tpu.memory_space<vmem>> -> memref<128x128xf32, #tpu.memory_space<vmem>>
      tpu.enqueue_dma source(%dma_start3A_74 : memref<128x128xf32, #tpu.memory_space<vmem>>) target(%dma_start3A_71 : memref<128x128xf32, #tpu.memory_space<vmem_shared>>) target_semaphore(%run_scoped3A : memref<!tpu.dma_semaphore, #tpu.memory_space<semaphore_mem>>)
      %dma_wait3A_75 = arith.constant 0 : i32
      %dma_wait3A_76 = arith.constant 0 : i32
      %dma_wait3A_77 = tpu.memref_slice %arg11[%dma_wait3A_75, %dma_wait3A_76] : memref<128x128xf32, #tpu.memory_space<vmem>> -> memref<128x128xf32, #tpu.memory_space<vmem>>
      %dma_wait3A_78 = arith.constant 0 : i32
      %dma_wait3A_79 = tpu.memref_slice %arg13[%add3A_5, %dma_wait3A_78] : memref<10240x128xf32, #tpu.memory_space<vmem_shared>> -> memref<128x128xf32, #tpu.memory_space<vmem_shared>>
      %dma_wait3A_80 = arith.constant 0 : i32
      %dma_wait3A_81 = tpu.memref_slice %arg13[%add3A_5, %dma_wait3A_80] : memref<10240x128xf32, #tpu.memory_space<vmem_shared>> -> memref<128x128xf32, #tpu.memory_space<vmem_shared>>
      %dma_wait3A_82 = arith.constant 0 : i32
      %dma_wait3A_83 = arith.constant 0 : i32
      %dma_wait3A_84 = tpu.memref_slice %arg11[%dma_wait3A_82, %dma_wait3A_83] : memref<128x128xf32, #tpu.memory_space<vmem>> -> memref<128x128xf32, #tpu.memory_space<vmem>>
      tpu.wait_dma2 semaphore(%run_scoped3A : memref<!tpu.dma_semaphore, #tpu.memory_space<semaphore_mem>>) src(%dma_wait3A_84 : memref<128x128xf32, #tpu.memory_space<vmem>>) dst(%dma_wait3A_81 : memref<128x128xf32, #tpu.memory_space<vmem_shared>>)
      tpu.yield
    }) : () -> ()
    %add3A_6 = arith.constant 256 : i32
    %add3A_7 = arith.addi %mul3A_2, %add3A_6 : i32
    "tpu.region"() ({
      %run_scoped3A = tpu.sem_alloc : memref<!tpu.dma_semaphore, #tpu.memory_space<semaphore_mem>>
      %dma_start3A_65 = arith.constant 0 : i32
      %dma_start3A_66 = arith.constant 0 : i32
      %dma_start3A_67 = tpu.memref_slice %arg11[%dma_start3A_65, %dma_start3A_66] : memref<128x128xf32, #tpu.memory_space<vmem>> -> memref<128x128xf32, #tpu.memory_space<vmem>>
      %dma_start3A_68 = arith.constant 0 : i32
      %dma_start3A_69 = tpu.memref_slice %arg13[%add3A_7, %dma_start3A_68] : memref<10240x128xf32, #tpu.memory_space<vmem_shared>> -> memref<128x128xf32, #tpu.memory_space<vmem_shared>>
      %dma_start3A_70 = arith.constant 0 : i32
      %dma_start3A_71 = tpu.memref_slice %arg13[%add3A_7, %dma_start3A_70] : memref<10240x128xf32, #tpu.memory_space<vmem_shared>> -> memref<128x128xf32, #tpu.memory_space<vmem_shared>>
      %dma_start3A_72 = arith.constant 0 : i32
      %dma_start3A_73 = arith.constant 0 : i32
      %dma_start3A_74 = tpu.memref_slice %arg11[%dma_start3A_72, %dma_start3A_73] : memref<128x128xf32, #tpu.memory_space<vmem>> -> memref<128x128xf32, #tpu.memory_space<vmem>>
      tpu.enqueue_dma source(%dma_start3A_74 : memref<128x128xf32, #tpu.memory_space<vmem>>) target(%dma_start3A_71 : memref<128x128xf32, #tpu.memory_space<vmem_shared>>) target_semaphore(%run_scoped3A : memref<!tpu.dma_semaphore, #tpu.memory_space<semaphore_mem>>)
      %dma_wait3A_75 = arith.constant 0 : i32
      %dma_wait3A_76 = arith.constant 0 : i32
      %dma_wait3A_77 = tpu.memref_slice %arg11[%dma_wait3A_75, %dma_wait3A_76] : memref<128x128xf32, #tpu.memory_space<vmem>> -> memref<128x128xf32, #tpu.memory_space<vmem>>
      %dma_wait3A_78 = arith.constant 0 : i32
      %dma_wait3A_79 = tpu.memref_slice %arg13[%add3A_7, %dma_wait3A_78] : memref<10240x128xf32, #tpu.memory_space<vmem_shared>> -> memref<128x128xf32, #tpu.memory_space<vmem_shared>>
      %dma_wait3A_80 = arith.constant 0 : i32
      %dma_wait3A_81 = tpu.memref_slice %arg13[%add3A_7, %dma_wait3A_80] : memref<10240x128xf32, #tpu.memory_space<vmem_shared>> -> memref<128x128xf32, #tpu.memory_space<vmem_shared>>
      %dma_wait3A_82 = arith.constant 0 : i32
      %dma_wait3A_83 = arith.constant 0 : i32
      %dma_wait3A_84 = tpu.memref_slice %arg11[%dma_wait3A_82, %dma_wait3A_83] : memref<128x128xf32, #tpu.memory_space<vmem>> -> memref<128x128xf32, #tpu.memory_space<vmem>>
      tpu.wait_dma2 semaphore(%run_scoped3A : memref<!tpu.dma_semaphore, #tpu.memory_space<semaphore_mem>>) src(%dma_wait3A_84 : memref<128x128xf32, #tpu.memory_space<vmem>>) dst(%dma_wait3A_81 : memref<128x128xf32, #tpu.memory_space<vmem_shared>>)
      tpu.yield
    }) : () -> ()
    %add3A_8 = arith.constant 384 : i32
    %add3A_9 = arith.addi %mul3A_2, %add3A_8 : i32
    "tpu.region"() ({
      %run_scoped3A = tpu.sem_alloc : memref<!tpu.dma_semaphore, #tpu.memory_space<semaphore_mem>>
      %dma_start3A_65 = arith.constant 0 : i32
      %dma_start3A_66 = arith.constant 0 : i32
      %dma_start3A_67 = tpu.memref_slice %arg11[%dma_start3A_65, %dma_start3A_66] : memref<128x128xf32, #tpu.memory_space<vmem>> -> memref<128x128xf32, #tpu.memory_space<vmem>>
      %dma_start3A_68 = arith.constant 0 : i32
      %dma_start3A_69 = tpu.memref_slice %arg13[%add3A_9, %dma_start3A_68] : memref<10240x128xf32, #tpu.memory_space<vmem_shared>> -> memref<128x128xf32, #tpu.memory_space<vmem_shared>>
      %dma_start3A_70 = arith.constant 0 : i32
      %dma_start3A_71 = tpu.memref_slice %arg13[%add3A_9, %dma_start3A_70] : memref<10240x128xf32, #tpu.memory_space<vmem_shared>> -> memref<128x128xf32, #tpu.memory_space<vmem_shared>>
      %dma_start3A_72 = arith.constant 0 : i32
      %dma_start3A_73 = arith.constant 0 : i32
      %dma_start3A_74 = tpu.memref_slice %arg11[%dma_start3A_72, %dma_start3A_73] : memref<128x128xf32, #tpu.memory_space<vmem>> -> memref<128x128xf32, #tpu.memory_space<vmem>>
      tpu.enqueue_dma source(%dma_start3A_74 : memref<128x128xf32, #tpu.memory_space<vmem>>) target(%dma_start3A_71 : memref<128x128xf32, #tpu.memory_space<vmem_shared>>) target_semaphore(%run_scoped3A : memref<!tpu.dma_semaphore, #tpu.memory_space<semaphore_mem>>)
      %dma_wait3A_75 = arith.constant 0 : i32
      %dma_wait3A_76 = arith.constant 0 : i32
      %dma_wait3A_77 = tpu.memref_slice %arg11[%dma_wait3A_75, %dma_wait3A_76] : memref<128x128xf32, #tpu.memory_space<vmem>> -> memref<128x128xf32, #tpu.memory_space<vmem>>
      %dma_wait3A_78 = arith.constant 0 : i32
      %dma_wait3A_79 = tpu.memref_slice %arg13[%add3A_9, %dma_wait3A_78] : memref<10240x128xf32, #tpu.memory_space<vmem_shared>> -> memref<128x128xf32, #tpu.memory_space<vmem_shared>>
      %dma_wait3A_80 = arith.constant 0 : i32
      %dma_wait3A_81 = tpu.memref_slice %arg13[%add3A_9, %dma_wait3A_80] : memref<10240x128xf32, #tpu.memory_space<vmem_shared>> -> memref<128x128xf32, #tpu.memory_space<vmem_shared>>
      %dma_wait3A_82 = arith.constant 0 : i32
      %dma_wait3A_83 = arith.constant 0 : i32
      %dma_wait3A_84 = tpu.memref_slice %arg11[%dma_wait3A_82, %dma_wait3A_83] : memref<128x128xf32, #tpu.memory_space<vmem>> -> memref<128x128xf32, #tpu.memory_space<vmem>>
      tpu.wait_dma2 semaphore(%run_scoped3A : memref<!tpu.dma_semaphore, #tpu.memory_space<semaphore_mem>>) src(%dma_wait3A_84 : memref<128x128xf32, #tpu.memory_space<vmem>>) dst(%dma_wait3A_81 : memref<128x128xf32, #tpu.memory_space<vmem_shared>>)
      tpu.yield
    }) : () -> ()
    %add3A_10 = arith.constant 512 : i32
    %add3A_11 = arith.addi %mul3A_2, %add3A_10 : i32
    "tpu.region"() ({
      %run_scoped3A = tpu.sem_alloc : memref<!tpu.dma_semaphore, #tpu.memory_space<semaphore_mem>>
      %dma_start3A_65 = arith.constant 0 : i32
      %dma_start3A_66 = arith.constant 0 : i32
      %dma_start3A_67 = tpu.memref_slice %arg11[%dma_start3A_65, %dma_start3A_66] : memref<128x128xf32, #tpu.memory_space<vmem>> -> memref<128x128xf32, #tpu.memory_space<vmem>>
      %dma_start3A_68 = arith.constant 0 : i32
      %dma_start3A_69 = tpu.memref_slice %arg13[%add3A_11, %dma_start3A_68] : memref<10240x128xf32, #tpu.memory_space<vmem_shared>> -> memref<128x128xf32, #tpu.memory_space<vmem_shared>>
      %dma_start3A_70 = arith.constant 0 : i32
      %dma_start3A_71 = tpu.memref_slice %arg13[%add3A_11, %dma_start3A_70] : memref<10240x128xf32, #tpu.memory_space<vmem_shared>> -> memref<128x128xf32, #tpu.memory_space<vmem_shared>>
      %dma_start3A_72 = arith.constant 0 : i32
      %dma_start3A_73 = arith.constant 0 : i32
      %dma_start3A_74 = tpu.memref_slice %arg11[%dma_start3A_72, %dma_start3A_73] : memref<128x128xf32, #tpu.memory_space<vmem>> -> memref<128x128xf32, #tpu.memory_space<vmem>>
      tpu.enqueue_dma source(%dma_start3A_74 : memref<128x128xf32, #tpu.memory_space<vmem>>) target(%dma_start3A_71 : memref<128x128xf32, #tpu.memory_space<vmem_shared>>) target_semaphore(%run_scoped3A : memref<!tpu.dma_semaphore, #tpu.memory_space<semaphore_mem>>)
      %dma_wait3A_75 = arith.constant 0 : i32
      %dma_wait3A_76 = arith.constant 0 : i32
      %dma_wait3A_77 = tpu.memref_slice %arg11[%dma_wait3A_75, %dma_wait3A_76] : memref<128x128xf32, #tpu.memory_space<vmem>> -> memref<128x128xf32, #tpu.memory_space<vmem>>
      %dma_wait3A_78 = arith.constant 0 : i32
      %dma_wait3A_79 = tpu.memref_slice %arg13[%add3A_11, %dma_wait3A_78] : memref<10240x128xf32, #tpu.memory_space<vmem_shared>> -> memref<128x128xf32, #tpu.memory_space<vmem_shared>>
      %dma_wait3A_80 = arith.constant 0 : i32
      %dma_wait3A_81 = tpu.memref_slice %arg13[%add3A_11, %dma_wait3A_80] : memref<10240x128xf32, #tpu.memory_space<vmem_shared>> -> memref<128x128xf32, #tpu.memory_space<vmem_shared>>
      %dma_wait3A_82 = arith.constant 0 : i32
      %dma_wait3A_83 = arith.constant 0 : i32
      %dma_wait3A_84 = tpu.memref_slice %arg11[%dma_wait3A_82, %dma_wait3A_83] : memref<128x128xf32, #tpu.memory_space<vmem>> -> memref<128x128xf32, #tpu.memory_space<vmem>>
      tpu.wait_dma2 semaphore(%run_scoped3A : memref<!tpu.dma_semaphore, #tpu.memory_space<semaphore_mem>>) src(%dma_wait3A_84 : memref<128x128xf32, #tpu.memory_space<vmem>>) dst(%dma_wait3A_81 : memref<128x128xf32, #tpu.memory_space<vmem_shared>>)
      tpu.yield
    }) : () -> ()
    %barrier3A = arith.constant 0 : index
    tpu.barrier barrier_id(%barrier3A)
    %mul3A_12 = arith.constant 10000 : i32
    %mul3A_13 = arith.muli %arg1, %mul3A_12 : i32
    %scan3A = arith.constant 0 : i32
    %scan3A_14 = arith.constant 0 : i32
    %scan3A_15 = arith.constant 78 : i32
    %scan3A_16 = arith.addi %scan3A_14, %scan3A_15 : i32
    %scan3A_17 = arith.constant 1 : i32
    scf.for %scan3A_65 = %scan3A_14 to %scan3A_16 step %scan3A_17  : i32 {
      %mul3A_66 = arith.constant 128 : i32
      %mul3A_67 = arith.muli %scan3A_65, %mul3A_66 : i32
      %add3A_68 = arith.addi %mul3A_13, %mul3A_67 : i32
      %multiple_of3A_69 = tpu.assume_multiple %add3A_68, 8 : i32
      "tpu.region"() ({
        %run_scoped3A = tpu.sem_alloc : memref<!tpu.dma_semaphore, #tpu.memory_space<semaphore_mem>>
        %dma_start3A_148 = tpu.memref_slice %arg3[%multiple_of3A_69] : memref<160000xi32, #tpu.memory_space<hbm>> -> memref<128xi32, #tpu.memory_space<hbm>>
        %dma_start3A_149 = tpu.memref_slice %arg3[%multiple_of3A_69] : memref<160000xi32, #tpu.memory_space<hbm>> -> memref<128xi32, #tpu.memory_space<hbm>>
        tpu.enqueue_dma source(%dma_start3A_149 : memref<128xi32, #tpu.memory_space<hbm>>) target(%arg7 : memref<128xi32, #tpu.memory_space<vmem>>) target_semaphore(%run_scoped3A : memref<!tpu.dma_semaphore, #tpu.memory_space<semaphore_mem>>)
        %dma_wait3A_150 = tpu.memref_slice %arg3[%multiple_of3A_69] : memref<160000xi32, #tpu.memory_space<hbm>> -> memref<128xi32, #tpu.memory_space<hbm>>
        %dma_wait3A_151 = tpu.memref_slice %arg3[%multiple_of3A_69] : memref<160000xi32, #tpu.memory_space<hbm>> -> memref<128xi32, #tpu.memory_space<hbm>>
        tpu.wait_dma2 semaphore(%run_scoped3A : memref<!tpu.dma_semaphore, #tpu.memory_space<semaphore_mem>>) src(%dma_wait3A_151 : memref<128xi32, #tpu.memory_space<hbm>>) dst(%arg7 : memref<128xi32, #tpu.memory_space<vmem>>)
        tpu.yield
      }) : () -> ()
      "tpu.region"() ({
        %run_scoped3A = tpu.sem_alloc : memref<!tpu.dma_semaphore, #tpu.memory_space<semaphore_mem>>
        %dma_start3A_148 = tpu.memref_slice %arg4[%multiple_of3A_69] : memref<160000xi32, #tpu.memory_space<hbm>> -> memref<128xi32, #tpu.memory_space<hbm>>
        %dma_start3A_149 = tpu.memref_slice %arg4[%multiple_of3A_69] : memref<160000xi32, #tpu.memory_space<hbm>> -> memref<128xi32, #tpu.memory_space<hbm>>
        tpu.enqueue_dma source(%dma_start3A_149 : memref<128xi32, #tpu.memory_space<hbm>>) target(%arg8 : memref<128xi32, #tpu.memory_space<vmem>>) target_semaphore(%run_scoped3A : memref<!tpu.dma_semaphore, #tpu.memory_space<semaphore_mem>>)
        %dma_wait3A_150 = tpu.memref_slice %arg4[%multiple_of3A_69] : memref<160000xi32, #tpu.memory_space<hbm>> -> memref<128xi32, #tpu.memory_space<hbm>>
        %dma_wait3A_151 = tpu.memref_slice %arg4[%multiple_of3A_69] : memref<160000xi32, #tpu.memory_space<hbm>> -> memref<128xi32, #tpu.memory_space<hbm>>
        tpu.wait_dma2 semaphore(%run_scoped3A : memref<!tpu.dma_semaphore, #tpu.memory_space<semaphore_mem>>) src(%dma_wait3A_151 : memref<128xi32, #tpu.memory_space<hbm>>) dst(%arg8 : memref<128xi32, #tpu.memory_space<vmem>>)
        tpu.yield
      }) : () -> ()
      %get3A_70 = arith.constant 0 : index
      %get3A_71 = tpu.vector_load %arg7[%get3A_70] {strides = array<i32>} : memref<128xi32, #tpu.memory_space<vmem>>, vector<16xi32>,
      %get3A_72 = vector.shape_cast %get3A_71 : vector<16xi32> to vector<16xi32>
      %add3A_73 = vector.broadcast %mul3A_0 : i32 to vector<16xi32>
      %add3A_74 = arith.addi %get3A_72, %add3A_73 : vector<16xi32>
      %swap3A_75 = arith.constant 0 : index
      %swap3A_76 = tpu.vector_load %arg7[%swap3A_75] {strides = array<i32>} : memref<128xi32, #tpu.memory_space<vmem>>, vector<16xi32>,
      %swap3A_77 = vector.shape_cast %swap3A_76 : vector<16xi32> to vector<16xi32>
      %swap3A_78 = vector.shape_cast %add3A_74 : vector<16xi32> to vector<16xi32>
      tpu.vector_store %arg7[%swap3A_75], %swap3A_78 {strides = array<i32>} : memref<128xi32, #tpu.memory_space<vmem>>, vector<16xi32>,
      %get3A_79 = arith.constant 16 : index
      %get3A_80 = tpu.vector_load %arg7[%get3A_79] {strides = array<i32>} : memref<128xi32, #tpu.memory_space<vmem>>, vector<16xi32>,
      %get3A_81 = vector.shape_cast %get3A_80 : vector<16xi32> to vector<16xi32>
      %add3A_82 = vector.broadcast %mul3A_0 : i32 to vector<16xi32>
      %add3A_83 = arith.addi %get3A_81, %add3A_82 : vector<16xi32>
      %swap3A_84 = arith.constant 16 : index
      %swap3A_85 = tpu.vector_load %arg7[%swap3A_84] {strides = array<i32>} : memref<128xi32, #tpu.memory_space<vmem>>, vector<16xi32>,
      %swap3A_86 = vector.shape_cast %swap3A_85 : vector<16xi32> to vector<16xi32>
      %swap3A_87 = vector.shape_cast %add3A_83 : vector<16xi32> to vector<16xi32>
      tpu.vector_store %arg7[%swap3A_84], %swap3A_87 {strides = array<i32>} : memref<128xi32, #tpu.memory_space<vmem>>, vector<16xi32>,
      %get3A_88 = arith.constant 32 : index
      %get3A_89 = tpu.vector_load %arg7[%get3A_88] {strides = array<i32>} : memref<128xi32, #tpu.memory_space<vmem>>, vector<16xi32>,
      %get3A_90 = vector.shape_cast %get3A_89 : vector<16xi32> to vector<16xi32>
      %add3A_91 = vector.broadcast %mul3A_0 : i32 to vector<16xi32>
      %add3A_92 = arith.addi %get3A_90, %add3A_91 : vector<16xi32>
      %swap3A_93 = arith.constant 32 : index
      %swap3A_94 = tpu.vector_load %arg7[%swap3A_93] {strides = array<i32>} : memref<128xi32, #tpu.memory_space<vmem>>, vector<16xi32>,
      %swap3A_95 = vector.shape_cast %swap3A_94 : vector<16xi32> to vector<16xi32>
      %swap3A_96 = vector.shape_cast %add3A_92 : vector<16xi32> to vector<16xi32>
      tpu.vector_store %arg7[%swap3A_93], %swap3A_96 {strides = array<i32>} : memref<128xi32, #tpu.memory_space<vmem>>, vector<16xi32>,
      %get3A_97 = arith.constant 48 : index
      %get3A_98 = tpu.vector_load %arg7[%get3A_97] {strides = array<i32>} : memref<128xi32, #tpu.memory_space<vmem>>, vector<16xi32>,
      %get3A_99 = vector.shape_cast %get3A_98 : vector<16xi32> to vector<16xi32>
      %add3A_100 = vector.broadcast %mul3A_0 : i32 to vector<16xi32>
      %add3A_101 = arith.addi %get3A_99, %add3A_100 : vector<16xi32>
      %swap3A_102 = arith.constant 48 : index
      %swap3A_103 = tpu.vector_load %arg7[%swap3A_102] {strides = array<i32>} : memref<128xi32, #tpu.memory_space<vmem>>, vector<16xi32>,
      %swap3A_104 = vector.shape_cast %swap3A_103 : vector<16xi32> to vector<16xi32>
      %swap3A_105 = vector.shape_cast %add3A_101 : vector<16xi32> to vector<16xi32>
      tpu.vector_store %arg7[%swap3A_102], %swap3A_105 {strides = array<i32>} : memref<128xi32, #tpu.memory_space<vmem>>, vector<16xi32>,
      %get3A_106 = arith.constant 64 : index
      %get3A_107 = tpu.vector_load %arg7[%get3A_106] {strides = array<i32>} : memref<128xi32, #tpu.memory_space<vmem>>, vector<16xi32>,
      %get3A_108 = vector.shape_cast %get3A_107 : vector<16xi32> to vector<16xi32>
      %add3A_109 = vector.broadcast %mul3A_0 : i32 to vector<16xi32>
      %add3A_110 = arith.addi %get3A_108, %add3A_109 : vector<16xi32>
      %swap3A_111 = arith.constant 64 : index
      %swap3A_112 = tpu.vector_load %arg7[%swap3A_111] {strides = array<i32>} : memref<128xi32, #tpu.memory_space<vmem>>, vector<16xi32>,
      %swap3A_113 = vector.shape_cast %swap3A_112 : vector<16xi32> to vector<16xi32>
      %swap3A_114 = vector.shape_cast %add3A_110 : vector<16xi32> to vector<16xi32>
      tpu.vector_store %arg7[%swap3A_111], %swap3A_114 {strides = array<i32>} : memref<128xi32, #tpu.memory_space<vmem>>, vector<16xi32>,
      %get3A_115 = arith.constant 80 : index
      %get3A_116 = tpu.vector_load %arg7[%get3A_115] {strides = array<i32>} : memref<128xi32, #tpu.memory_space<vmem>>, vector<16xi32>,
      %get3A_117 = vector.shape_cast %get3A_116 : vector<16xi32> to vector<16xi32>
      %add3A_118 = vector.broadcast %mul3A_0 : i32 to vector<16xi32>
      %add3A_119 = arith.addi %get3A_117, %add3A_118 : vector<16xi32>
      %swap3A_120 = arith.constant 80 : index
      %swap3A_121 = tpu.vector_load %arg7[%swap3A_120] {strides = array<i32>} : memref<128xi32, #tpu.memory_space<vmem>>, vector<16xi32>,
      %swap3A_122 = vector.shape_cast %swap3A_121 : vector<16xi32> to vector<16xi32>
      %swap3A_123 = vector.shape_cast %add3A_119 : vector<16xi32> to vector<16xi32>
      tpu.vector_store %arg7[%swap3A_120], %swap3A_123 {strides = array<i32>} : memref<128xi32, #tpu.memory_space<vmem>>, vector<16xi32>,
      %get3A_124 = arith.constant 96 : index
      %get3A_125 = tpu.vector_load %arg7[%get3A_124] {strides = array<i32>} : memref<128xi32, #tpu.memory_space<vmem>>, vector<16xi32>,
      %get3A_126 = vector.shape_cast %get3A_125 : vector<16xi32> to vector<16xi32>
      %add3A_127 = vector.broadcast %mul3A_0 : i32 to vector<16xi32>
      %add3A_128 = arith.addi %get3A_126, %add3A_127 : vector<16xi32>
      %swap3A_129 = arith.constant 96 : index
      %swap3A_130 = tpu.vector_load %arg7[%swap3A_129] {strides = array<i32>} : memref<128xi32, #tpu.memory_space<vmem>>, vector<16xi32>,
      %swap3A_131 = vector.shape_cast %swap3A_130 : vector<16xi32> to vector<16xi32>
      %swap3A_132 = vector.shape_cast %add3A_128 : vector<16xi32> to vector<16xi32>
      tpu.vector_store %arg7[%swap3A_129], %swap3A_132 {strides = array<i32>} : memref<128xi32, #tpu.memory_space<vmem>>, vector<16xi32>,
      %get3A_133 = arith.constant 112 : index
      %get3A_134 = tpu.vector_load %arg7[%get3A_133] {strides = array<i32>} : memref<128xi32, #tpu.memory_space<vmem>>, vector<16xi32>,
      %get3A_135 = vector.shape_cast %get3A_134 : vector<16xi32> to vector<16xi32>
      %add3A_136 = vector.broadcast %mul3A_0 : i32 to vector<16xi32>
      %add3A_137 = arith.addi %get3A_135, %add3A_136 : vector<16xi32>
      %swap3A_138 = arith.constant 112 : index
      %swap3A_139 = tpu.vector_load %arg7[%swap3A_138] {strides = array<i32>} : memref<128xi32, #tpu.memory_space<vmem>>, vector<16xi32>,
      %swap3A_140 = vector.shape_cast %swap3A_139 : vector<16xi32> to vector<16xi32>
      %swap3A_141 = vector.shape_cast %add3A_137 : vector<16xi32> to vector<16xi32>
      tpu.vector_store %arg7[%swap3A_138], %swap3A_141 {strides = array<i32>} : memref<128xi32, #tpu.memory_space<vmem>>, vector<16xi32>,
      %dma_start3A_142 = arith.constant 0 : i32
      %dma_start3A_143 = arith.constant 0 : i32
      %dma_start3A_144 = tpu.memref_slice %arg2[%dma_start3A_142, %dma_start3A_143] : memref<20000x128xf32, #tpu.memory_space<hbm>> -> memref<20000x128xf32, #tpu.memory_space<hbm>>
      tpu.enqueue_indirect_dma source(%dma_start3A_144 : memref<20000x128xf32, #tpu.memory_space<hbm>>) target(%arg11 : memref<128x128xf32, #tpu.memory_space<vmem>>) offsets(%arg7 : memref<128xi32, #tpu.memory_space<vmem>>) semaphore(%arg14 : memref<!tpu.dma_semaphore, #tpu.memory_space<semaphore_mem>>)
      %dma_wait3A_145 = arith.constant 0 : i32
      %dma_wait3A_146 = arith.constant 0 : i32
      %dma_wait3A_147 = tpu.memref_slice %arg2[%dma_wait3A_145, %dma_wait3A_146] : memref<20000x128xf32, #tpu.memory_space<hbm>> -> memref<20000x128xf32, #tpu.memory_space<hbm>>
      tpu.wait_indirect_dma semaphore(%arg14 : memref<!tpu.dma_semaphore, #tpu.memory_space<semaphore_mem>>) src(%dma_wait3A_147 : memref<20000x128xf32, #tpu.memory_space<hbm>>) dst(%arg11 : memref<128x128xf32, #tpu.memory_space<vmem>>)
      "tpu.region"() ({
        %run_scoped3A = tpu.sem_alloc : memref<!tpu.dma_semaphore, #tpu.memory_space<semaphore_mem>>
        %dma_start3A_148 = arith.constant 0 : i32
        %dma_start3A_149 = arith.constant 0 : i32
        %dma_start3A_150 = tpu.memref_slice %arg13[%dma_start3A_148, %dma_start3A_149] : memref<10240x128xf32, #tpu.memory_space<vmem_shared>> -> memref<10240x128xf32, #tpu.memory_space<vmem_shared>>
        tpu.enqueue_indirect_dma source(%arg11 : memref<128x128xf32, #tpu.memory_space<vmem>>) target(%dma_start3A_150 : memref<10240x128xf32, #tpu.memory_space<vmem_shared>>) offsets(%arg8 : memref<128xi32, #tpu.memory_space<vmem>>) semaphore(%run_scoped3A : memref<!tpu.dma_semaphore, #tpu.memory_space<semaphore_mem>>) {add = true}
        %dma_wait3A_151 = arith.constant 0 : i32
        %dma_wait3A_152 = arith.constant 0 : i32
        %dma_wait3A_153 = tpu.memref_slice %arg13[%dma_wait3A_151, %dma_wait3A_152] : memref<10240x128xf32, #tpu.memory_space<vmem_shared>> -> memref<10240x128xf32, #tpu.memory_space<vmem_shared>>
        tpu.wait_indirect_dma semaphore(%run_scoped3A : memref<!tpu.dma_semaphore, #tpu.memory_space<semaphore_mem>>) src(%arg11 : memref<128x128xf32, #tpu.memory_space<vmem>>) dst(%dma_wait3A_153 : memref<10240x128xf32, #tpu.memory_space<vmem_shared>>)
        tpu.yield
      }) : () -> ()
    }
    %scan3A_18 = arith.constant 78 : i32
    %add3A_19 = arith.constant 9984 : i32
    %add3A_20 = arith.addi %mul3A_13, %add3A_19 : i32
    %multiple_of3A = tpu.assume_multiple %add3A_20, 8 : i32
    "tpu.region"() ({
      %run_scoped3A = tpu.sem_alloc : memref<!tpu.dma_semaphore, #tpu.memory_space<semaphore_mem>>
      %dma_start3A_65 = tpu.memref_slice %arg3[%multiple_of3A] : memref<160000xi32, #tpu.memory_space<hbm>> -> memref<16xi32, #tpu.memory_space<hbm>>
      %dma_start3A_66 = tpu.memref_slice %arg3[%multiple_of3A] : memref<160000xi32, #tpu.memory_space<hbm>> -> memref<16xi32, #tpu.memory_space<hbm>>
      tpu.enqueue_dma source(%dma_start3A_66 : memref<16xi32, #tpu.memory_space<hbm>>) target(%arg9 : memref<16xi32, #tpu.memory_space<vmem>>) target_semaphore(%run_scoped3A : memref<!tpu.dma_semaphore, #tpu.memory_space<semaphore_mem>>)
      %dma_wait3A_67 = tpu.memref_slice %arg3[%multiple_of3A] : memref<160000xi32, #tpu.memory_space<hbm>> -> memref<16xi32, #tpu.memory_space<hbm>>
      %dma_wait3A_68 = tpu.memref_slice %arg3[%multiple_of3A] : memref<160000xi32, #tpu.memory_space<hbm>> -> memref<16xi32, #tpu.memory_space<hbm>>
      tpu.wait_dma2 semaphore(%run_scoped3A : memref<!tpu.dma_semaphore, #tpu.memory_space<semaphore_mem>>) src(%dma_wait3A_68 : memref<16xi32, #tpu.memory_space<hbm>>) dst(%arg9 : memref<16xi32, #tpu.memory_space<vmem>>)
      tpu.yield
    }) : () -> ()
    "tpu.region"() ({
      %run_scoped3A = tpu.sem_alloc : memref<!tpu.dma_semaphore, #tpu.memory_space<semaphore_mem>>
      %dma_start3A_65 = tpu.memref_slice %arg4[%multiple_of3A] : memref<160000xi32, #tpu.memory_space<hbm>> -> memref<16xi32, #tpu.memory_space<hbm>>
      %dma_start3A_66 = tpu.memref_slice %arg4[%multiple_of3A] : memref<160000xi32, #tpu.memory_space<hbm>> -> memref<16xi32, #tpu.memory_space<hbm>>
      tpu.enqueue_dma source(%dma_start3A_66 : memref<16xi32, #tpu.memory_space<hbm>>) target(%arg10 : memref<16xi32, #tpu.memory_space<vmem>>) target_semaphore(%run_scoped3A : memref<!tpu.dma_semaphore, #tpu.memory_space<semaphore_mem>>)
      %dma_wait3A_67 = tpu.memref_slice %arg4[%multiple_of3A] : memref<160000xi32, #tpu.memory_space<hbm>> -> memref<16xi32, #tpu.memory_space<hbm>>
      %dma_wait3A_68 = tpu.memref_slice %arg4[%multiple_of3A] : memref<160000xi32, #tpu.memory_space<hbm>> -> memref<16xi32, #tpu.memory_space<hbm>>
      tpu.wait_dma2 semaphore(%run_scoped3A : memref<!tpu.dma_semaphore, #tpu.memory_space<semaphore_mem>>) src(%dma_wait3A_68 : memref<16xi32, #tpu.memory_space<hbm>>) dst(%arg10 : memref<16xi32, #tpu.memory_space<vmem>>)
      tpu.yield
    }) : () -> ()
    %get3A = arith.constant 0 : index
    %get3A_21 = tpu.vector_load %arg9[%get3A] {strides = array<i32>} : memref<16xi32, #tpu.memory_space<vmem>>, vector<16xi32>,
    %get3A_22 = vector.shape_cast %get3A_21 : vector<16xi32> to vector<16xi32>
    %add3A_23 = vector.broadcast %mul3A_0 : i32 to vector<16xi32>
    %add3A_24 = arith.addi %get3A_22, %add3A_23 : vector<16xi32>
    %swap3A = arith.constant 0 : index
    %swap3A_25 = tpu.vector_load %arg9[%swap3A] {strides = array<i32>} : memref<16xi32, #tpu.memory_space<vmem>>, vector<16xi32>,
    %swap3A_26 = vector.shape_cast %swap3A_25 : vector<16xi32> to vector<16xi32>
    %swap3A_27 = vector.shape_cast %add3A_24 : vector<16xi32> to vector<16xi32>
    tpu.vector_store %arg9[%swap3A], %swap3A_27 {strides = array<i32>} : memref<16xi32, #tpu.memory_space<vmem>>, vector<16xi32>,
    %dma_start3A = arith.constant 0 : i32
    %dma_start3A_28 = arith.constant 0 : i32
    %dma_start3A_29 = tpu.memref_slice %arg2[%dma_start3A, %dma_start3A_28] : memref<20000x128xf32, #tpu.memory_space<hbm>> -> memref<20000x128xf32, #tpu.memory_space<hbm>>
    tpu.enqueue_indirect_dma source(%dma_start3A_29 : memref<20000x128xf32, #tpu.memory_space<hbm>>) target(%arg12 : memref<16x128xf32, #tpu.memory_space<vmem>>) offsets(%arg9 : memref<16xi32, #tpu.memory_space<vmem>>) semaphore(%arg14 : memref<!tpu.dma_semaphore, #tpu.memory_space<semaphore_mem>>)
    %dma_wait3A = arith.constant 0 : i32
    %dma_wait3A_30 = arith.constant 0 : i32
    %dma_wait3A_31 = tpu.memref_slice %arg2[%dma_wait3A, %dma_wait3A_30] : memref<20000x128xf32, #tpu.memory_space<hbm>> -> memref<20000x128xf32, #tpu.memory_space<hbm>>
    tpu.wait_indirect_dma semaphore(%arg14 : memref<!tpu.dma_semaphore, #tpu.memory_space<semaphore_mem>>) src(%dma_wait3A_31 : memref<20000x128xf32, #tpu.memory_space<hbm>>) dst(%arg12 : memref<16x128xf32, #tpu.memory_space<vmem>>)
    "tpu.region"() ({
      %run_scoped3A = tpu.sem_alloc : memref<!tpu.dma_semaphore, #tpu.memory_space<semaphore_mem>>
      %dma_start3A_65 = arith.constant 0 : i32
      %dma_start3A_66 = arith.constant 0 : i32
      %dma_start3A_67 = tpu.memref_slice %arg13[%dma_start3A_65, %dma_start3A_66] : memref<10240x128xf32, #tpu.memory_space<vmem_shared>> -> memref<10240x128xf32, #tpu.memory_space<vmem_shared>>
      tpu.enqueue_indirect_dma source(%arg12 : memref<16x128xf32, #tpu.memory_space<vmem>>) target(%dma_start3A_67 : memref<10240x128xf32, #tpu.memory_space<vmem_shared>>) offsets(%arg10 : memref<16xi32, #tpu.memory_space<vmem>>) semaphore(%run_scoped3A : memref<!tpu.dma_semaphore, #tpu.memory_space<semaphore_mem>>) {add = true}
      %dma_wait3A_68 = arith.constant 0 : i32
      %dma_wait3A_69 = arith.constant 0 : i32
      %dma_wait3A_70 = tpu.memref_slice %arg13[%dma_wait3A_68, %dma_wait3A_69] : memref<10240x128xf32, #tpu.memory_space<vmem_shared>> -> memref<10240x128xf32, #tpu.memory_space<vmem_shared>>
      tpu.wait_indirect_dma semaphore(%run_scoped3A : memref<!tpu.dma_semaphore, #tpu.memory_space<semaphore_mem>>) src(%arg12 : memref<16x128xf32, #tpu.memory_space<vmem>>) dst(%dma_wait3A_70 : memref<10240x128xf32, #tpu.memory_space<vmem_shared>>)
      tpu.yield
    }) : () -> ()
    %barrier3A_32 = arith.constant 0 : index
    tpu.barrier barrier_id(%barrier3A_32)
    %mul3A_33 = arith.constant 10240 : i32
    %mul3A_34 = arith.muli %arg0, %mul3A_33 : i32
    %add3A_35 = arith.constant 0 : i32
    %add3A_36 = arith.addi %mul3A_2, %add3A_35 : i32
    "tpu.region"() ({
      %run_scoped3A = tpu.sem_alloc : memref<!tpu.dma_semaphore, #tpu.memory_space<semaphore_mem>>
      %dma_start3A_65 = arith.constant 0 : i32
      %dma_start3A_66 = arith.constant 0 : i32
      %dma_start3A_67 = tpu.memref_slice %arg11[%dma_start3A_65, %dma_start3A_66] : memref<128x128xf32, #tpu.memory_space<vmem>> -> memref<128x128xf32, #tpu.memory_space<vmem>>
      %dma_start3A_68 = arith.constant 0 : i32
      %dma_start3A_69 = tpu.memref_slice %arg13[%add3A_36, %dma_start3A_68] : memref<10240x128xf32, #tpu.memory_space<vmem_shared>> -> memref<128x128xf32, #tpu.memory_space<vmem_shared>>
      %dma_start3A_70 = arith.constant 0 : i32
      %dma_start3A_71 = arith.constant 0 : i32
      %dma_start3A_72 = tpu.memref_slice %arg11[%dma_start3A_70, %dma_start3A_71] : memref<128x128xf32, #tpu.memory_space<vmem>> -> memref<128x128xf32, #tpu.memory_space<vmem>>
      %dma_start3A_73 = arith.constant 0 : i32
      %dma_start3A_74 = tpu.memref_slice %arg13[%add3A_36, %dma_start3A_73] : memref<10240x128xf32, #tpu.memory_space<vmem_shared>> -> memref<128x128xf32, #tpu.memory_space<vmem_shared>>
      tpu.enqueue_dma source(%dma_start3A_74 : memref<128x128xf32, #tpu.memory_space<vmem_shared>>) target(%dma_start3A_72 : memref<128x128xf32, #tpu.memory_space<vmem>>) target_semaphore(%run_scoped3A : memref<!tpu.dma_semaphore, #tpu.memory_space<semaphore_mem>>)
      %dma_wait3A_75 = arith.constant 0 : i32
      %dma_wait3A_76 = arith.constant 0 : i32
      %dma_wait3A_77 = tpu.memref_slice %arg11[%dma_wait3A_75, %dma_wait3A_76] : memref<128x128xf32, #tpu.memory_space<vmem>> -> memref<128x128xf32, #tpu.memory_space<vmem>>
      %dma_wait3A_78 = arith.constant 0 : i32
      %dma_wait3A_79 = tpu.memref_slice %arg13[%add3A_36, %dma_wait3A_78] : memref<10240x128xf32, #tpu.memory_space<vmem_shared>> -> memref<128x128xf32, #tpu.memory_space<vmem_shared>>
      %dma_wait3A_80 = arith.constant 0 : i32
      %dma_wait3A_81 = arith.constant 0 : i32
      %dma_wait3A_82 = tpu.memref_slice %arg11[%dma_wait3A_80, %dma_wait3A_81] : memref<128x128xf32, #tpu.memory_space<vmem>> -> memref<128x128xf32, #tpu.memory_space<vmem>>
      %dma_wait3A_83 = arith.constant 0 : i32
      %dma_wait3A_84 = tpu.memref_slice %arg13[%add3A_36, %dma_wait3A_83] : memref<10240x128xf32, #tpu.memory_space<vmem_shared>> -> memref<128x128xf32, #tpu.memory_space<vmem_shared>>
      tpu.wait_dma2 semaphore(%run_scoped3A : memref<!tpu.dma_semaphore, #tpu.memory_space<semaphore_mem>>) src(%dma_wait3A_84 : memref<128x128xf32, #tpu.memory_space<vmem_shared>>) dst(%dma_wait3A_82 : memref<128x128xf32, #tpu.memory_space<vmem>>)
      tpu.yield
    }) : () -> ()
    %add3A_37 = arith.addi %mul3A_34, %mul3A_2 : i32
    %add3A_38 = arith.constant 0 : i32
    %add3A_39 = arith.addi %add3A_37, %add3A_38 : i32
    %multiple_of3A_40 = tpu.assume_multiple %add3A_39, 8 : i32
    "tpu.region"() ({
      %run_scoped3A = tpu.sem_alloc : memref<!tpu.dma_semaphore, #tpu.memory_space<semaphore_mem>>
      %dma_start3A_65 = arith.constant 0 : i32
      %dma_start3A_66 = arith.constant 0 : i32
      %dma_start3A_67 = tpu.memref_slice %arg11[%dma_start3A_65, %dma_start3A_66] : memref<128x128xf32, #tpu.memory_space<vmem>> -> memref<128x128xf32, #tpu.memory_space<vmem>>
      %dma_start3A_68 = arith.constant 0 : i32
      %dma_start3A_69 = tpu.memref_slice %arg6[%multiple_of3A_40, %dma_start3A_68] : memref<20480x128xf32, #tpu.memory_space<hbm>> -> memref<128x128xf32, #tpu.memory_space<hbm>>
      %dma_start3A_70 = arith.constant 0 : i32
      %dma_start3A_71 = tpu.memref_slice %arg6[%multiple_of3A_40, %dma_start3A_70] : memref<20480x128xf32, #tpu.memory_space<hbm>> -> memref<128x128xf32, #tpu.memory_space<hbm>>
      %dma_start3A_72 = arith.constant 0 : i32
      %dma_start3A_73 = arith.constant 0 : i32
      %dma_start3A_74 = tpu.memref_slice %arg11[%dma_start3A_72, %dma_start3A_73] : memref<128x128xf32, #tpu.memory_space<vmem>> -> memref<128x128xf32, #tpu.memory_space<vmem>>
      tpu.enqueue_dma source(%dma_start3A_74 : memref<128x128xf32, #tpu.memory_space<vmem>>) target(%dma_start3A_71 : memref<128x128xf32, #tpu.memory_space<hbm>>) target_semaphore(%run_scoped3A : memref<!tpu.dma_semaphore, #tpu.memory_space<semaphore_mem>>)
      %dma_wait3A_75 = arith.constant 0 : i32
      %dma_wait3A_76 = arith.constant 0 : i32
      %dma_wait3A_77 = tpu.memref_slice %arg11[%dma_wait3A_75, %dma_wait3A_76] : memref<128x128xf32, #tpu.memory_space<vmem>> -> memref<128x128xf32, #tpu.memory_space<vmem>>
      %dma_wait3A_78 = arith.constant 0 : i32
      %dma_wait3A_79 = tpu.memref_slice %arg6[%multiple_of3A_40, %dma_wait3A_78] : memref<20480x128xf32, #tpu.memory_space<hbm>> -> memref<128x128xf32, #tpu.memory_space<hbm>>
      %dma_wait3A_80 = arith.constant 0 : i32
      %dma_wait3A_81 = tpu.memref_slice %arg6[%multiple_of3A_40, %dma_wait3A_80] : memref<20480x128xf32, #tpu.memory_space<hbm>> -> memref<128x128xf32, #tpu.memory_space<hbm>>
      %dma_wait3A_82 = arith.constant 0 : i32
      %dma_wait3A_83 = arith.constant 0 : i32
      %dma_wait3A_84 = tpu.memref_slice %arg11[%dma_wait3A_82, %dma_wait3A_83] : memref<128x128xf32, #tpu.memory_space<vmem>> -> memref<128x128xf32, #tpu.memory_space<vmem>>
      tpu.wait_dma2 semaphore(%run_scoped3A : memref<!tpu.dma_semaphore, #tpu.memory_space<semaphore_mem>>) src(%dma_wait3A_84 : memref<128x128xf32, #tpu.memory_space<vmem>>) dst(%dma_wait3A_81 : memref<128x128xf32, #tpu.memory_space<hbm>>)
      tpu.yield
    }) : () -> ()
    %add3A_41 = arith.constant 128 : i32
    %add3A_42 = arith.addi %mul3A_2, %add3A_41 : i32
    "tpu.region"() ({
      %run_scoped3A = tpu.sem_alloc : memref<!tpu.dma_semaphore, #tpu.memory_space<semaphore_mem>>
      %dma_start3A_65 = arith.constant 0 : i32
      %dma_start3A_66 = arith.constant 0 : i32
      %dma_start3A_67 = tpu.memref_slice %arg11[%dma_start3A_65, %dma_start3A_66] : memref<128x128xf32, #tpu.memory_space<vmem>> -> memref<128x128xf32, #tpu.memory_space<vmem>>
      %dma_start3A_68 = arith.constant 0 : i32
      %dma_start3A_69 = tpu.memref_slice %arg13[%add3A_42, %dma_start3A_68] : memref<10240x128xf32, #tpu.memory_space<vmem_shared>> -> memref<128x128xf32, #tpu.memory_space<vmem_shared>>
      %dma_start3A_70 = arith.constant 0 : i32
      %dma_start3A_71 = arith.constant 0 : i32
      %dma_start3A_72 = tpu.memref_slice %arg11[%dma_start3A_70, %dma_start3A_71] : memref<128x128xf32, #tpu.memory_space<vmem>> -> memref<128x128xf32, #tpu.memory_space<vmem>>
      %dma_start3A_73 = arith.constant 0 : i32
      %dma_start3A_74 = tpu.memref_slice %arg13[%add3A_42, %dma_start3A_73] : memref<10240x128xf32, #tpu.memory_space<vmem_shared>> -> memref<128x128xf32, #tpu.memory_space<vmem_shared>>
      tpu.enqueue_dma source(%dma_start3A_74 : memref<128x128xf32, #tpu.memory_space<vmem_shared>>) target(%dma_start3A_72 : memref<128x128xf32, #tpu.memory_space<vmem>>) target_semaphore(%run_scoped3A : memref<!tpu.dma_semaphore, #tpu.memory_space<semaphore_mem>>)
      %dma_wait3A_75 = arith.constant 0 : i32
      %dma_wait3A_76 = arith.constant 0 : i32
      %dma_wait3A_77 = tpu.memref_slice %arg11[%dma_wait3A_75, %dma_wait3A_76] : memref<128x128xf32, #tpu.memory_space<vmem>> -> memref<128x128xf32, #tpu.memory_space<vmem>>
      %dma_wait3A_78 = arith.constant 0 : i32
      %dma_wait3A_79 = tpu.memref_slice %arg13[%add3A_42, %dma_wait3A_78] : memref<10240x128xf32, #tpu.memory_space<vmem_shared>> -> memref<128x128xf32, #tpu.memory_space<vmem_shared>>
      %dma_wait3A_80 = arith.constant 0 : i32
      %dma_wait3A_81 = arith.constant 0 : i32
      %dma_wait3A_82 = tpu.memref_slice %arg11[%dma_wait3A_80, %dma_wait3A_81] : memref<128x128xf32, #tpu.memory_space<vmem>> -> memref<128x128xf32, #tpu.memory_space<vmem>>
      %dma_wait3A_83 = arith.constant 0 : i32
      %dma_wait3A_84 = tpu.memref_slice %arg13[%add3A_42, %dma_wait3A_83] : memref<10240x128xf32, #tpu.memory_space<vmem_shared>> -> memref<128x128xf32, #tpu.memory_space<vmem_shared>>
      tpu.wait_dma2 semaphore(%run_scoped3A : memref<!tpu.dma_semaphore, #tpu.memory_space<semaphore_mem>>) src(%dma_wait3A_84 : memref<128x128xf32, #tpu.memory_space<vmem_shared>>) dst(%dma_wait3A_82 : memref<128x128xf32, #tpu.memory_space<vmem>>)
      tpu.yield
    }) : () -> ()
    %add3A_43 = arith.addi %mul3A_34, %mul3A_2 : i32
    %add3A_44 = arith.constant 128 : i32
    %add3A_45 = arith.addi %add3A_43, %add3A_44 : i32
    %multiple_of3A_46 = tpu.assume_multiple %add3A_45, 8 : i32
    "tpu.region"() ({
      %run_scoped3A = tpu.sem_alloc : memref<!tpu.dma_semaphore, #tpu.memory_space<semaphore_mem>>
      %dma_start3A_65 = arith.constant 0 : i32
      %dma_start3A_66 = arith.constant 0 : i32
      %dma_start3A_67 = tpu.memref_slice %arg11[%dma_start3A_65, %dma_start3A_66] : memref<128x128xf32, #tpu.memory_space<vmem>> -> memref<128x128xf32, #tpu.memory_space<vmem>>
      %dma_start3A_68 = arith.constant 0 : i32
      %dma_start3A_69 = tpu.memref_slice %arg6[%multiple_of3A_46, %dma_start3A_68] : memref<20480x128xf32, #tpu.memory_space<hbm>> -> memref<128x128xf32, #tpu.memory_space<hbm>>
      %dma_start3A_70 = arith.constant 0 : i32
      %dma_start3A_71 = tpu.memref_slice %arg6[%multiple_of3A_46, %dma_start3A_70] : memref<20480x128xf32, #tpu.memory_space<hbm>> -> memref<128x128xf32, #tpu.memory_space<hbm>>
      %dma_start3A_72 = arith.constant 0 : i32
      %dma_start3A_73 = arith.constant 0 : i32
      %dma_start3A_74 = tpu.memref_slice %arg11[%dma_start3A_72, %dma_start3A_73] : memref<128x128xf32, #tpu.memory_space<vmem>> -> memref<128x128xf32, #tpu.memory_space<vmem>>
      tpu.enqueue_dma source(%dma_start3A_74 : memref<128x128xf32, #tpu.memory_space<vmem>>) target(%dma_start3A_71 : memref<128x128xf32, #tpu.memory_space<hbm>>) target_semaphore(%run_scoped3A : memref<!tpu.dma_semaphore, #tpu.memory_space<semaphore_mem>>)
      %dma_wait3A_75 = arith.constant 0 : i32
      %dma_wait3A_76 = arith.constant 0 : i32
      %dma_wait3A_77 = tpu.memref_slice %arg11[%dma_wait3A_75, %dma_wait3A_76] : memref<128x128xf32, #tpu.memory_space<vmem>> -> memref<128x128xf32, #tpu.memory_space<vmem>>
      %dma_wait3A_78 = arith.constant 0 : i32
      %dma_wait3A_79 = tpu.memref_slice %arg6[%multiple_of3A_46, %dma_wait3A_78] : memref<20480x128xf32, #tpu.memory_space<hbm>> -> memref<128x128xf32, #tpu.memory_space<hbm>>
      %dma_wait3A_80 = arith.constant 0 : i32
      %dma_wait3A_81 = tpu.memref_slice %arg6[%multiple_of3A_46, %dma_wait3A_80] : memref<20480x128xf32, #tpu.memory_space<hbm>> -> memref<128x128xf32, #tpu.memory_space<hbm>>
      %dma_wait3A_82 = arith.constant 0 : i32
      %dma_wait3A_83 = arith.constant 0 : i32
      %dma_wait3A_84 = tpu.memref_slice %arg11[%dma_wait3A_82, %dma_wait3A_83] : memref<128x128xf32, #tpu.memory_space<vmem>> -> memref<128x128xf32, #tpu.memory_space<vmem>>
      tpu.wait_dma2 semaphore(%run_scoped3A : memref<!tpu.dma_semaphore, #tpu.memory_space<semaphore_mem>>) src(%dma_wait3A_84 : memref<128x128xf32, #tpu.memory_space<vmem>>) dst(%dma_wait3A_81 : memref<128x128xf32, #tpu.memory_space<hbm>>)
      tpu.yield
    }) : () -> ()
    %add3A_47 = arith.constant 256 : i32
    %add3A_48 = arith.addi %mul3A_2, %add3A_47 : i32
    "tpu.region"() ({
      %run_scoped3A = tpu.sem_alloc : memref<!tpu.dma_semaphore, #tpu.memory_space<semaphore_mem>>
      %dma_start3A_65 = arith.constant 0 : i32
      %dma_start3A_66 = arith.constant 0 : i32
      %dma_start3A_67 = tpu.memref_slice %arg11[%dma_start3A_65, %dma_start3A_66] : memref<128x128xf32, #tpu.memory_space<vmem>> -> memref<128x128xf32, #tpu.memory_space<vmem>>
      %dma_start3A_68 = arith.constant 0 : i32
      %dma_start3A_69 = tpu.memref_slice %arg13[%add3A_48, %dma_start3A_68] : memref<10240x128xf32, #tpu.memory_space<vmem_shared>> -> memref<128x128xf32, #tpu.memory_space<vmem_shared>>
      %dma_start3A_70 = arith.constant 0 : i32
      %dma_start3A_71 = arith.constant 0 : i32
      %dma_start3A_72 = tpu.memref_slice %arg11[%dma_start3A_70, %dma_start3A_71] : memref<128x128xf32, #tpu.memory_space<vmem>> -> memref<128x128xf32, #tpu.memory_space<vmem>>
      %dma_start3A_73 = arith.constant 0 : i32
      %dma_start3A_74 = tpu.memref_slice %arg13[%add3A_48, %dma_start3A_73] : memref<10240x128xf32, #tpu.memory_space<vmem_shared>> -> memref<128x128xf32, #tpu.memory_space<vmem_shared>>
      tpu.enqueue_dma source(%dma_start3A_74 : memref<128x128xf32, #tpu.memory_space<vmem_shared>>) target(%dma_start3A_72 : memref<128x128xf32, #tpu.memory_space<vmem>>) target_semaphore(%run_scoped3A : memref<!tpu.dma_semaphore, #tpu.memory_space<semaphore_mem>>)
      %dma_wait3A_75 = arith.constant 0 : i32
      %dma_wait3A_76 = arith.constant 0 : i32
      %dma_wait3A_77 = tpu.memref_slice %arg11[%dma_wait3A_75, %dma_wait3A_76] : memref<128x128xf32, #tpu.memory_space<vmem>> -> memref<128x128xf32, #tpu.memory_space<vmem>>
      %dma_wait3A_78 = arith.constant 0 : i32
      %dma_wait3A_79 = tpu.memref_slice %arg13[%add3A_48, %dma_wait3A_78] : memref<10240x128xf32, #tpu.memory_space<vmem_shared>> -> memref<128x128xf32, #tpu.memory_space<vmem_shared>>
      %dma_wait3A_80 = arith.constant 0 : i32
      %dma_wait3A_81 = arith.constant 0 : i32
      %dma_wait3A_82 = tpu.memref_slice %arg11[%dma_wait3A_80, %dma_wait3A_81] : memref<128x128xf32, #tpu.memory_space<vmem>> -> memref<128x128xf32, #tpu.memory_space<vmem>>
      %dma_wait3A_83 = arith.constant 0 : i32
      %dma_wait3A_84 = tpu.memref_slice %arg13[%add3A_48, %dma_wait3A_83] : memref<10240x128xf32, #tpu.memory_space<vmem_shared>> -> memref<128x128xf32, #tpu.memory_space<vmem_shared>>
      tpu.wait_dma2 semaphore(%run_scoped3A : memref<!tpu.dma_semaphore, #tpu.memory_space<semaphore_mem>>) src(%dma_wait3A_84 : memref<128x128xf32, #tpu.memory_space<vmem_shared>>) dst(%dma_wait3A_82 : memref<128x128xf32, #tpu.memory_space<vmem>>)
      tpu.yield
    }) : () -> ()
    %add3A_49 = arith.addi %mul3A_34, %mul3A_2 : i32
    %add3A_50 = arith.constant 256 : i32
    %add3A_51 = arith.addi %add3A_49, %add3A_50 : i32
    %multiple_of3A_52 = tpu.assume_multiple %add3A_51, 8 : i32
    "tpu.region"() ({
      %run_scoped3A = tpu.sem_alloc : memref<!tpu.dma_semaphore, #tpu.memory_space<semaphore_mem>>
      %dma_start3A_65 = arith.constant 0 : i32
      %dma_start3A_66 = arith.constant 0 : i32
      %dma_start3A_67 = tpu.memref_slice %arg11[%dma_start3A_65, %dma_start3A_66] : memref<128x128xf32, #tpu.memory_space<vmem>> -> memref<128x128xf32, #tpu.memory_space<vmem>>
      %dma_start3A_68 = arith.constant 0 : i32
      %dma_start3A_69 = tpu.memref_slice %arg6[%multiple_of3A_52, %dma_start3A_68] : memref<20480x128xf32, #tpu.memory_space<hbm>> -> memref<128x128xf32, #tpu.memory_space<hbm>>
      %dma_start3A_70 = arith.constant 0 : i32
      %dma_start3A_71 = tpu.memref_slice %arg6[%multiple_of3A_52, %dma_start3A_70] : memref<20480x128xf32, #tpu.memory_space<hbm>> -> memref<128x128xf32, #tpu.memory_space<hbm>>
      %dma_start3A_72 = arith.constant 0 : i32
      %dma_start3A_73 = arith.constant 0 : i32
      %dma_start3A_74 = tpu.memref_slice %arg11[%dma_start3A_72, %dma_start3A_73] : memref<128x128xf32, #tpu.memory_space<vmem>> -> memref<128x128xf32, #tpu.memory_space<vmem>>
      tpu.enqueue_dma source(%dma_start3A_74 : memref<128x128xf32, #tpu.memory_space<vmem>>) target(%dma_start3A_71 : memref<128x128xf32, #tpu.memory_space<hbm>>) target_semaphore(%run_scoped3A : memref<!tpu.dma_semaphore, #tpu.memory_space<semaphore_mem>>)
      %dma_wait3A_75 = arith.constant 0 : i32
      %dma_wait3A_76 = arith.constant 0 : i32
      %dma_wait3A_77 = tpu.memref_slice %arg11[%dma_wait3A_75, %dma_wait3A_76] : memref<128x128xf32, #tpu.memory_space<vmem>> -> memref<128x128xf32, #tpu.memory_space<vmem>>
      %dma_wait3A_78 = arith.constant 0 : i32
      %dma_wait3A_79 = tpu.memref_slice %arg6[%multiple_of3A_52, %dma_wait3A_78] : memref<20480x128xf32, #tpu.memory_space<hbm>> -> memref<128x128xf32, #tpu.memory_space<hbm>>
      %dma_wait3A_80 = arith.constant 0 : i32
      %dma_wait3A_81 = tpu.memref_slice %arg6[%multiple_of3A_52, %dma_wait3A_80] : memref<20480x128xf32, #tpu.memory_space<hbm>> -> memref<128x128xf32, #tpu.memory_space<hbm>>
      %dma_wait3A_82 = arith.constant 0 : i32
      %dma_wait3A_83 = arith.constant 0 : i32
      %dma_wait3A_84 = tpu.memref_slice %arg11[%dma_wait3A_82, %dma_wait3A_83] : memref<128x128xf32, #tpu.memory_space<vmem>> -> memref<128x128xf32, #tpu.memory_space<vmem>>
      tpu.wait_dma2 semaphore(%run_scoped3A : memref<!tpu.dma_semaphore, #tpu.memory_space<semaphore_mem>>) src(%dma_wait3A_84 : memref<128x128xf32, #tpu.memory_space<vmem>>) dst(%dma_wait3A_81 : memref<128x128xf32, #tpu.memory_space<hbm>>)
      tpu.yield
    }) : () -> ()
    %add3A_53 = arith.constant 384 : i32
    %add3A_54 = arith.addi %mul3A_2, %add3A_53 : i32
    "tpu.region"() ({
      %run_scoped3A = tpu.sem_alloc : memref<!tpu.dma_semaphore, #tpu.memory_space<semaphore_mem>>
      %dma_start3A_65 = arith.constant 0 : i32
      %dma_start3A_66 = arith.constant 0 : i32
      %dma_start3A_67 = tpu.memref_slice %arg11[%dma_start3A_65, %dma_start3A_66] : memref<128x128xf32, #tpu.memory_space<vmem>> -> memref<128x128xf32, #tpu.memory_space<vmem>>
      %dma_start3A_68 = arith.constant 0 : i32
      %dma_start3A_69 = tpu.memref_slice %arg13[%add3A_54, %dma_start3A_68] : memref<10240x128xf32, #tpu.memory_space<vmem_shared>> -> memref<128x128xf32, #tpu.memory_space<vmem_shared>>
      %dma_start3A_70 = arith.constant 0 : i32
      %dma_start3A_71 = arith.constant 0 : i32
      %dma_start3A_72 = tpu.memref_slice %arg11[%dma_start3A_70, %dma_start3A_71] : memref<128x128xf32, #tpu.memory_space<vmem>> -> memref<128x128xf32, #tpu.memory_space<vmem>>
      %dma_start3A_73 = arith.constant 0 : i32
      %dma_start3A_74 = tpu.memref_slice %arg13[%add3A_54, %dma_start3A_73] : memref<10240x128xf32, #tpu.memory_space<vmem_shared>> -> memref<128x128xf32, #tpu.memory_space<vmem_shared>>
      tpu.enqueue_dma source(%dma_start3A_74 : memref<128x128xf32, #tpu.memory_space<vmem_shared>>) target(%dma_start3A_72 : memref<128x128xf32, #tpu.memory_space<vmem>>) target_semaphore(%run_scoped3A : memref<!tpu.dma_semaphore, #tpu.memory_space<semaphore_mem>>)
      %dma_wait3A_75 = arith.constant 0 : i32
      %dma_wait3A_76 = arith.constant 0 : i32
      %dma_wait3A_77 = tpu.memref_slice %arg11[%dma_wait3A_75, %dma_wait3A_76] : memref<128x128xf32, #tpu.memory_space<vmem>> -> memref<128x128xf32, #tpu.memory_space<vmem>>
      %dma_wait3A_78 = arith.constant 0 : i32
      %dma_wait3A_79 = tpu.memref_slice %arg13[%add3A_54, %dma_wait3A_78] : memref<10240x128xf32, #tpu.memory_space<vmem_shared>> -> memref<128x128xf32, #tpu.memory_space<vmem_shared>>
      %dma_wait3A_80 = arith.constant 0 : i32
      %dma_wait3A_81 = arith.constant 0 : i32
      %dma_wait3A_82 = tpu.memref_slice %arg11[%dma_wait3A_80, %dma_wait3A_81] : memref<128x128xf32, #tpu.memory_space<vmem>> -> memref<128x128xf32, #tpu.memory_space<vmem>>
      %dma_wait3A_83 = arith.constant 0 : i32
      %dma_wait3A_84 = tpu.memref_slice %arg13[%add3A_54, %dma_wait3A_83] : memref<10240x128xf32, #tpu.memory_space<vmem_shared>> -> memref<128x128xf32, #tpu.memory_space<vmem_shared>>
      tpu.wait_dma2 semaphore(%run_scoped3A : memref<!tpu.dma_semaphore, #tpu.memory_space<semaphore_mem>>) src(%dma_wait3A_84 : memref<128x128xf32, #tpu.memory_space<vmem_shared>>) dst(%dma_wait3A_82 : memref<128x128xf32, #tpu.memory_space<vmem>>)
      tpu.yield
    }) : () -> ()
    %add3A_55 = arith.addi %mul3A_34, %mul3A_2 : i32
    %add3A_56 = arith.constant 384 : i32
    %add3A_57 = arith.addi %add3A_55, %add3A_56 : i32
    %multiple_of3A_58 = tpu.assume_multiple %add3A_57, 8 : i32
    "tpu.region"() ({
      %run_scoped3A = tpu.sem_alloc : memref<!tpu.dma_semaphore, #tpu.memory_space<semaphore_mem>>
      %dma_start3A_65 = arith.constant 0 : i32
      %dma_start3A_66 = arith.constant 0 : i32
      %dma_start3A_67 = tpu.memref_slice %arg11[%dma_start3A_65, %dma_start3A_66] : memref<128x128xf32, #tpu.memory_space<vmem>> -> memref<128x128xf32, #tpu.memory_space<vmem>>
      %dma_start3A_68 = arith.constant 0 : i32
      %dma_start3A_69 = tpu.memref_slice %arg6[%multiple_of3A_58, %dma_start3A_68] : memref<20480x128xf32, #tpu.memory_space<hbm>> -> memref<128x128xf32, #tpu.memory_space<hbm>>
      %dma_start3A_70 = arith.constant 0 : i32
      %dma_start3A_71 = tpu.memref_slice %arg6[%multiple_of3A_58, %dma_start3A_70] : memref<20480x128xf32, #tpu.memory_space<hbm>> -> memref<128x128xf32, #tpu.memory_space<hbm>>
      %dma_start3A_72 = arith.constant 0 : i32
      %dma_start3A_73 = arith.constant 0 : i32
      %dma_start3A_74 = tpu.memref_slice %arg11[%dma_start3A_72, %dma_start3A_73] : memref<128x128xf32, #tpu.memory_space<vmem>> -> memref<128x128xf32, #tpu.memory_space<vmem>>
      tpu.enqueue_dma source(%dma_start3A_74 : memref<128x128xf32, #tpu.memory_space<vmem>>) target(%dma_start3A_71 : memref<128x128xf32, #tpu.memory_space<hbm>>) target_semaphore(%run_scoped3A : memref<!tpu.dma_semaphore, #tpu.memory_space<semaphore_mem>>)
      %dma_wait3A_75 = arith.constant 0 : i32
      %dma_wait3A_76 = arith.constant 0 : i32
      %dma_wait3A_77 = tpu.memref_slice %arg11[%dma_wait3A_75, %dma_wait3A_76] : memref<128x128xf32, #tpu.memory_space<vmem>> -> memref<128x128xf32, #tpu.memory_space<vmem>>
      %dma_wait3A_78 = arith.constant 0 : i32
      %dma_wait3A_79 = tpu.memref_slice %arg6[%multiple_of3A_58, %dma_wait3A_78] : memref<20480x128xf32, #tpu.memory_space<hbm>> -> memref<128x128xf32, #tpu.memory_space<hbm>>
      %dma_wait3A_80 = arith.constant 0 : i32
      %dma_wait3A_81 = tpu.memref_slice %arg6[%multiple_of3A_58, %dma_wait3A_80] : memref<20480x128xf32, #tpu.memory_space<hbm>> -> memref<128x128xf32, #tpu.memory_space<hbm>>
      %dma_wait3A_82 = arith.constant 0 : i32
      %dma_wait3A_83 = arith.constant 0 : i32
      %dma_wait3A_84 = tpu.memref_slice %arg11[%dma_wait3A_82, %dma_wait3A_83] : memref<128x128xf32, #tpu.memory_space<vmem>> -> memref<128x128xf32, #tpu.memory_space<vmem>>
      tpu.wait_dma2 semaphore(%run_scoped3A : memref<!tpu.dma_semaphore, #tpu.memory_space<semaphore_mem>>) src(%dma_wait3A_84 : memref<128x128xf32, #tpu.memory_space<vmem>>) dst(%dma_wait3A_81 : memref<128x128xf32, #tpu.memory_space<hbm>>)
      tpu.yield
    }) : () -> ()
    %add3A_59 = arith.constant 512 : i32
    %add3A_60 = arith.addi %mul3A_2, %add3A_59 : i32
    "tpu.region"() ({
      %run_scoped3A = tpu.sem_alloc : memref<!tpu.dma_semaphore, #tpu.memory_space<semaphore_mem>>
      %dma_start3A_65 = arith.constant 0 : i32
      %dma_start3A_66 = arith.constant 0 : i32
      %dma_start3A_67 = tpu.memref_slice %arg11[%dma_start3A_65, %dma_start3A_66] : memref<128x128xf32, #tpu.memory_space<vmem>> -> memref<128x128xf32, #tpu.memory_space<vmem>>
      %dma_start3A_68 = arith.constant 0 : i32
      %dma_start3A_69 = tpu.memref_slice %arg13[%add3A_60, %dma_start3A_68] : memref<10240x128xf32, #tpu.memory_space<vmem_shared>> -> memref<128x128xf32, #tpu.memory_space<vmem_shared>>
      %dma_start3A_70 = arith.constant 0 : i32
      %dma_start3A_71 = arith.constant 0 : i32
      %dma_start3A_72 = tpu.memref_slice %arg11[%dma_start3A_70, %dma_start3A_71] : memref<128x128xf32, #tpu.memory_space<vmem>> -> memref<128x128xf32, #tpu.memory_space<vmem>>
      %dma_start3A_73 = arith.constant 0 : i32
      %dma_start3A_74 = tpu.memref_slice %arg13[%add3A_60, %dma_start3A_73] : memref<10240x128xf32, #tpu.memory_space<vmem_shared>> -> memref<128x128xf32, #tpu.memory_space<vmem_shared>>
      tpu.enqueue_dma source(%dma_start3A_74 : memref<128x128xf32, #tpu.memory_space<vmem_shared>>) target(%dma_start3A_72 : memref<128x128xf32, #tpu.memory_space<vmem>>) target_semaphore(%run_scoped3A : memref<!tpu.dma_semaphore, #tpu.memory_space<semaphore_mem>>)
      %dma_wait3A_75 = arith.constant 0 : i32
      %dma_wait3A_76 = arith.constant 0 : i32
      %dma_wait3A_77 = tpu.memref_slice %arg11[%dma_wait3A_75, %dma_wait3A_76] : memref<128x128xf32, #tpu.memory_space<vmem>> -> memref<128x128xf32, #tpu.memory_space<vmem>>
      %dma_wait3A_78 = arith.constant 0 : i32
      %dma_wait3A_79 = tpu.memref_slice %arg13[%add3A_60, %dma_wait3A_78] : memref<10240x128xf32, #tpu.memory_space<vmem_shared>> -> memref<128x128xf32, #tpu.memory_space<vmem_shared>>
      %dma_wait3A_80 = arith.constant 0 : i32
      %dma_wait3A_81 = arith.constant 0 : i32
      %dma_wait3A_82 = tpu.memref_slice %arg11[%dma_wait3A_80, %dma_wait3A_81] : memref<128x128xf32, #tpu.memory_space<vmem>> -> memref<128x128xf32, #tpu.memory_space<vmem>>
      %dma_wait3A_83 = arith.constant 0 : i32
      %dma_wait3A_84 = tpu.memref_slice %arg13[%add3A_60, %dma_wait3A_83] : memref<10240x128xf32, #tpu.memory_space<vmem_shared>> -> memref<128x128xf32, #tpu.memory_space<vmem_shared>>
      tpu.wait_dma2 semaphore(%run_scoped3A : memref<!tpu.dma_semaphore, #tpu.memory_space<semaphore_mem>>) src(%dma_wait3A_84 : memref<128x128xf32, #tpu.memory_space<vmem_shared>>) dst(%dma_wait3A_82 : memref<128x128xf32, #tpu.memory_space<vmem>>)
      tpu.yield
    }) : () -> ()
    %add3A_61 = arith.addi %mul3A_34, %mul3A_2 : i32
    %add3A_62 = arith.constant 512 : i32
    %add3A_63 = arith.addi %add3A_61, %add3A_62 : i32
    %multiple_of3A_64 = tpu.assume_multiple %add3A_63, 8 : i32
    "tpu.region"() ({
      %run_scoped3A = tpu.sem_alloc : memref<!tpu.dma_semaphore, #tpu.memory_space<semaphore_mem>>
      %dma_start3A_65 = arith.constant 0 : i32
      %dma_start3A_66 = arith.constant 0 : i32
      %dma_start3A_67 = tpu.memref_slice %arg11[%dma_start3A_65, %dma_start3A_66] : memref<128x128xf32, #tpu.memory_space<vmem>> -> memref<128x128xf32, #tpu.memory_space<vmem>>
      %dma_start3A_68 = arith.constant 0 : i32
      %dma_start3A_69 = tpu.memref_slice %arg6[%multiple_of3A_64, %dma_start3A_68] : memref<20480x128xf32, #tpu.memory_space<hbm>> -> memref<128x128xf32, #tpu.memory_space<hbm>>
      %dma_start3A_70 = arith.constant 0 : i32
      %dma_start3A_71 = tpu.memref_slice %arg6[%multiple_of3A_64, %dma_start3A_70] : memref<20480x128xf32, #tpu.memory_space<hbm>> -> memref<128x128xf32, #tpu.memory_space<hbm>>
      %dma_start3A_72 = arith.constant 0 : i32
      %dma_start3A_73 = arith.constant 0 : i32
      %dma_start3A_74 = tpu.memref_slice %arg11[%dma_start3A_72, %dma_start3A_73] : memref<128x128xf32, #tpu.memory_space<vmem>> -> memref<128x128xf32, #tpu.memory_space<vmem>>
      tpu.enqueue_dma source(%dma_start3A_74 : memref<128x128xf32, #tpu.memory_space<vmem>>) target(%dma_start3A_71 : memref<128x128xf32, #tpu.memory_space<hbm>>) target_semaphore(%run_scoped3A : memref<!tpu.dma_semaphore, #tpu.memory_space<semaphore_mem>>)
      %dma_wait3A_75 = arith.constant 0 : i32
      %dma_wait3A_76 = arith.constant 0 : i32
      %dma_wait3A_77 = tpu.memref_slice %arg11[%dma_wait3A_75, %dma_wait3A_76] : memref<128x128xf32, #tpu.memory_space<vmem>> -> memref<128x128xf32, #tpu.memory_space<vmem>>
      %dma_wait3A_78 = arith.constant 0 : i32
      %dma_wait3A_79 = tpu.memref_slice %arg6[%multiple_of3A_64, %dma_wait3A_78] : memref<20480x128xf32, #tpu.memory_space<hbm>> -> memref<128x128xf32, #tpu.memory_space<hbm>>
      %dma_wait3A_80 = arith.constant 0 : i32
      %dma_wait3A_81 = tpu.memref_slice %arg6[%multiple_of3A_64, %dma_wait3A_80] : memref<20480x128xf32, #tpu.memory_space<hbm>> -> memref<128x128xf32, #tpu.memory_space<hbm>>
      %dma_wait3A_82 = arith.constant 0 : i32
      %dma_wait3A_83 = arith.constant 0 : i32
      %dma_wait3A_84 = tpu.memref_slice %arg11[%dma_wait3A_82, %dma_wait3A_83] : memref<128x128xf32, #tpu.memory_space<vmem>> -> memref<128x128xf32, #tpu.memory_space<vmem>>
      tpu.wait_dma2 semaphore(%run_scoped3A : memref<!tpu.dma_semaphore, #tpu.memory_space<semaphore_mem>>) src(%dma_wait3A_84 : memref<128x128xf32, #tpu.memory_space<vmem>>) dst(%dma_wait3A_81 : memref<128x128xf32, #tpu.memory_space<hbm>>)
      tpu.yield
    }) : () -> ()
    return
  }
}

module attributes {stable_mosaic.version = 14 : i64} {
  func.func @_tc1_body(%arg0: i32, %arg1: memref<2000x2xf32, #tpu.memory_space<vmem>>, %arg2: memref<2000x256xf32, #tpu.memory_space<vmem>>, %arg3: memref<256x256xf32, #tpu.memory_space<vmem>>, %arg4: memref<2x2000x128xf32, #tpu.memory_space<vmem>>) attributes {dimension_semantics = [#tpu.dimension_semantics<arbitrary>], iteration_bounds = array<i64: 5>, scalar_prefetch = 0 : i64, scratch_operands = 0 : i64, tpu.core_type = #tpu.core_type<tc>, window_params = [{transform_indices = @transform_0, window_bounds = array<i64: 2000, 2>}, {transform_indices = @transform_1, window_bounds = array<i64: 2000, 256>}, {pipeline_mode = #tpu.pipeline_mode<synchronous>, transform_indices = @transform_2, window_bounds = array<i64: 256, 256>}, {transform_indices = @transform_3, window_bounds = array<i64: 2, 2000, 128>}]} {
    %get3A = arith.constant 0 : index
    %get3A_0 = arith.constant 0 : index
    %get3A_1 = vector.load %arg1[%get3A, %get3A_0] : memref<2000x2xf32, #tpu.memory_space<vmem>>, vector<2000x2xf32>
    %slice3A = vector.extract_strided_slice %get3A_1 {offsets = [0, 0], sizes = [2000, 1], strides = [1, 1]} : vector<2000x2xf32> to vector<2000x1xf32>
    %slice3A_2 = vector.extract_strided_slice %get3A_1 {offsets = [0, 1], sizes = [2000, 1], strides = [1, 1]} : vector<2000x2xf32> to vector<2000x1xf32>
    %add3A = arith.addf %slice3A, %slice3A_2 : vector<2000x1xf32>
    %add3A_3 = arith.constant 1.000000e+00 : f32
    %add3A_4 = vector.broadcast %add3A_3 : f32 to vector<2000x1xf32>
    %add3A_5 = arith.addf %add3A, %add3A_4 : vector<2000x1xf32>
    %rsqrt3A = math.rsqrt %add3A_5 : vector<2000x1xf32>
    %get3A_6 = arith.constant 0 : index
    %get3A_7 = arith.constant 0 : index
    %get3A_8 = vector.load %arg2[%get3A_6, %get3A_7] : memref<2000x256xf32, #tpu.memory_space<vmem>>, vector<2000x256xf32>
    %get3A_9 = arith.constant 0 : index
    %get3A_10 = arith.constant 0 : index
    %get3A_11 = vector.load %arg3[%get3A_9, %get3A_10] : memref<256x256xf32, #tpu.memory_space<vmem>>, vector<256x256xf32>
    %dot_general3A = arith.constant dense<0.000000e+00> : vector<2000x256xf32>
    %dot_general3A_12 = tpu.matmul %get3A_8, %get3A_11, %dot_general3A {dimension_numbers = #tpu.dot_dimension_numbers<[1], [0], [0], [1], [0, 0, 1, 1], [], []>, precision = #tpu.contract_precision<fp32>, transpose_lhs_hint = false} : vector<2000x256xf32>, vector<256x256xf32>, vector<2000x256xf32> -> vector<2000x256xf32>
    %mul3A = vector.broadcast %rsqrt3A : vector<2000x1xf32> to vector<2000x256xf32>
    %mul3A_13 = arith.mulf %mul3A, %dot_general3A_12 : vector<2000x256xf32>
    %slice3A_14 = vector.extract_strided_slice %mul3A_13 {offsets = [0, 0], sizes = [2000, 128], strides = [1, 1]} : vector<2000x256xf32> to vector<2000x128xf32>
    %swap3A = arith.constant 0 : index
    %swap3A_15 = arith.constant 0 : index
    %swap3A_16 = arith.constant 0 : index
    %swap3A_17 = vector.load %arg4[%swap3A, %swap3A_15, %swap3A_16] : memref<2x2000x128xf32, #tpu.memory_space<vmem>>, vector<1x2000x128xf32>
    %swap3A_18 = vector.shape_cast %swap3A_17 : vector<1x2000x128xf32> to vector<2000x128xf32>
    %swap3A_19 = vector.shape_cast %slice3A_14 : vector<2000x128xf32> to vector<1x2000x128xf32>
    tpu.vector_store %arg4[%swap3A, %swap3A_15, %swap3A_16], %swap3A_19 {strides = array<i32>} : memref<2x2000x128xf32, #tpu.memory_space<vmem>>, vector<1x2000x128xf32>,
    %slice3A_20 = vector.extract_strided_slice %mul3A_13 {offsets = [0, 128], sizes = [2000, 128], strides = [1, 1]} : vector<2000x256xf32> to vector<2000x128xf32>
    %swap3A_21 = arith.constant 1 : index
    %swap3A_22 = arith.constant 0 : index
    %swap3A_23 = arith.constant 0 : index
    %swap3A_24 = vector.load %arg4[%swap3A_21, %swap3A_22, %swap3A_23] : memref<2x2000x128xf32, #tpu.memory_space<vmem>>, vector<1x2000x128xf32>
    %swap3A_25 = vector.shape_cast %swap3A_24 : vector<1x2000x128xf32> to vector<2000x128xf32>
    %swap3A_26 = vector.shape_cast %slice3A_20 : vector<2000x128xf32> to vector<1x2000x128xf32>
    tpu.vector_store %arg4[%swap3A_21, %swap3A_22, %swap3A_23], %swap3A_26 {strides = array<i32>} : memref<2x2000x128xf32, #tpu.memory_space<vmem>>, vector<1x2000x128xf32>,
    return
  }
  func.func @transform_0(%arg0: i32) -> (i32, i32) {
    %c0_i32 = arith.constant 0 : i32
    %c0_i32_0 = arith.constant 0 : i32
    return %arg0, %c0_i32 : i32, i32
  }
  func.func @transform_1(%arg0: i32) -> (i32, i32) {
    %c0_i32 = arith.constant 0 : i32
    %c0_i32_0 = arith.constant 0 : i32
    return %arg0, %c0_i32 : i32, i32
  }
  func.func @transform_2(%arg0: i32) -> (i32, i32) {
    %c0_i32 = arith.constant 0 : i32
    %c0_i32_0 = arith.constant 0 : i32
    %c0_i32_1 = arith.constant 0 : i32
    return %c0_i32, %c0_i32_0 : i32, i32
  }
  func.func @transform_3(%arg0: i32) -> (i32, i32, i32) {
    %c0_i32 = arith.constant 0 : i32
    %c0_i32_0 = arith.constant 0 : i32
    %c0_i32_1 = arith.constant 0 : i32
    return %c0_i32, %arg0, %c0_i32_0 : i32, i32, i32
  }
}

module attributes {stable_mosaic.version = 14 : i64} {
  func.func @_tc2_body(%arg0: i32, %arg1: memref<2000x2xf32, #tpu.memory_space<vmem>>, %arg2: memref<2x2000x128xf32, #tpu.memory_space<vmem>>, %arg3: memref<2x2000x128xf32, #tpu.memory_space<vmem>>, %arg4: memref<1x256xf32, #tpu.memory_space<vmem>>, %arg5: memref<2x2000x128xf32, #tpu.memory_space<vmem>>) attributes {dimension_semantics = [#tpu.dimension_semantics<arbitrary>], iteration_bounds = array<i64: 5>, scalar_prefetch = 0 : i64, scratch_operands = 0 : i64, tpu.core_type = #tpu.core_type<tc>, window_params = [{transform_indices = @transform_0, window_bounds = array<i64: 2000, 2>}, {transform_indices = @transform_1, window_bounds = array<i64: 2, 2000, 128>}, {transform_indices = @transform_2, window_bounds = array<i64: 2, 2000, 128>}, {pipeline_mode = #tpu.pipeline_mode<synchronous>, transform_indices = @transform_3, window_bounds = array<i64: 1, 256>}, {transform_indices = @transform_4, window_bounds = array<i64: 2, 2000, 128>}]} {
    %get3A = arith.constant 0 : index
    %get3A_0 = arith.constant 0 : index
    %get3A_1 = vector.load %arg1[%get3A, %get3A_0] : memref<2000x2xf32, #tpu.memory_space<vmem>>, vector<2000x2xf32>
    %slice3A = vector.extract_strided_slice %get3A_1 {offsets = [0, 0], sizes = [2000, 1], strides = [1, 1]} : vector<2000x2xf32> to vector<2000x1xf32>
    %slice3A_2 = vector.extract_strided_slice %get3A_1 {offsets = [0, 1], sizes = [2000, 1], strides = [1, 1]} : vector<2000x2xf32> to vector<2000x1xf32>
    %add3A = arith.addf %slice3A, %slice3A_2 : vector<2000x1xf32>
    %add3A_3 = arith.constant 1.000000e+00 : f32
    %add3A_4 = vector.broadcast %add3A_3 : f32 to vector<2000x1xf32>
    %add3A_5 = arith.addf %add3A, %add3A_4 : vector<2000x1xf32>
    %rsqrt3A = math.rsqrt %add3A_5 : vector<2000x1xf32>
    %get3A_6 = arith.constant 0 : index
    %get3A_7 = arith.constant 0 : index
    %get3A_8 = arith.constant 0 : index
    %get3A_9 = vector.load %arg2[%get3A_6, %get3A_7, %get3A_8] : memref<2x2000x128xf32, #tpu.memory_space<vmem>>, vector<1x2000x128xf32>
    %get3A_10 = vector.shape_cast %get3A_9 : vector<1x2000x128xf32> to vector<2000x128xf32>
    %get3A_11 = arith.constant 0 : index
    %get3A_12 = arith.constant 0 : index
    %get3A_13 = arith.constant 0 : index
    %get3A_14 = vector.load %arg3[%get3A_11, %get3A_12, %get3A_13] : memref<2x2000x128xf32, #tpu.memory_space<vmem>>, vector<1x2000x128xf32>
    %get3A_15 = vector.shape_cast %get3A_14 : vector<1x2000x128xf32> to vector<2000x128xf32>
    %add3A_16 = arith.addf %get3A_10, %get3A_15 : vector<2000x128xf32>
    %get3A_17 = arith.constant 1 : index
    %get3A_18 = arith.constant 0 : index
    %get3A_19 = arith.constant 0 : index
    %get3A_20 = vector.load %arg2[%get3A_17, %get3A_18, %get3A_19] : memref<2x2000x128xf32, #tpu.memory_space<vmem>>, vector<1x2000x128xf32>
    %get3A_21 = vector.shape_cast %get3A_20 : vector<1x2000x128xf32> to vector<2000x128xf32>
    %get3A_22 = arith.constant 1 : index
    %get3A_23 = arith.constant 0 : index
    %get3A_24 = arith.constant 0 : index
    %get3A_25 = vector.load %arg3[%get3A_22, %get3A_23, %get3A_24] : memref<2x2000x128xf32, #tpu.memory_space<vmem>>, vector<1x2000x128xf32>
    %get3A_26 = vector.shape_cast %get3A_25 : vector<1x2000x128xf32> to vector<2000x128xf32>
    %add3A_27 = arith.addf %get3A_21, %get3A_26 : vector<2000x128xf32>
    %concatenate3A = tpu.concatenate %add3A_16, %add3A_27 in 1 : vector<2000x128xf32>, vector<2000x128xf32> -> vector<2000x256xf32>
    %mul3A = vector.broadcast %rsqrt3A : vector<2000x1xf32> to vector<2000x256xf32>
    %mul3A_28 = arith.mulf %mul3A, %concatenate3A : vector<2000x256xf32>
    %get3A_29 = arith.constant 0 : index
    %get3A_30 = arith.constant 0 : index
    %get3A_31 = vector.load %arg4[%get3A_29, %get3A_30] : memref<1x256xf32, #tpu.memory_space<vmem>>, vector<1x256xf32>
    %add3A_32 = vector.broadcast %get3A_31 : vector<1x256xf32> to vector<2000x256xf32>
    %add3A_33 = arith.addf %mul3A_28, %add3A_32 : vector<2000x256xf32>
    %max3A = arith.constant 0.000000e+00 : f32
    %max3A_34 = vector.broadcast %max3A : f32 to vector<2000x256xf32>
    %max3A_35 = arith.maximumf %add3A_33, %max3A_34 : vector<2000x256xf32>
    %mul3A_36 = vector.broadcast %rsqrt3A : vector<2000x1xf32> to vector<2000x256xf32>
    %mul3A_37 = arith.mulf %mul3A_36, %max3A_35 : vector<2000x256xf32>
    %slice3A_38 = vector.extract_strided_slice %mul3A_37 {offsets = [0, 0], sizes = [2000, 128], strides = [1, 1]} : vector<2000x256xf32> to vector<2000x128xf32>
    %swap3A = arith.constant 0 : index
    %swap3A_39 = arith.constant 0 : index
    %swap3A_40 = arith.constant 0 : index
    %swap3A_41 = vector.load %arg5[%swap3A, %swap3A_39, %swap3A_40] : memref<2x2000x128xf32, #tpu.memory_space<vmem>>, vector<1x2000x128xf32>
    %swap3A_42 = vector.shape_cast %swap3A_41 : vector<1x2000x128xf32> to vector<2000x128xf32>
    %swap3A_43 = vector.shape_cast %slice3A_38 : vector<2000x128xf32> to vector<1x2000x128xf32>
    tpu.vector_store %arg5[%swap3A, %swap3A_39, %swap3A_40], %swap3A_43 {strides = array<i32>} : memref<2x2000x128xf32, #tpu.memory_space<vmem>>, vector<1x2000x128xf32>,
    %slice3A_44 = vector.extract_strided_slice %mul3A_37 {offsets = [0, 128], sizes = [2000, 128], strides = [1, 1]} : vector<2000x256xf32> to vector<2000x128xf32>
    %swap3A_45 = arith.constant 1 : index
    %swap3A_46 = arith.constant 0 : index
    %swap3A_47 = arith.constant 0 : index
    %swap3A_48 = vector.load %arg5[%swap3A_45, %swap3A_46, %swap3A_47] : memref<2x2000x128xf32, #tpu.memory_space<vmem>>, vector<1x2000x128xf32>
    %swap3A_49 = vector.shape_cast %swap3A_48 : vector<1x2000x128xf32> to vector<2000x128xf32>
    %swap3A_50 = vector.shape_cast %slice3A_44 : vector<2000x128xf32> to vector<1x2000x128xf32>
    tpu.vector_store %arg5[%swap3A_45, %swap3A_46, %swap3A_47], %swap3A_50 {strides = array<i32>} : memref<2x2000x128xf32, #tpu.memory_space<vmem>>, vector<1x2000x128xf32>,
    return
  }
  func.func @transform_0(%arg0: i32) -> (i32, i32) {
    %c0_i32 = arith.constant 0 : i32
    %c0_i32_0 = arith.constant 0 : i32
    return %arg0, %c0_i32 : i32, i32
  }
  func.func @transform_1(%arg0: i32) -> (i32, i32, i32) {
    %c0_i32 = arith.constant 0 : i32
    %c0_i32_0 = arith.constant 0 : i32
    %c0_i32_1 = arith.constant 0 : i32
    return %c0_i32, %arg0, %c0_i32_0 : i32, i32, i32
  }
  func.func @transform_2(%arg0: i32) -> (i32, i32, i32) {
    %c0_i32 = arith.constant 0 : i32
    %c0_i32_0 = arith.constant 0 : i32
    %c0_i32_1 = arith.constant 0 : i32
    return %c0_i32, %arg0, %c0_i32_0 : i32, i32, i32
  }
  func.func @transform_3(%arg0: i32) -> (i32, i32) {
    %c0_i32 = arith.constant 0 : i32
    %c0_i32_0 = arith.constant 0 : i32
    %c0_i32_1 = arith.constant 0 : i32
    return %c0_i32, %c0_i32_0 : i32, i32
  }
  func.func @transform_4(%arg0: i32) -> (i32, i32, i32) {
    %c0_i32 = arith.constant 0 : i32
    %c0_i32_0 = arith.constant 0 : i32
    %c0_i32_1 = arith.constant 0 : i32
    return %c0_i32, %arg0, %c0_i32_0 : i32, i32, i32
  }
}

module attributes {stable_mosaic.version = 14 : i64} {
  func.func @_tc3_body(%arg0: i32, %arg1: memref<2000x2xf32, #tpu.memory_space<vmem>>, %arg2: memref<2x2000x128xf32, #tpu.memory_space<vmem>>, %arg3: memref<2x2000x128xf32, #tpu.memory_space<vmem>>, %arg4: memref<256x64xf32, #tpu.memory_space<vmem>>, %arg5: memref<1x64xf32, #tpu.memory_space<vmem>>, %arg6: memref<2000x64xf32, #tpu.memory_space<vmem>>, %arg7: memref<2000x64xf32, #tpu.memory_space<vmem>>) attributes {dimension_semantics = [#tpu.dimension_semantics<arbitrary>], iteration_bounds = array<i64: 5>, scalar_prefetch = 0 : i64, scratch_operands = 0 : i64, tpu.core_type = #tpu.core_type<tc>, window_params = [{transform_indices = @transform_0, window_bounds = array<i64: 2000, 2>}, {transform_indices = @transform_1, window_bounds = array<i64: 2, 2000, 128>}, {transform_indices = @transform_2, window_bounds = array<i64: 2, 2000, 128>}, {pipeline_mode = #tpu.pipeline_mode<synchronous>, transform_indices = @transform_3, window_bounds = array<i64: 256, 64>}, {pipeline_mode = #tpu.pipeline_mode<synchronous>, transform_indices = @transform_4, window_bounds = array<i64: 1, 64>}, {transform_indices = @transform_5, window_bounds = array<i64: 2000, 64>}, {transform_indices = @transform_6, window_bounds = array<i64: 2000, 64>}]} {
    %get3A = arith.constant 0 : index
    %get3A_0 = arith.constant 0 : index
    %get3A_1 = vector.load %arg1[%get3A, %get3A_0] : memref<2000x2xf32, #tpu.memory_space<vmem>>, vector<2000x2xf32>
    %slice3A = vector.extract_strided_slice %get3A_1 {offsets = [0, 0], sizes = [2000, 1], strides = [1, 1]} : vector<2000x2xf32> to vector<2000x1xf32>
    %slice3A_2 = vector.extract_strided_slice %get3A_1 {offsets = [0, 1], sizes = [2000, 1], strides = [1, 1]} : vector<2000x2xf32> to vector<2000x1xf32>
    %add3A = arith.addf %slice3A, %slice3A_2 : vector<2000x1xf32>
    %add3A_3 = arith.constant 1.000000e+00 : f32
    %add3A_4 = vector.broadcast %add3A_3 : f32 to vector<2000x1xf32>
    %add3A_5 = arith.addf %add3A, %add3A_4 : vector<2000x1xf32>
    %rsqrt3A = math.rsqrt %add3A_5 : vector<2000x1xf32>
    %get3A_6 = arith.constant 0 : index
    %get3A_7 = arith.constant 0 : index
    %get3A_8 = arith.constant 0 : index
    %get3A_9 = vector.load %arg2[%get3A_6, %get3A_7, %get3A_8] : memref<2x2000x128xf32, #tpu.memory_space<vmem>>, vector<1x2000x128xf32>
    %get3A_10 = vector.shape_cast %get3A_9 : vector<1x2000x128xf32> to vector<2000x128xf32>
    %get3A_11 = arith.constant 0 : index
    %get3A_12 = arith.constant 0 : index
    %get3A_13 = arith.constant 0 : index
    %get3A_14 = vector.load %arg3[%get3A_11, %get3A_12, %get3A_13] : memref<2x2000x128xf32, #tpu.memory_space<vmem>>, vector<1x2000x128xf32>
    %get3A_15 = vector.shape_cast %get3A_14 : vector<1x2000x128xf32> to vector<2000x128xf32>
    %add3A_16 = arith.addf %get3A_10, %get3A_15 : vector<2000x128xf32>
    %get3A_17 = arith.constant 1 : index
    %get3A_18 = arith.constant 0 : index
    %get3A_19 = arith.constant 0 : index
    %get3A_20 = vector.load %arg2[%get3A_17, %get3A_18, %get3A_19] : memref<2x2000x128xf32, #tpu.memory_space<vmem>>, vector<1x2000x128xf32>
    %get3A_21 = vector.shape_cast %get3A_20 : vector<1x2000x128xf32> to vector<2000x128xf32>
    %get3A_22 = arith.constant 1 : index
    %get3A_23 = arith.constant 0 : index
    %get3A_24 = arith.constant 0 : index
    %get3A_25 = vector.load %arg3[%get3A_22, %get3A_23, %get3A_24] : memref<2x2000x128xf32, #tpu.memory_space<vmem>>, vector<1x2000x128xf32>
    %get3A_26 = vector.shape_cast %get3A_25 : vector<1x2000x128xf32> to vector<2000x128xf32>
    %add3A_27 = arith.addf %get3A_21, %get3A_26 : vector<2000x128xf32>
    %concatenate3A = tpu.concatenate %add3A_16, %add3A_27 in 1 : vector<2000x128xf32>, vector<2000x128xf32> -> vector<2000x256xf32>
    %get3A_28 = arith.constant 0 : index
    %get3A_29 = arith.constant 0 : index
    %get3A_30 = vector.load %arg4[%get3A_28, %get3A_29] : memref<256x64xf32, #tpu.memory_space<vmem>>, vector<256x64xf32>
    %dot_general3A = arith.constant dense<0.000000e+00> : vector<2000x64xf32>
    %dot_general3A_31 = tpu.matmul %concatenate3A, %get3A_30, %dot_general3A {dimension_numbers = #tpu.dot_dimension_numbers<[1], [0], [0], [1], [0, 0, 1, 1], [], []>, precision = #tpu.contract_precision<fp32>, transpose_lhs_hint = false} : vector<2000x256xf32>, vector<256x64xf32>, vector<2000x64xf32> -> vector<2000x64xf32>
    %mul3A = vector.broadcast %rsqrt3A : vector<2000x1xf32> to vector<2000x64xf32>
    %mul3A_32 = arith.mulf %mul3A, %dot_general3A_31 : vector<2000x64xf32>
    %get3A_33 = arith.constant 0 : index
    %get3A_34 = arith.constant 0 : index
    %get3A_35 = vector.load %arg5[%get3A_33, %get3A_34] : memref<1x64xf32, #tpu.memory_space<vmem>>, vector<1x64xf32>
    %add3A_36 = vector.broadcast %get3A_35 : vector<1x64xf32> to vector<2000x64xf32>
    %add3A_37 = arith.addf %mul3A_32, %add3A_36 : vector<2000x64xf32>
    %swap3A = arith.constant 0 : index
    %swap3A_38 = arith.constant 0 : index
    %swap3A_39 = vector.load %arg7[%swap3A, %swap3A_38] : memref<2000x64xf32, #tpu.memory_space<vmem>>, vector<2000x64xf32>
    tpu.vector_store %arg7[%swap3A, %swap3A_38], %add3A_37 {strides = array<i32>} : memref<2000x64xf32, #tpu.memory_space<vmem>>, vector<2000x64xf32>,
    %reduce_max3A = arith.constant dense<0xFF800000> : vector<2000xf32>
    %reduce_max3A_40 = vector.multi_reduction <maximumf>, %add3A_37, %reduce_max3A [1] : vector<2000x64xf32> to vector<2000xf32>
    %broadcast_in_dim3A = vector.shape_cast %reduce_max3A_40 : vector<2000xf32> to vector<2000x1xf32>
    %sub3A = vector.broadcast %broadcast_in_dim3A : vector<2000x1xf32> to vector<2000x64xf32>
    %sub3A_41 = arith.subf %add3A_37, %sub3A : vector<2000x64xf32>
    %exp3A = math.exp %sub3A_41 : vector<2000x64xf32>
    %reduce_sum3A = arith.constant dense<0.000000e+00> : vector<2000xf32>
    %reduce_sum3A_42 = vector.multi_reduction <add>, %exp3A, %reduce_sum3A [1] : vector<2000x64xf32> to vector<2000xf32>
    %broadcast_in_dim3A_43 = vector.shape_cast %reduce_sum3A_42 : vector<2000xf32> to vector<2000x1xf32>
    %log3A = math.log %broadcast_in_dim3A_43 : vector<2000x1xf32>
    %add3A_44 = arith.addf %log3A, %broadcast_in_dim3A : vector<2000x1xf32>
    %sub3A_45 = vector.broadcast %add3A_44 : vector<2000x1xf32> to vector<2000x64xf32>
    %sub3A_46 = arith.subf %add3A_37, %sub3A_45 : vector<2000x64xf32>
    %swap3A_47 = arith.constant 0 : index
    %swap3A_48 = arith.constant 0 : index
    %swap3A_49 = vector.load %arg6[%swap3A_47, %swap3A_48] : memref<2000x64xf32, #tpu.memory_space<vmem>>, vector<2000x64xf32>
    tpu.vector_store %arg6[%swap3A_47, %swap3A_48], %sub3A_46 {strides = array<i32>} : memref<2000x64xf32, #tpu.memory_space<vmem>>, vector<2000x64xf32>,
    return
  }
  func.func @transform_0(%arg0: i32) -> (i32, i32) {
    %c0_i32 = arith.constant 0 : i32
    %c0_i32_0 = arith.constant 0 : i32
    return %arg0, %c0_i32 : i32, i32
  }
  func.func @transform_1(%arg0: i32) -> (i32, i32, i32) {
    %c0_i32 = arith.constant 0 : i32
    %c0_i32_0 = arith.constant 0 : i32
    %c0_i32_1 = arith.constant 0 : i32
    return %c0_i32, %arg0, %c0_i32_0 : i32, i32, i32
  }
  func.func @transform_2(%arg0: i32) -> (i32, i32, i32) {
    %c0_i32 = arith.constant 0 : i32
    %c0_i32_0 = arith.constant 0 : i32
    %c0_i32_1 = arith.constant 0 : i32
    return %c0_i32, %arg0, %c0_i32_0 : i32, i32, i32
  }
  func.func @transform_3(%arg0: i32) -> (i32, i32) {
    %c0_i32 = arith.constant 0 : i32
    %c0_i32_0 = arith.constant 0 : i32
    %c0_i32_1 = arith.constant 0 : i32
    return %c0_i32, %c0_i32_0 : i32, i32
  }
  func.func @transform_4(%arg0: i32) -> (i32, i32) {
    %c0_i32 = arith.constant 0 : i32
    %c0_i32_0 = arith.constant 0 : i32
    %c0_i32_1 = arith.constant 0 : i32
    return %c0_i32, %c0_i32_0 : i32, i32
  }
  func.func @transform_5(%arg0: i32) -> (i32, i32) {
    %c0_i32 = arith.constant 0 : i32
    %c0_i32_0 = arith.constant 0 : i32
    return %arg0, %c0_i32 : i32, i32
  }
  func.func @transform_6(%arg0: i32) -> (i32, i32) {
    %c0_i32 = arith.constant 0 : i32
    %c0_i32_0 = arith.constant 0 : i32
    return %arg0, %c0_i32 : i32, i32
  }
}

</mosaic_0001>

<sc_bundles>
// kernel: kernel.11.cloned.1.call-start
scs
__scs_entry_jumppad:
0x0: {  	(pc) =	sbr.rel $0x88, $3  }
0x1: {  	(tag) =	ssettag $0x0;
	lr =	simm.s32 $0x1  }
0x2: {  	[smem:$0x3F9B] =	sst lr;
	_ =	strace $0xD0000000  }
0x3: {  	_ = 	snop  }
0x4: {  	_ = 	snop  }
0x5: {  	_ = 	snop  }
0x6: {  	_ = 	snop  }
0x7: {  	_ = 	snop  }
__scs_overlays_trampoline_lowered:
0x8: {  	[smem:$0x3FAA] =	sst s0  }
0x9: {  	[smem:$0x3FAB] =	sst s1  }
0xa: {  	[smem:$0x3FAC] =	sst s2  }
0xb: {  	[smem:$0x3FAD] =	sst s3  }
0xc: {  	[smem:$0x3FAE] =	sst s4  }
0xd: {  	[smem:$0x3FAF] =	sst s5  }
0xe: {  	[smem:$0x3FB0] =	sst s6  }
0xf: {  	[smem:$0x3FB1] =	sst s7  }
0x10: {  	[smem:$0x3FB2] =	sst s8  }
0x11: {  	[smem:$0x3FB3] =	sst s9;
	s0 =	simm.s32 @!p0 $0x0  }
0x12: {  	s1 =	sld [smem:$0x3F99];
	s0 =	simm.s32 @p0 $0x1  }
0x13: {  	[smem:$0x3FB4] =	sst s0;
	s0 =	simm.s32 @!p1 $0x0  }
0x14: {  	s2 =	sld [smem:$0x3F98];
	s0 =	simm.s32 @p1 $0x1  }
0x15: {  	[smem:$0x3FB5] =	sst s0;
	s0 =	simm.s32 @!p2 $0x0  }
0x16: {  	s3 =	sld [smem:$0x3FDB];
	s0 =	simm.s32 @p2 $0x1  }
0x17: {  	s4 =	simm.s32 $0x1BF5;
	[smem:$0x3FB7] =	sst s0  }
0x18: {  	s0 =	sld [smem:$0x3F9A];
	_ =	swait.ge [sflag:s4], $0x0  }
0x19: {  	s7 =	sld [smem:$0x3F9B]  }
0x1a: {  	s8 =	sadd.s32 $0xFFFFE003, lr  }
0x1b: {  	s9 =	sadd.s32 $0xFFFFFEF7, lr;
	s5 =	simm.s32 $0xFFFFFFFF;
	p2 =	slt.u32 s8, $0xFFFFF086  }
0x1c: {  	p1 =	slt.u32 s9, $0xF7A;
	s5 =	simm.s32 @!p2 $0x0  }
0x1d: {  	s5 =	simm.s32 @p1 $0x1;
	p0 =	seq.s32 s7, s2  }
0x1e: {  	s7 =	smul.u32 @!p0 $0xF7A, s2;
	p2 =	seq.s32 @!p0 s5, $0x0  }
0x1f: {  	s9 =	smul.u32 $0xF7A, s1;
	s8 =	simm.s32 @!p0 $0x1BF5;
	p2 =	por !p2, p0  }
0x20: {  	[sflag:s8] =	ssyncset.s32 @!p0 $0xFFFFF086;
	s6 =	sadd.s32 @!p0 s3, s7;
	s7 =	simm.s32 @!p0 $0x108  }
0x21: {  	s3 =	sadd.s32 s3, s9;
	s6 =	sadd.s32 @!p0 $0x88, s6;
	s7 =	simm.s32 @p2 $0x1082  }
0x22: {  	[simem:s7], [sflag:s8] =	dma.local @!p0 [hbm:s6], $0xF7A  }
0x23: {  	s9 =	sor.u32 $0xD0000000, s2;
	s6 =	simm.s32 $0x108;
	_ =	swait.ge @!p0 [sflag:s8], $0x0  }
0x24: {  	s3 =	sadd.s32 $0x88, s3;
	s6 =	simm.s32 @!p1 $0x1082;
	[sflag:s4] =	ssyncset.s32 $0xFFFFF086  }
0x25: {  	[simem:s6], [sflag:s4] =	dma.local [hbm:s3], $0xF7A  }
0x26: {  	[smem:$0x3F9B] =	sst s1;
	(tag) =	ssettag s2;
	_ =	strace s9  }
0x27: {  	s1 =	sld [smem:$0x3FAB]  }
0x28: {  	s2 =	sld [smem:$0x3FAC]  }
0x29: {  	s4 =	sld [smem:$0x3FAE]  }
0x2a: {  	p0 =	seq.s32 s5, $0x0;
	s5 =	sld [smem:$0x3FAF]  }
0x2b: {  	s6 =	sld [smem:$0x3FB0]  }
0x2c: {  	s7 =	sld [smem:$0x3FB1]  }
0x2d: {  	s3 =	simm.s32 $0x108;
	s8 =	sld [smem:$0x3FB2]  }
0x2e: {  	s3 =	simm.s32 @!p0 $0x1082;
	s9 =	sld [smem:$0x3FB3]  }
0x2f: {  	lr =	sadd.s32 s0, s3;
	s0 =	sld [smem:$0x3FAA]  }
0x30: {  	s3 =	sld [smem:$0x3FAD]  }
0x31: {  	[smem:$0x3FB6] =	sst s10  }
0x32: {  	s10 =	sld [smem:$0x3FB4];
	_ =	sdelay $0x3  }
0x33: {  	p0 =	seq.s32 s10, $0x1;
	s10 =	sld [smem:$0x3FB6];
	_ =	sdelay $0x3  }
0x34: {  	[smem:$0x3FB6] =	sst s10  }
0x35: {  	s10 =	sld [smem:$0x3FB5];
	_ =	sdelay $0x3  }
0x36: {  	p1 =	seq.s32 s10, $0x1;
	s10 =	sld [smem:$0x3FB6];
	_ =	sdelay $0x3  }
0x37: {  	[smem:$0x3FB6] =	sst s10  }
0x38: {  	s10 =	sld [smem:$0x3FB7]  }
0x39: {  	_ = 	snop;
	(pc) =	sbr.ind lr, $3  }
0x3a: {  	_ = 	snop  }
0x3b: {  	_ = 	snop  }
0x3c: {  	p2 =	seq.s32 s10, $0x1;
	s10 =	sld [smem:$0x3FB6]  }
0x3d: {  	_ =	shalt  }
0x3e: {  	_ =	shalt  }
0x3f: {  	_ =	shalt  }
0x40: {  	_ =	shalt  }
0x41: {  	_ =	shalt  }
0x42: {  	_ =	shalt  }
0x43: {  	_ =	shalt  }
0x44: {  	_ =	shalt  }
0x45: {  	_ =	shalt  }
0x46: {  	_ =	shalt  }
0x47: {  	_ =	shalt  }
0x48: {  	_ =	shalt  }
0x49: {  	_ =	shalt  }
0x4a: {  	_ =	shalt  }
0x4b: {  	_ =	shalt  }
0x4c: {  	_ =	shalt  }
0x4d: {  	_ =	shalt  }
0x4e: {  	_ =	shalt  }
0x4f: {  	_ =	shalt  }
0x50: {  	_ =	shalt  }
0x51: {  	_ =	shalt  }
0x52: {  	_ =	shalt  }
0x53: {  	_ =	shalt  }
0x54: {  	_ =	shalt  }
0x55: {  	_ =	shalt  }
0x56: {  	_ =	shalt  }
0x57: {  	_ =	shalt  }
0x58: {  	_ =	shalt  }
0x59: {  	_ =	shalt  }
0x5a: {  	_ =	shalt  }
0x5b: {  	_ =	shalt  }
0x5c: {  	_ =	shalt  }
0x5d: {  	_ =	shalt  }
0x5e: {  	_ =	shalt  }
0x5f: {  	_ =	shalt  }
0x60: {  	_ =	shalt  }
0x61: {  	_ =	shalt  }
0x62: {  	_ =	shalt  }
0x63: {  	_ =	shalt  }
0x64: {  	_ =	shalt  }
0x65: {  	_ =	shalt  }
0x66: {  	_ =	shalt  }
0x67: {  	_ =	shalt  }
0x68: {  	_ =	shalt  }
0x69: {  	_ =	shalt  }
0x6a: {  	_ =	shalt  }
0x6b: {  	_ =	shalt  }
0x6c: {  	_ =	shalt  }
0x6d: {  	_ =	shalt  }
0x6e: {  	_ =	shalt  }
0x6f: {  	_ =	shalt  }
0x70: {  	_ =	shalt  }
0x71: {  	_ =	shalt  }
0x72: {  	_ =	shalt  }
0x73: {  	_ =	shalt  }
0x74: {  	_ =	shalt  }
0x75: {  	_ =	shalt  }
0x76: {  	_ =	shalt  }
0x77: {  	_ =	shalt  }
0x78: {  	_ =	shalt  }
0x79: {  	_ =	shalt  }
0x7a: {  	_ =	shalt  }
0x7b: {  	_ =	shalt  }
0x7c: {  	_ =	shalt  }
0x7d: {  	_ =	shalt  }
0x7e: {  	_ =	shalt  }
0x7f: {  	_ =	shalt  }
0x80: {  	_ =	shalt  }
0x81: {  	_ =	shalt  }
0x82: {  	_ =	shalt  }
0x83: {  	_ =	shalt  }
0x84: {  	_ =	shalt  }
0x85: {  	_ =	shalt  }
0x86: {  	_ =	shalt  }
0x87: {  	_ =	shalt  }
.Lfunc_end0:
.L_simem_size_0:
called_computation.1_lowered:
.L_overlay_start_0:
0x88: {  	s2 =	sld [smem:$0x3FD9]  }
0x89: {  	s3 =	sld [smem:$0x3FFE];
	_ =	sdelay $0x1  }
0x8a: {  	s1 =	srdreg.scid  }
0x8b: {  	s0 =	sand.u32 $0x1, s1  }
0x8c: {  	s14 =	sshll.u32 s0, $0xA;
	s2 =	sadd.s32 s3, s2  }
0x8d: {  	s2 =	sadd.s32 s2, s14  }
0x8e: {  	[smem:$0x3FC2] =	sst s2  }
0x8f: {  	_ = 	snop  }
0x90: {  	s2 =	sld [smem:$0x3FD0];
	_ =	sdelay $0x2  }
0x91: {  	s15 =	simm.s32 $0xA;
	s4 =	simm.s32 $0x10  }
0x92: {  	[smem:s4], [sflag:s15] =	dma.local [hbm:s2], $0x1  }
0x93: {  	_ =	swait.eq [sflag:s15], $0x1  }
0x94: {  	[sflag:s15] =	ssyncset.done $0x0  }
0x95: {  	s16 =	sld [smem:$0x10];
	[sflag:s15] =	ssyncadd.s32 $0xFFFFFFFF  }
0x96: {  	s17 =	sld [smem:$0x11];
	(tm) =	ssettm $0x1  }
0x97: {  	s18 =	sld [smem:$0x3FFB];
	_ =	sdelay $0x3  }
0x98: {  	_ =	strace s18  }
0x99: {  	s4 =	sld [smem:$0x3FFC];
	_ =	sdelay $0x3  }
0x9a: {  	_ =	strace s4  }
0x9b: {  	s4 =	sld [smem:$0x3FFD];
	_ =	sdelay $0x3  }
0x9c: {  	_ =	strace s4  }
0x9d: {  	_ =	strace $0x8FFFFFFF  }
0x9e: {  	s19 =	sld [smem:$0x3FDB];
	_ =	sdelay $0x1  }
0x9f: {  	s5 =	simm.s32 $_scs_section_size  }
0xa0: {  	s6 =	simm.s32 $_size__tile_overlayer_lowered;
	s7 =	simm.s32 $_tile_overlayer_lowered  }
0xa1: {  	s22 =	simm.s32 $0x1BFF;
	s21 =	sshll.u32 s7, $0x1;
	s4 =	sadd.s32 s5, s19  }
0xa2: {  	s8 =	simm.s32 $0x0;
	s20 =	sshll.u32 s6, $0x1;
	s6 =	sadd.s32 s21, s4  }
0xa3: {  	[timem:s8], [sflag:s22] =	dma.local [hbm:s6], s20  }
0xa4: {  	_ =	swait.ge [sflag:s22], s20  }
0xa5: {  	s5 =	ssub.s32 $0x0, s20;
	[sflag:s22] =	ssyncset.done $0x0  }
0xa6: {  	[sflag:s22] =	ssyncadd.s32 s5;
	_ =	sdelay $0x1  }
0xa7: {  	s23 =	simm.s32 $0x1B8B  }
0xa8: {  	_ =	swait.ge [sflag:s23], $0x1  }
0xa9: {  	[sflag:s23] =	ssyncset.done $0x0  }
0xaa: {  	s25 =	simm.s32 $0x1B8E;
	s24 =	sld [smem:$0x3FFE];
	[sflag:s23] =	ssyncadd.s32 $0xFFFFFFFF  }
0xab: {  	s26 =	simm.s32 $execute0_lowered;
	[smem:$0x3FD2] =	sst s25  }
0xac: {  	s6 =	sshll.u32 s26, $0x1;
	_ =	strace $0x80000049;
	[dreg:$0x1] =	wrdreg $0xFFFFFFFF  }
0xad: {  	s28 =	simm.s32 $_size_execute0_lowered;
	s4 =	sadd.s32 s4, s6;
	[dreg:$0x0] =	wrdreg $0x0  }
0xae: {  	s6 =	sshll.u32 s28, $0x1;
	[dreg:$0x2] =	wrdreg s4  }
0xaf: {  	[dreg:$0x3] =	wrdreg s6  }
0xb0: {  	[dreg:$0x4] =	wrdreg $0xC0  }
0xb1: {  	_ =	task [dreg:s8], $0x5FFFF  }
0xb2: {  	[dreg:$0x1] =	wrdreg $0xFFFFFFFF  }
0xb3: {  	[dreg:$0x0] =	wrdreg $0x60  }
0xb4: {  	[dreg:$0x2] =	wrdreg s24  }
0xb5: {  	[dreg:$0x3] =	wrdreg s16  }
0xb6: {  	[dreg:$0x4] =	wrdreg s17  }
0xb7: {  	[dreg:$0x5] =	wrdreg $0x4A000  }
0xb8: {  	[dreg:$0x6] =	wrdreg $0x9  }
0xb9: {  	_ =	task.clear_ibuf [dreg:s8], $0x7FFFF;
	_ =	strace $0x90000049  }
0xba: {  	s29 =	simm.s32 $0x9;
	_ =	strace $0x8000004B  }
0xbb: {  	_ =	swait.ge [sflag:s29], $0x1  }
0xbc: {  	[sflag:s29] =	ssyncadd.s32 $0xFFFFFFFF  }
0xbd: {  	_ =	strace $0x9000004B  }
0xbe: {  	_ =	sfence  }
0xbf: {  	s30 =	sld [smem:$0x0];
	_ =	sdelay $0x2  }
0xc0: {  	s31 =	sshll.u32 s1, $0xD;
	s1 =	sshrl.u32 s1, $0x2  }
0xc1: {  	s3 =	sand.u32 $0x4000, s31;
	s1 =	sadd.s32 s1, s30  }
0xc2: {  	s0 =	sor.u32 s3, s0;
	s1 =	sshll.u32 s1, $0x11  }
0xc3: {  	s0 =	sor.u32 s1, s0  }
0xc4: {  	s0 =	sadd.s32 $0x8F2B, s0  }
0xc5: {  	[sflag:s0] =	ssyncadd.remote.s32 $0x1  }
0xc6: {  	_ =	sfence.sel $0xFFFF  }
0xc7: {  	[dreg:$0x0] =	wrdreg $0xFFFFFFFF;
	(pc) =	sbr.abs _section_cstart, $3  }
0xc8: {  	[dreg:$0x1] =	wrdreg $0xFFFFFFFF  }
0xc9: {  	_ =	task.clear_ibuf [dreg:s8], $0x2FFFF;
	_ =	strace $0x9FFFFFFF  }
0xca: {  	(tm) =	ssettm $0x7FFFFFFF  }
0xcb: {  	_ =	shalt  }
tec
execute0_lowered:
.L_overlay_start_1:
0x0: {  	(tag) =	ssettag $0x1  }
0x1: {  	s6 =	rddreg [dreg:$0x0]  }
0x2: {  	s20 =	rddreg [dreg:$0x1]  }
0x3: {  	s2 =	rddreg [dreg:$0x2]  }
0x4: {  	s3 =	rddreg [dreg:$0x3]  }
0x5: {  	s5 =	srdreg.scid;
	s0 =	stileid.u32  }
0x6: {  	s4 =	simm.s32 $0x0;
	s22 =	simm.s32 $0x2;
	s23 =	simm.s32 $0x80  }
0x7: {  	s24 =	simm.s32 $0x1;
	s25 =	simm.s32 $0x100;
	s8 =	smul.u32 $0x280, s0  }
0x8: {  	s29 =	simm.s32 $0x4200;
	s30 =	simm.s32 $0x0;
	s26 =	smul.u32 $0x50000, s0  }
0x9: {  	s7 =	sand.u32 $0x1, s5;
	[smem:$0x7FF] =	sst s4;
	s12 =	smul.u32 $0x2710, s0  }
0xa: {  	s5 =	sadd.s32 $0x6400, s6;
	s19 =	sadd.s32 $0x1400, s6;
	s21 =	smul.u32 $0x4E2, s0  }
0xb: {  	s9 =	smul.u32 $0x2800, s7;
	_ =	strace $0x8000004A;
	s10 =	ssub.s32 $0x2, s7  }
0xc: {  	s28 =	smul.u32 $0x2710, s7;
	s11 =	sshrl.u32 s10, $0x1;
	s31 =	sshrl.u32 s12, $0x3  }
0xd: {  	s8 =	sadd.s32 s8, s9;
	s9 =	sshrl.u32 s26, $0x2;
	s18 =	ssub.s32 s10, s11  }
0xe: {  	s12 =	sadd.s32 $0x4E0, s31;
	s26 =	simm.s32 $0x180;
	v0 =	vmov s28;
	s28 =	simm.s32 $0x10  }
0xf: {  	s8 =	sshll.u32 s8, $0x4;
	s11 =	sadd.s32 s20, s12;
	s12 =	sadd.s32 s19, s12  }
0x10: {  	s18 =	smax.u32 s18, $0x1;
	s19 =	sadd.s32 s21, s19;
	s20 =	sadd.s32 s21, s20  }
0x11: {  	s21 =	simm.s32 $0x200;
	s17 =	sadd.s32 s8, s6;
	s6 =	sadd.s32 s9, s3  }
0x12: {  	s7 =	sadd.s32 $0x4000, s6;
	s8 =	sadd.s32 $0x8000, s6;
	s9 =	sadd.s32 $0xC000, s6  }
0x13: {  	s10 =	sadd.s32 $0x10000, s6;
	s13 =	sadd.s32 $0x54600, s17;
	s14 =	sadd.s32 $0x54E00, s17  }
0x14: {  	s15 =	sadd.s32 $0x55600, s17;
	s16 =	sadd.s32 $0x55E00, s17;
	s17 =	sadd.s32 $0x56600, s17  }
.LBB2_1:
0x15: {  	[tilespmem:s21], [sflag:$0x2] =	stream.linear.gather [hbm4b:s2+s4], $0x4000, $0x38;
	[tilespmem:$0x18A00] =	vst v63  }
0x16: {  	_ =	swait.ge [sflag:s22], $0x4000  }
0x17: {  	[sflag:s22] =	ssyncset.done $0x0  }
0x18: {  	[sflag:s22] =	ssyncadd.s32 $0xFFFFC000  }
0x19: {  	[spmem:s6] =	stream.linear.scatter [tilespmem:s21], [sflag:$0x2], $0x4000, $0x38;
	[tilespmem:$0x18A00] =	vst v63  }
0x1a: {  	_ =	swait.ge [sflag:s22], $0x4000  }
0x1b: {  	[sflag:s22] =	ssyncset.done $0x0  }
0x1c: {  	[sflag:s22] =	ssyncadd.s32 $0xFFFFC000  }
0x1d: {  	[spmem:s7] =	stream.linear.scatter [tilespmem:s21], [sflag:$0x2], $0x4000, $0x38;
	[tilespmem:$0x18A00] =	vst v63  }
0x1e: {  	_ =	swait.ge [sflag:s22], $0x4000  }
0x1f: {  	[sflag:s22] =	ssyncset.done $0x0  }
0x20: {  	[sflag:s22] =	ssyncadd.s32 $0xFFFFC000  }
0x21: {  	[spmem:s8] =	stream.linear.scatter [tilespmem:s21], [sflag:$0x2], $0x4000, $0x38;
	[tilespmem:$0x18A00] =	vst v63  }
0x22: {  	_ =	swait.ge [sflag:s22], $0x4000  }
0x23: {  	[sflag:s22] =	ssyncset.done $0x0  }
0x24: {  	[sflag:s22] =	ssyncadd.s32 $0xFFFFC000  }
0x25: {  	[spmem:s9] =	stream.linear.scatter [tilespmem:s21], [sflag:$0x2], $0x4000, $0x38;
	[tilespmem:$0x18A00] =	vst v63  }
0x26: {  	_ =	swait.ge [sflag:s22], $0x4000  }
0x27: {  	[sflag:s22] =	ssyncset.done $0x0  }
0x28: {  	[sflag:s22] =	ssyncadd.s32 $0xFFFFC000  }
0x29: {  	[spmem:s10] =	stream.linear.scatter [tilespmem:s21], [sflag:$0x2], $0x4000, $0x38;
	[tilespmem:$0x18A00] =	vst v63  }
0x2a: {  	_ =	swait.ge [sflag:s22], $0x4000  }
0x2b: {  	[sflag:s22] =	ssyncset.done $0x0  }
0x2c: {  	[sflag:s22] =	ssyncadd.s32 $0xFFFFC000  }
0x2d: {  	s31 =	sadd.s32 $0x0, s20;
	[bflag:$0x0] =	sbarrier.arrive $0xFFFF  }
0x2e: {  	[tilespmem:s4], [sflag:$0x2] =	stream.linear.gather [hbm4b:s31+s4], $0x80, $0x38;
	[tilespmem:$0x18A00] =	vst v63  }
0x2f: {  	_ =	swait.ge [sflag:s22], $0x80  }
0x30: {  	[sflag:s22] =	ssyncset.done $0x0  }
0x31: {  	s31 =	sadd.s32 $0x0, s19;
	[sflag:s22] =	ssyncadd.s32 $0xFFFFFF80  }
0x32: {  	[tilespmem:s23], [sflag:$0x2] =	stream.linear.gather [hbm4b:s31+s4], $0x80, $0x38;
	[tilespmem:$0x18A00] =	vst v63  }
0x33: {  	_ =	swait.ge [sflag:s22], $0x80  }
0x34: {  	[sflag:s22] =	ssyncset.done $0x0  }
0x35: {  	[sflag:s22] =	ssyncadd.s32 $0xFFFFFF80  }
0x36: {  	v1 =	vld [tilespmem:$0x70]  }
0x37: {  	v2 =	vld [tilespmem:$0x30]  }
0x38: {  	v3 =	vld [tilespmem:$0x50]  }
0x39: {  	v5 =	vld [tilespmem:$0x20]  }
0x3a: {  	v4 =	vld [tilespmem:$0x60]  }
0x3b: {  	v6 =	vld [tilespmem:$0x10];
	v1 =	vadd.s32 v0, v1  }
0x3c: {  	v7 =	vld [tilespmem:$0x40];
	v2 =	vadd.s32 v0, v2;
	[tilespmem:$0x70] =	vst v1  }
0x3d: {  	v1 =	vld [tilespmem:$0x0];
	[tilespmem:$0x30] =	vst v2;
	v2 =	vadd.s32 v0, v3  }
0x3e: {  	v3 =	vadd.s32 v0, v5;
	[tilespmem:$0x50] =	vst v2  }
0x3f: {  	v2 =	vadd.s32 v0, v4;
	[tilespmem:$0x20] =	vst v3  }
0x40: {  	[tilespmem:$0x60] =	vst v2;
	v2 =	vadd.s32 v0, v6  }
0x41: {  	[tilespmem:$0x10] =	vst v2;
	v2 =	vadd.s32 v0, v7  }
0x42: {  	[tilespmem:$0x40] =	vst v2;
	v1 =	vadd.s32 v0, v1  }
0x43: {  	s31 =	simm.s32 $0x10;
	[tilespmem:$0x0] =	vst v1  }
.LBB2_2:
0x44: {  	[tilespmem:s21], [sflag:$0x1] =	stream.indirect.gather [hbm4b:s5+s23], $0x80, s4, s23, $0xb8;
	[tilespmem:$0x18A00] =	vst v63  }
0x45: {  	s0 =	smov.u32 s31  }
0x46: {  	p0 =	sne.s32 s31, $0x4D0;
	s31 =	sadd.s32 $0x10, s31;
	_ =	swait.ge [sflag:s24], $0x4000  }
0x47: {  	[sflag:s24] =	ssyncset.done $0x0  }
0x48: {  	[sflag:s24] =	ssyncadd.s32 $0xFFFFC000  }
0x49: {  	[spmem:s3] =	stream.indirect.scatter.add.f32 [tilespmem:s21], [sflag:$0x2], $0x80, s23, s23, $0xb8;
	[tilespmem:$0x18A00] =	vst v63  }
0x4a: {  	_ =	swait.ge [sflag:s22], $0x4000  }
0x4b: {  	[sflag:s22] =	ssyncset.done $0x0  }
0x4c: {  	s1 =	sadd.s32 s0, s20;
	[sflag:s22] =	ssyncadd.s32 $0xFFFFC000  }
0x4d: {  	[tilespmem:s4], [sflag:$0x2] =	stream.linear.gather [hbm4b:s1+s4], $0x80, $0x38;
	[tilespmem:$0x18A00] =	vst v63  }
0x4e: {  	_ =	swait.ge [sflag:s22], $0x80  }
0x4f: {  	[sflag:s22] =	ssyncset.done $0x0  }
0x50: {  	s0 =	sadd.s32 s0, s19;
	[sflag:s22] =	ssyncadd.s32 $0xFFFFFF80  }
0x51: {  	[tilespmem:s23], [sflag:$0x2] =	stream.linear.gather [hbm4b:s0+s4], $0x80, $0x38;
	[tilespmem:$0x18A00] =	vst v63  }
0x52: {  	_ =	swait.ge [sflag:s22], $0x80  }
0x53: {  	[sflag:s22] =	ssyncset.done $0x0  }
0x54: {  	[sflag:s22] =	ssyncadd.s32 $0xFFFFFF80  }
0x55: {  	v1 =	vld [tilespmem:$0x70]  }
0x56: {  	v2 =	vld [tilespmem:$0x30]  }
0x57: {  	v3 =	vld [tilespmem:$0x50]  }
0x58: {  	v4 =	vld [tilespmem:$0x60]  }
0x59: {  	v5 =	vld [tilespmem:$0x20]  }
0x5a: {  	v6 =	vld [tilespmem:$0x10];
	v1 =	vadd.s32 v0, v1  }
0x5b: {  	v2 =	vadd.s32 v0, v2;
	v7 =	vld [tilespmem:$0x40];
	[tilespmem:$0x70] =	vst v1  }
0x5c: {  	v1 =	vld [tilespmem:$0x0];
	[tilespmem:$0x30] =	vst v2;
	v2 =	vadd.s32 v0, v3  }
0x5d: {  	[tilespmem:$0x50] =	vst v2;
	v2 =	vadd.s32 v0, v4  }
.Ltmp0:
0x5e: {  	v3 =	vadd.s32 v0, v5;
	[tilespmem:$0x60] =	vst v2;
	(pc) =	sbr.rel @p0 .LBB2_2-.Ltmp0, $4  }
0x5f: {  	v2 =	vadd.s32 v0, v6;
	[tilespmem:$0x20] =	vst v3  }
0x60: {  	[tilespmem:$0x10] =	vst v2;
	v2 =	vadd.s32 v0, v7  }
0x61: {  	v1 =	vadd.s32 v0, v1;
	[tilespmem:$0x40] =	vst v2  }
0x62: {  	[tilespmem:$0x0] =	vst v1  }
0x63: {  	[tilespmem:s21], [sflag:$0x1] =	stream.indirect.gather [hbm4b:s5+s23], $0x80, s4, s23, $0xb8;
	[tilespmem:$0x18A00] =	vst v63  }
0x64: {  	_ =	swait.ge [sflag:s24], $0x4000  }
0x65: {  	[sflag:s24] =	ssyncset.done $0x0  }
0x66: {  	[sflag:s24] =	ssyncadd.s32 $0xFFFFC000  }
0x67: {  	[spmem:s3] =	stream.indirect.scatter.add.f32 [tilespmem:s21], [sflag:$0x2], $0x80, s23, s23, $0xb8;
	[tilespmem:$0x18A00] =	vst v63  }
0x68: {  	_ =	swait.ge [sflag:s22], $0x4000  }
0x69: {  	[sflag:s22] =	ssyncset.done $0x0  }
0x6a: {  	[sflag:s22] =	ssyncadd.s32 $0xFFFFC000  }
0x6b: {  	[tilespmem:s25], [sflag:$0x2] =	stream.linear.gather [hbm4b:s11+s4], $0x10, $0x38;
	[tilespmem:$0x18A00] =	vst v63  }
0x6c: {  	_ =	swait.ge [sflag:s22], $0x10  }
0x6d: {  	[sflag:s22] =	ssyncset.done $0x0  }
0x6e: {  	[sflag:s22] =	ssyncadd.s32 $0xFFFFFFF0  }
0x6f: {  	[tilespmem:s26], [sflag:$0x2] =	stream.linear.gather [hbm4b:s12+s4], $0x10, $0x38;
	[tilespmem:$0x18A00] =	vst v63  }
0x70: {  	_ =	swait.ge [sflag:s22], $0x10  }
0x71: {  	[sflag:s22] =	ssyncset.done $0x0  }
0x72: {  	[sflag:s22] =	ssyncadd.s32 $0xFFFFFFF0  }
0x73: {  	v1 =	vld [tilespmem:$0x100];
	_ =	sdelay $0x4  }
0x74: {  	v1 =	vadd.s32 v0, v1  }
0x75: {  	[tilespmem:$0x100] =	vst v1  }
0x76: {  	[tilespmem:s29], [sflag:$0x1] =	stream.indirect.gather [hbm4b:s5+s28], $0x80, s25, s28, $0xb8;
	[tilespmem:$0x18A00] =	vst v63  }
0x77: {  	_ =	swait.ge [sflag:s24], $0x800  }
0x78: {  	[sflag:s24] =	ssyncset.done $0x0  }
0x79: {  	[sflag:s24] =	ssyncadd.s32 $0xFFFFF800  }
0x7a: {  	[spmem:s3] =	stream.indirect.scatter.add.f32 [tilespmem:s29], [sflag:$0x2], $0x80, s26, s28, $0xb8;
	[tilespmem:$0x18A00] =	vst v63  }
0x7b: {  	_ =	swait.ge [sflag:s22], $0x800  }
0x7c: {  	[sflag:s22] =	ssyncset.done $0x0  }
0x7d: {  	[sflag:s22] =	ssyncadd.s32 $0xFFFFF800  }
0x7e: {  	[bflag:$0x0] =	sbarrier.arrive $0xFFFF  }
0x7f: {  	[tilespmem:s21], [sflag:$0x2] =	stream.linear.gather [spmem:s6], $0x4000, $0x38;
	[tilespmem:$0x18A00] =	vst v63  }
0x80: {  	_ =	swait.ge [sflag:s22], $0x4000  }
0x81: {  	[sflag:s22] =	ssyncset.done $0x0  }
0x82: {  	[sflag:s22] =	ssyncadd.s32 $0xFFFFC000  }
0x83: {  	[hbm4b:s13+s4] =	stream.linear.scatter [tilespmem:s21], [sflag:$0x2], $0x4000, $0x38;
	[tilespmem:$0x18A00] =	vst v63  }
0x84: {  	_ =	swait.ge [sflag:s22], $0x4000  }
0x85: {  	[sflag:s22] =	ssyncset.done $0x0  }
0x86: {  	[sflag:s22] =	ssyncadd.s32 $0xFFFFC000  }
0x87: {  	[tilespmem:s21], [sflag:$0x2] =	stream.linear.gather [spmem:s7], $0x4000, $0x38;
	[tilespmem:$0x18A00] =	vst v63  }
0x88: {  	_ =	swait.ge [sflag:s22], $0x4000  }
0x89: {  	[sflag:s22] =	ssyncset.done $0x0  }
0x8a: {  	[sflag:s22] =	ssyncadd.s32 $0xFFFFC000  }
0x8b: {  	[hbm4b:s14+s4] =	stream.linear.scatter [tilespmem:s21], [sflag:$0x2], $0x4000, $0x38;
	[tilespmem:$0x18A00] =	vst v63  }
0x8c: {  	_ =	swait.ge [sflag:s22], $0x4000  }
0x8d: {  	[sflag:s22] =	ssyncset.done $0x0  }
0x8e: {  	[sflag:s22] =	ssyncadd.s32 $0xFFFFC000  }
0x8f: {  	[tilespmem:s21], [sflag:$0x2] =	stream.linear.gather [spmem:s8], $0x4000, $0x38;
	[tilespmem:$0x18A00] =	vst v63  }
0x90: {  	_ =	swait.ge [sflag:s22], $0x4000  }
0x91: {  	[sflag:s22] =	ssyncset.done $0x0  }
0x92: {  	[sflag:s22] =	ssyncadd.s32 $0xFFFFC000  }
0x93: {  	[hbm4b:s15+s4] =	stream.linear.scatter [tilespmem:s21], [sflag:$0x2], $0x4000, $0x38;
	[tilespmem:$0x18A00] =	vst v63  }
0x94: {  	_ =	swait.ge [sflag:s22], $0x4000  }
0x95: {  	[sflag:s22] =	ssyncset.done $0x0  }
0x96: {  	[sflag:s22] =	ssyncadd.s32 $0xFFFFC000  }
0x97: {  	[tilespmem:s21], [sflag:$0x2] =	stream.linear.gather [spmem:s9], $0x4000, $0x38;
	[tilespmem:$0x18A00] =	vst v63  }
0x98: {  	_ =	swait.ge [sflag:s22], $0x4000  }
0x99: {  	[sflag:s22] =	ssyncset.done $0x0  }
0x9a: {  	[sflag:s22] =	ssyncadd.s32 $0xFFFFC000  }
0x9b: {  	[hbm4b:s16+s4] =	stream.linear.scatter [tilespmem:s21], [sflag:$0x2], $0x4000, $0x38;
	[tilespmem:$0x18A00] =	vst v63  }
0x9c: {  	_ =	swait.ge [sflag:s22], $0x4000  }
0x9d: {  	[sflag:s22] =	ssyncset.done $0x0  }
0x9e: {  	[sflag:s22] =	ssyncadd.s32 $0xFFFFC000  }
0x9f: {  	[tilespmem:s21], [sflag:$0x2] =	stream.linear.gather [spmem:s10], $0x4000, $0x38;
	[tilespmem:$0x18A00] =	vst v63  }
0xa0: {  	s30 =	sadd.s32 $0x1, s30;
	_ =	swait.ge [sflag:s22], $0x4000  }
0xa1: {  	p0 =	sne.s32 s30, s18;
	[sflag:s22] =	ssyncset.done $0x0  }
.Ltmp1:
0xa2: {  	[sflag:s22] =	ssyncadd.s32 $0xFFFFC000;
	(pc) =	sbr.rel @p0 .LBB2_1-.Ltmp1, $4  }
0xa3: {  	[hbm4b:s17+s4] =	stream.linear.scatter [tilespmem:s21], [sflag:$0x2], $0x4000, $0x38;
	[tilespmem:$0x18A00] =	vst v63  }
0xa4: {  	_ =	swait.ge [sflag:s22], $0x4000  }
0xa5: {  	[sflag:s22] =	ssyncset.done $0x0  }
0xa6: {  	[sflag:s22] =	ssyncadd.s32 $0xFFFFC000  }
0xa7: {  	_ =	sfence.sel $0x180000  }
0xa8: {  	[bflag:$0x0] =	sbarrier.arrive $0xFFFF  }
0xa9: {  	_ =	strace $0x9000004A  }
0xaa: {  	s0 =	stileid.u32;
	[bflag:$0x2] =	sbarrier.arrive $0xFFFF  }
0xab: {  	p0 =	sne.s32 s0, $0x0;
	s0 =	rddreg [dreg:$0x4]  }
0xac: {  	s0 =	sadd.s32 @!p0 $0x100000, s0  }
0xad: {  	[sflag:s0] =	ssyncadd.tile.s32 @!p0 $0x1;
	_ =	shalt  }
.Lfunc_end2:
_tile_overlayer_lowered:
.L_overlay_start_2:
0xae: {  	(tag) =	ssettag $0x2  }
0xaf: {  	s0 =	rddreg [dreg:$0x0];
	s2 =	stileid.u32  }
0xb0: {  	s1 =	rddreg [dreg:$0x1];
	p0 =	sne.s32 s2, $0x0  }
0xb1: {  	s3 =	rddreg [dreg:$0x2];
	[bflag:$0x3] =	sbarrier.arrive $0xFFFF;
	s2 =	simm.s32 @!p0 $0x1C02  }
0xb2: {  	[timem:s3], [sflag:s2] =	dma.local @!p0 [hbm:s0], s1  }
0xb3: {  	s0 =	simm.s32 @!p0 $0x2  }
0xb4: {  	_ =	swait.ge @!p0 [sflag:s0], s1  }
0xb5: {  	s1 =	ssub.s32 @!p0 $0x0, s1;
	[sflag:s0] =	ssyncset.done @!p0 $0x0  }
0xb6: {  	[sflag:s0] =	ssyncadd.s32 @!p0 s1  }
0xb7: {  	[bflag:$0x3] =	sbarrier.arrive $0xFFFF  }
0xb8: {  	_ =	shalt  }

// kernel: kernel.14.cloned.1.call-start
scs
__scs_entry_jumppad:
0x0: {  	(pc) =	sbr.rel $0x88, $3  }
0x1: {  	(tag) =	ssettag $0x0;
	lr =	simm.s32 $0x1  }
0x2: {  	[smem:$0x3F9B] =	sst lr;
	_ =	strace $0xD0000000  }
0x3: {  	_ = 	snop  }
0x4: {  	_ = 	snop  }
0x5: {  	_ = 	snop  }
0x6: {  	_ = 	snop  }
0x7: {  	_ = 	snop  }
__scs_overlays_trampoline_lowered:
0x8: {  	[smem:$0x3FAA] =	sst s0  }
0x9: {  	[smem:$0x3FAB] =	sst s1  }
0xa: {  	[smem:$0x3FAC] =	sst s2  }
0xb: {  	[smem:$0x3FAD] =	sst s3  }
0xc: {  	[smem:$0x3FAE] =	sst s4  }
0xd: {  	[smem:$0x3FAF] =	sst s5  }
0xe: {  	[smem:$0x3FB0] =	sst s6  }
0xf: {  	[smem:$0x3FB1] =	sst s7  }
0x10: {  	[smem:$0x3FB2] =	sst s8  }
0x11: {  	[smem:$0x3FB3] =	sst s9;
	s0 =	simm.s32 @!p0 $0x0  }
0x12: {  	s1 =	sld [smem:$0x3F99];
	s0 =	simm.s32 @p0 $0x1  }
0x13: {  	[smem:$0x3FB4] =	sst s0;
	s0 =	simm.s32 @!p1 $0x0  }
0x14: {  	s2 =	sld [smem:$0x3F98];
	s0 =	simm.s32 @p1 $0x1  }
0x15: {  	[smem:$0x3FB5] =	sst s0;
	s0 =	simm.s32 @!p2 $0x0  }
0x16: {  	s3 =	sld [smem:$0x3FDB];
	s0 =	simm.s32 @p2 $0x1  }
0x17: {  	s4 =	simm.s32 $0x1BF5;
	[smem:$0x3FB7] =	sst s0  }
0x18: {  	s0 =	sld [smem:$0x3F9A];
	_ =	swait.ge [sflag:s4], $0x0  }
0x19: {  	s7 =	sld [smem:$0x3F9B]  }
0x1a: {  	s8 =	sadd.s32 $0xFFFFE003, lr  }
0x1b: {  	s9 =	sadd.s32 $0xFFFFFEF7, lr;
	s5 =	simm.s32 $0xFFFFFFFF;
	p2 =	slt.u32 s8, $0xFFFFF086  }
0x1c: {  	p1 =	slt.u32 s9, $0xF7A;
	s5 =	simm.s32 @!p2 $0x0  }
0x1d: {  	s5 =	simm.s32 @p1 $0x1;
	p0 =	seq.s32 s7, s2  }
0x1e: {  	s7 =	smul.u32 @!p0 $0xF7A, s2;
	p2 =	seq.s32 @!p0 s5, $0x0  }
0x1f: {  	s9 =	smul.u32 $0xF7A, s1;
	s8 =	simm.s32 @!p0 $0x1BF5;
	p2 =	por !p2, p0  }
0x20: {  	[sflag:s8] =	ssyncset.s32 @!p0 $0xFFFFF086;
	s6 =	sadd.s32 @!p0 s3, s7;
	s7 =	simm.s32 @!p0 $0x108  }
0x21: {  	s3 =	sadd.s32 s3, s9;
	s6 =	sadd.s32 @!p0 $0x88, s6;
	s7 =	simm.s32 @p2 $0x1082  }
0x22: {  	[simem:s7], [sflag:s8] =	dma.local @!p0 [hbm:s6], $0xF7A  }
0x23: {  	s9 =	sor.u32 $0xD0000000, s2;
	s6 =	simm.s32 $0x108;
	_ =	swait.ge @!p0 [sflag:s8], $0x0  }
0x24: {  	s3 =	sadd.s32 $0x88, s3;
	s6 =	simm.s32 @!p1 $0x1082;
	[sflag:s4] =	ssyncset.s32 $0xFFFFF086  }
0x25: {  	[simem:s6], [sflag:s4] =	dma.local [hbm:s3], $0xF7A  }
0x26: {  	[smem:$0x3F9B] =	sst s1;
	(tag) =	ssettag s2;
	_ =	strace s9  }
0x27: {  	s1 =	sld [smem:$0x3FAB]  }
0x28: {  	s2 =	sld [smem:$0x3FAC]  }
0x29: {  	s4 =	sld [smem:$0x3FAE]  }
0x2a: {  	p0 =	seq.s32 s5, $0x0;
	s5 =	sld [smem:$0x3FAF]  }
0x2b: {  	s6 =	sld [smem:$0x3FB0]  }
0x2c: {  	s7 =	sld [smem:$0x3FB1]  }
0x2d: {  	s3 =	simm.s32 $0x108;
	s8 =	sld [smem:$0x3FB2]  }
0x2e: {  	s3 =	simm.s32 @!p0 $0x1082;
	s9 =	sld [smem:$0x3FB3]  }
0x2f: {  	lr =	sadd.s32 s0, s3;
	s0 =	sld [smem:$0x3FAA]  }
0x30: {  	s3 =	sld [smem:$0x3FAD]  }
0x31: {  	[smem:$0x3FB6] =	sst s10  }
0x32: {  	s10 =	sld [smem:$0x3FB4];
	_ =	sdelay $0x3  }
0x33: {  	p0 =	seq.s32 s10, $0x1;
	s10 =	sld [smem:$0x3FB6];
	_ =	sdelay $0x3  }
0x34: {  	[smem:$0x3FB6] =	sst s10  }
0x35: {  	s10 =	sld [smem:$0x3FB5];
	_ =	sdelay $0x3  }
0x36: {  	p1 =	seq.s32 s10, $0x1;
	s10 =	sld [smem:$0x3FB6];
	_ =	sdelay $0x3  }
0x37: {  	[smem:$0x3FB6] =	sst s10  }
0x38: {  	s10 =	sld [smem:$0x3FB7]  }
0x39: {  	_ = 	snop;
	(pc) =	sbr.ind lr, $3  }
0x3a: {  	_ = 	snop  }
0x3b: {  	_ = 	snop  }
0x3c: {  	p2 =	seq.s32 s10, $0x1;
	s10 =	sld [smem:$0x3FB6]  }
0x3d: {  	_ =	shalt  }
0x3e: {  	_ =	shalt  }
0x3f: {  	_ =	shalt  }
0x40: {  	_ =	shalt  }
0x41: {  	_ =	shalt  }
0x42: {  	_ =	shalt  }
0x43: {  	_ =	shalt  }
0x44: {  	_ =	shalt  }
0x45: {  	_ =	shalt  }
0x46: {  	_ =	shalt  }
0x47: {  	_ =	shalt  }
0x48: {  	_ =	shalt  }
0x49: {  	_ =	shalt  }
0x4a: {  	_ =	shalt  }
0x4b: {  	_ =	shalt  }
0x4c: {  	_ =	shalt  }
0x4d: {  	_ =	shalt  }
0x4e: {  	_ =	shalt  }
0x4f: {  	_ =	shalt  }
0x50: {  	_ =	shalt  }
0x51: {  	_ =	shalt  }
0x52: {  	_ =	shalt  }
0x53: {  	_ =	shalt  }
0x54: {  	_ =	shalt  }
0x55: {  	_ =	shalt  }
0x56: {  	_ =	shalt  }
0x57: {  	_ =	shalt  }
0x58: {  	_ =	shalt  }
0x59: {  	_ =	shalt  }
0x5a: {  	_ =	shalt  }
0x5b: {  	_ =	shalt  }
0x5c: {  	_ =	shalt  }
0x5d: {  	_ =	shalt  }
0x5e: {  	_ =	shalt  }
0x5f: {  	_ =	shalt  }
0x60: {  	_ =	shalt  }
0x61: {  	_ =	shalt  }
0x62: {  	_ =	shalt  }
0x63: {  	_ =	shalt  }
0x64: {  	_ =	shalt  }
0x65: {  	_ =	shalt  }
0x66: {  	_ =	shalt  }
0x67: {  	_ =	shalt  }
0x68: {  	_ =	shalt  }
0x69: {  	_ =	shalt  }
0x6a: {  	_ =	shalt  }
0x6b: {  	_ =	shalt  }
0x6c: {  	_ =	shalt  }
0x6d: {  	_ =	shalt  }
0x6e: {  	_ =	shalt  }
0x6f: {  	_ =	shalt  }
0x70: {  	_ =	shalt  }
0x71: {  	_ =	shalt  }
0x72: {  	_ =	shalt  }
0x73: {  	_ =	shalt  }
0x74: {  	_ =	shalt  }
0x75: {  	_ =	shalt  }
0x76: {  	_ =	shalt  }
0x77: {  	_ =	shalt  }
0x78: {  	_ =	shalt  }
0x79: {  	_ =	shalt  }
0x7a: {  	_ =	shalt  }
0x7b: {  	_ =	shalt  }
0x7c: {  	_ =	shalt  }
0x7d: {  	_ =	shalt  }
0x7e: {  	_ =	shalt  }
0x7f: {  	_ =	shalt  }
0x80: {  	_ =	shalt  }
0x81: {  	_ =	shalt  }
0x82: {  	_ =	shalt  }
0x83: {  	_ =	shalt  }
0x84: {  	_ =	shalt  }
0x85: {  	_ =	shalt  }
0x86: {  	_ =	shalt  }
0x87: {  	_ =	shalt  }
.Lfunc_end0:
.L_simem_size_0:
called_computation.2_lowered:
.L_overlay_start_0:
0x88: {  	s2 =	sld [smem:$0x3FD9]  }
0x89: {  	s3 =	sld [smem:$0x3FFE];
	_ =	sdelay $0x1  }
0x8a: {  	s1 =	srdreg.scid  }
0x8b: {  	s0 =	sand.u32 $0x1, s1  }
0x8c: {  	s14 =	sshll.u32 s0, $0xA;
	s2 =	sadd.s32 s3, s2  }
0x8d: {  	s2 =	sadd.s32 s2, s14  }
0x8e: {  	[smem:$0x3FC2] =	sst s2  }
0x8f: {  	_ = 	snop  }
0x90: {  	s2 =	sld [smem:$0x3FD0];
	_ =	sdelay $0x2  }
0x91: {  	s15 =	simm.s32 $0xA;
	s4 =	simm.s32 $0x10  }
0x92: {  	[smem:s4], [sflag:s15] =	dma.local [hbm:s2], $0x1  }
0x93: {  	_ =	swait.eq [sflag:s15], $0x1  }
0x94: {  	[sflag:s15] =	ssyncset.done $0x0  }
0x95: {  	s16 =	sld [smem:$0x10];
	[sflag:s15] =	ssyncadd.s32 $0xFFFFFFFF  }
0x96: {  	s17 =	sld [smem:$0x11];
	(tm) =	ssettm $0x1  }
0x97: {  	s18 =	sld [smem:$0x3FFB];
	_ =	sdelay $0x3  }
0x98: {  	_ =	strace s18  }
0x99: {  	s4 =	sld [smem:$0x3FFC];
	_ =	sdelay $0x3  }
0x9a: {  	_ =	strace s4  }
0x9b: {  	s4 =	sld [smem:$0x3FFD];
	_ =	sdelay $0x3  }
0x9c: {  	_ =	strace s4  }
0x9d: {  	_ =	strace $0x8FFFFFFF  }
0x9e: {  	s19 =	sld [smem:$0x3FDB];
	_ =	sdelay $0x1  }
0x9f: {  	s5 =	simm.s32 $_scs_section_size  }
0xa0: {  	s6 =	simm.s32 $_size__tile_overlayer_lowered;
	s7 =	simm.s32 $_tile_overlayer_lowered  }
0xa1: {  	s22 =	simm.s32 $0x1BFF;
	s21 =	sshll.u32 s7, $0x1;
	s4 =	sadd.s32 s5, s19  }
0xa2: {  	s8 =	simm.s32 $0x0;
	s20 =	sshll.u32 s6, $0x1;
	s6 =	sadd.s32 s21, s4  }
0xa3: {  	[timem:s8], [sflag:s22] =	dma.local [hbm:s6], s20  }
0xa4: {  	_ =	swait.ge [sflag:s22], s20  }
0xa5: {  	s5 =	ssub.s32 $0x0, s20;
	[sflag:s22] =	ssyncset.done $0x0  }
0xa6: {  	[sflag:s22] =	ssyncadd.s32 s5;
	_ =	sdelay $0x1  }
0xa7: {  	s23 =	simm.s32 $0x1B8B  }
0xa8: {  	_ =	swait.ge [sflag:s23], $0x1  }
0xa9: {  	[sflag:s23] =	ssyncset.done $0x0  }
0xaa: {  	s25 =	simm.s32 $0x1B8E;
	s24 =	sld [smem:$0x3FFE];
	[sflag:s23] =	ssyncadd.s32 $0xFFFFFFFF  }
0xab: {  	s26 =	simm.s32 $execute0_lowered;
	[smem:$0x3FD2] =	sst s25  }
0xac: {  	s6 =	sshll.u32 s26, $0x1;
	_ =	strace $0x8000004C;
	[dreg:$0x1] =	wrdreg $0xFFFFFFFF  }
0xad: {  	s28 =	simm.s32 $_size_execute0_lowered;
	s4 =	sadd.s32 s4, s6;
	[dreg:$0x0] =	wrdreg $0x0  }
0xae: {  	s6 =	sshll.u32 s28, $0x1;
	[dreg:$0x2] =	wrdreg s4  }
0xaf: {  	[dreg:$0x3] =	wrdreg s6  }
0xb0: {  	[dreg:$0x4] =	wrdreg $0xC0  }
0xb1: {  	_ =	task [dreg:s8], $0x5FFFF  }
0xb2: {  	[dreg:$0x1] =	wrdreg $0xFFFFFFFF  }
0xb3: {  	[dreg:$0x0] =	wrdreg $0x60  }
0xb4: {  	[dreg:$0x2] =	wrdreg s24  }
0xb5: {  	[dreg:$0x3] =	wrdreg s16  }
0xb6: {  	[dreg:$0x4] =	wrdreg s17  }
0xb7: {  	[dreg:$0x5] =	wrdreg $0x4A000  }
0xb8: {  	[dreg:$0x6] =	wrdreg $0x9  }
0xb9: {  	_ =	task.clear_ibuf [dreg:s8], $0x7FFFF;
	_ =	strace $0x9000004C  }
0xba: {  	s29 =	simm.s32 $0x9;
	_ =	strace $0x8000004E  }
0xbb: {  	_ =	swait.ge [sflag:s29], $0x1  }
0xbc: {  	[sflag:s29] =	ssyncadd.s32 $0xFFFFFFFF  }
0xbd: {  	_ =	strace $0x9000004E  }
0xbe: {  	_ =	sfence  }
0xbf: {  	s30 =	sld [smem:$0x0];
	_ =	sdelay $0x2  }
0xc0: {  	s31 =	sshll.u32 s1, $0xD;
	s1 =	sshrl.u32 s1, $0x2  }
0xc1: {  	s3 =	sand.u32 $0x4000, s31;
	s1 =	sadd.s32 s1, s30  }
0xc2: {  	s0 =	sor.u32 s3, s0;
	s1 =	sshll.u32 s1, $0x11  }
0xc3: {  	s0 =	sor.u32 s1, s0  }
0xc4: {  	s0 =	sadd.s32 $0x8F2B, s0  }
0xc5: {  	[sflag:s0] =	ssyncadd.remote.s32 $0x1  }
0xc6: {  	_ =	sfence.sel $0xFFFF  }
0xc7: {  	[dreg:$0x0] =	wrdreg $0xFFFFFFFF;
	(pc) =	sbr.abs _section_cstart, $3  }
0xc8: {  	[dreg:$0x1] =	wrdreg $0xFFFFFFFF  }
0xc9: {  	_ =	task.clear_ibuf [dreg:s8], $0x2FFFF;
	_ =	strace $0x9FFFFFFF  }
0xca: {  	(tm) =	ssettm $0x7FFFFFFF  }
0xcb: {  	_ =	shalt  }
tec
execute0_lowered:
.L_overlay_start_1:
0x0: {  	(tag) =	ssettag $0x1  }
0x1: {  	s6 =	rddreg [dreg:$0x0]  }
0x2: {  	s20 =	rddreg [dreg:$0x1]  }
0x3: {  	s2 =	rddreg [dreg:$0x2]  }
0x4: {  	s3 =	rddreg [dreg:$0x3]  }
0x5: {  	s5 =	srdreg.scid;
	s0 =	stileid.u32  }
0x6: {  	s4 =	simm.s32 $0x0;
	s22 =	simm.s32 $0x2;
	s23 =	simm.s32 $0x80  }
0x7: {  	s24 =	simm.s32 $0x1;
	s25 =	simm.s32 $0x100;
	s8 =	smul.u32 $0x280, s0  }
0x8: {  	s29 =	simm.s32 $0x4200;
	s30 =	simm.s32 $0x0;
	s26 =	smul.u32 $0x50000, s0  }
0x9: {  	s7 =	sand.u32 $0x1, s5;
	[smem:$0x7FF] =	sst s4;
	s12 =	smul.u32 $0x2710, s0  }
0xa: {  	s5 =	sadd.s32 $0x6400, s6;
	s19 =	sadd.s32 $0x1400, s6;
	s21 =	smul.u32 $0x4E2, s0  }
0xb: {  	s9 =	smul.u32 $0x2800, s7;
	_ =	strace $0x8000004D;
	s10 =	ssub.s32 $0x2, s7  }
0xc: {  	s28 =	smul.u32 $0x2710, s7;
	s11 =	sshrl.u32 s10, $0x1;
	s31 =	sshrl.u32 s12, $0x3  }
0xd: {  	s8 =	sadd.s32 s8, s9;
	s9 =	sshrl.u32 s26, $0x2;
	s18 =	ssub.s32 s10, s11  }
0xe: {  	s12 =	sadd.s32 $0x4E0, s31;
	s26 =	simm.s32 $0x180;
	v0 =	vmov s28;
	s28 =	simm.s32 $0x10  }
0xf: {  	s8 =	sshll.u32 s8, $0x4;
	s11 =	sadd.s32 s20, s12;
	s12 =	sadd.s32 s19, s12  }
0x10: {  	s18 =	smax.u32 s18, $0x1;
	s19 =	sadd.s32 s21, s19;
	s20 =	sadd.s32 s21, s20  }
0x11: {  	s21 =	simm.s32 $0x200;
	s17 =	sadd.s32 s8, s6;
	s6 =	sadd.s32 s9, s3  }
0x12: {  	s7 =	sadd.s32 $0x4000, s6;
	s8 =	sadd.s32 $0x8000, s6;
	s9 =	sadd.s32 $0xC000, s6  }
0x13: {  	s10 =	sadd.s32 $0x10000, s6;
	s13 =	sadd.s32 $0x54600, s17;
	s14 =	sadd.s32 $0x54E00, s17  }
0x14: {  	s15 =	sadd.s32 $0x55600, s17;
	s16 =	sadd.s32 $0x55E00, s17;
	s17 =	sadd.s32 $0x56600, s17  }
.LBB2_1:
0x15: {  	[tilespmem:s21], [sflag:$0x2] =	stream.linear.gather [hbm4b:s2+s4], $0x4000, $0x38;
	[tilespmem:$0x18A00] =	vst v63  }
0x16: {  	_ =	swait.ge [sflag:s22], $0x4000  }
0x17: {  	[sflag:s22] =	ssyncset.done $0x0  }
0x18: {  	[sflag:s22] =	ssyncadd.s32 $0xFFFFC000  }
0x19: {  	[spmem:s6] =	stream.linear.scatter [tilespmem:s21], [sflag:$0x2], $0x4000, $0x38;
	[tilespmem:$0x18A00] =	vst v63  }
0x1a: {  	_ =	swait.ge [sflag:s22], $0x4000  }
0x1b: {  	[sflag:s22] =	ssyncset.done $0x0  }
0x1c: {  	[sflag:s22] =	ssyncadd.s32 $0xFFFFC000  }
0x1d: {  	[spmem:s7] =	stream.linear.scatter [tilespmem:s21], [sflag:$0x2], $0x4000, $0x38;
	[tilespmem:$0x18A00] =	vst v63  }
0x1e: {  	_ =	swait.ge [sflag:s22], $0x4000  }
0x1f: {  	[sflag:s22] =	ssyncset.done $0x0  }
0x20: {  	[sflag:s22] =	ssyncadd.s32 $0xFFFFC000  }
0x21: {  	[spmem:s8] =	stream.linear.scatter [tilespmem:s21], [sflag:$0x2], $0x4000, $0x38;
	[tilespmem:$0x18A00] =	vst v63  }
0x22: {  	_ =	swait.ge [sflag:s22], $0x4000  }
0x23: {  	[sflag:s22] =	ssyncset.done $0x0  }
0x24: {  	[sflag:s22] =	ssyncadd.s32 $0xFFFFC000  }
0x25: {  	[spmem:s9] =	stream.linear.scatter [tilespmem:s21], [sflag:$0x2], $0x4000, $0x38;
	[tilespmem:$0x18A00] =	vst v63  }
0x26: {  	_ =	swait.ge [sflag:s22], $0x4000  }
0x27: {  	[sflag:s22] =	ssyncset.done $0x0  }
0x28: {  	[sflag:s22] =	ssyncadd.s32 $0xFFFFC000  }
0x29: {  	[spmem:s10] =	stream.linear.scatter [tilespmem:s21], [sflag:$0x2], $0x4000, $0x38;
	[tilespmem:$0x18A00] =	vst v63  }
0x2a: {  	_ =	swait.ge [sflag:s22], $0x4000  }
0x2b: {  	[sflag:s22] =	ssyncset.done $0x0  }
0x2c: {  	[sflag:s22] =	ssyncadd.s32 $0xFFFFC000  }
0x2d: {  	s31 =	sadd.s32 $0x0, s20;
	[bflag:$0x0] =	sbarrier.arrive $0xFFFF  }
0x2e: {  	[tilespmem:s4], [sflag:$0x2] =	stream.linear.gather [hbm4b:s31+s4], $0x80, $0x38;
	[tilespmem:$0x18A00] =	vst v63  }
0x2f: {  	_ =	swait.ge [sflag:s22], $0x80  }
0x30: {  	[sflag:s22] =	ssyncset.done $0x0  }
0x31: {  	s31 =	sadd.s32 $0x0, s19;
	[sflag:s22] =	ssyncadd.s32 $0xFFFFFF80  }
0x32: {  	[tilespmem:s23], [sflag:$0x2] =	stream.linear.gather [hbm4b:s31+s4], $0x80, $0x38;
	[tilespmem:$0x18A00] =	vst v63  }
0x33: {  	_ =	swait.ge [sflag:s22], $0x80  }
0x34: {  	[sflag:s22] =	ssyncset.done $0x0  }
0x35: {  	[sflag:s22] =	ssyncadd.s32 $0xFFFFFF80  }
0x36: {  	v1 =	vld [tilespmem:$0x70]  }
0x37: {  	v2 =	vld [tilespmem:$0x30]  }
0x38: {  	v3 =	vld [tilespmem:$0x50]  }
0x39: {  	v5 =	vld [tilespmem:$0x20]  }
0x3a: {  	v4 =	vld [tilespmem:$0x60]  }
0x3b: {  	v6 =	vld [tilespmem:$0x10];
	v1 =	vadd.s32 v0, v1  }
0x3c: {  	v7 =	vld [tilespmem:$0x40];
	v2 =	vadd.s32 v0, v2;
	[tilespmem:$0x70] =	vst v1  }
0x3d: {  	v1 =	vld [tilespmem:$0x0];
	[tilespmem:$0x30] =	vst v2;
	v2 =	vadd.s32 v0, v3  }
0x3e: {  	v3 =	vadd.s32 v0, v5;
	[tilespmem:$0x50] =	vst v2  }
0x3f: {  	v2 =	vadd.s32 v0, v4;
	[tilespmem:$0x20] =	vst v3  }
0x40: {  	[tilespmem:$0x60] =	vst v2;
	v2 =	vadd.s32 v0, v6  }
0x41: {  	[tilespmem:$0x10] =	vst v2;
	v2 =	vadd.s32 v0, v7  }
0x42: {  	[tilespmem:$0x40] =	vst v2;
	v1 =	vadd.s32 v0, v1  }
0x43: {  	s31 =	simm.s32 $0x10;
	[tilespmem:$0x0] =	vst v1  }
.LBB2_2:
0x44: {  	[tilespmem:s21], [sflag:$0x1] =	stream.indirect.gather [hbm4b:s5+s23], $0x80, s4, s23, $0xb8;
	[tilespmem:$0x18A00] =	vst v63  }
0x45: {  	s0 =	smov.u32 s31  }
0x46: {  	p0 =	sne.s32 s31, $0x4D0;
	s31 =	sadd.s32 $0x10, s31;
	_ =	swait.ge [sflag:s24], $0x4000  }
0x47: {  	[sflag:s24] =	ssyncset.done $0x0  }
0x48: {  	[sflag:s24] =	ssyncadd.s32 $0xFFFFC000  }
0x49: {  	[spmem:s3] =	stream.indirect.scatter.add.f32 [tilespmem:s21], [sflag:$0x2], $0x80, s23, s23, $0xb8;
	[tilespmem:$0x18A00] =	vst v63  }
0x4a: {  	_ =	swait.ge [sflag:s22], $0x4000  }
0x4b: {  	[sflag:s22] =	ssyncset.done $0x0  }
0x4c: {  	s1 =	sadd.s32 s0, s20;
	[sflag:s22] =	ssyncadd.s32 $0xFFFFC000  }
0x4d: {  	[tilespmem:s4], [sflag:$0x2] =	stream.linear.gather [hbm4b:s1+s4], $0x80, $0x38;
	[tilespmem:$0x18A00] =	vst v63  }
0x4e: {  	_ =	swait.ge [sflag:s22], $0x80  }
0x4f: {  	[sflag:s22] =	ssyncset.done $0x0  }
0x50: {  	s0 =	sadd.s32 s0, s19;
	[sflag:s22] =	ssyncadd.s32 $0xFFFFFF80  }
0x51: {  	[tilespmem:s23], [sflag:$0x2] =	stream.linear.gather [hbm4b:s0+s4], $0x80, $0x38;
	[tilespmem:$0x18A00] =	vst v63  }
0x52: {  	_ =	swait.ge [sflag:s22], $0x80  }
0x53: {  	[sflag:s22] =	ssyncset.done $0x0  }
0x54: {  	[sflag:s22] =	ssyncadd.s32 $0xFFFFFF80  }
0x55: {  	v1 =	vld [tilespmem:$0x70]  }
0x56: {  	v2 =	vld [tilespmem:$0x30]  }
0x57: {  	v3 =	vld [tilespmem:$0x50]  }
0x58: {  	v4 =	vld [tilespmem:$0x60]  }
0x59: {  	v5 =	vld [tilespmem:$0x20]  }
0x5a: {  	v6 =	vld [tilespmem:$0x10];
	v1 =	vadd.s32 v0, v1  }
0x5b: {  	v2 =	vadd.s32 v0, v2;
	v7 =	vld [tilespmem:$0x40];
	[tilespmem:$0x70] =	vst v1  }
0x5c: {  	v1 =	vld [tilespmem:$0x0];
	[tilespmem:$0x30] =	vst v2;
	v2 =	vadd.s32 v0, v3  }
0x5d: {  	[tilespmem:$0x50] =	vst v2;
	v2 =	vadd.s32 v0, v4  }
.Ltmp0:
0x5e: {  	v3 =	vadd.s32 v0, v5;
	[tilespmem:$0x60] =	vst v2;
	(pc) =	sbr.rel @p0 .LBB2_2-.Ltmp0, $4  }
0x5f: {  	v2 =	vadd.s32 v0, v6;
	[tilespmem:$0x20] =	vst v3  }
0x60: {  	[tilespmem:$0x10] =	vst v2;
	v2 =	vadd.s32 v0, v7  }
0x61: {  	v1 =	vadd.s32 v0, v1;
	[tilespmem:$0x40] =	vst v2  }
0x62: {  	[tilespmem:$0x0] =	vst v1  }
0x63: {  	[tilespmem:s21], [sflag:$0x1] =	stream.indirect.gather [hbm4b:s5+s23], $0x80, s4, s23, $0xb8;
	[tilespmem:$0x18A00] =	vst v63  }
0x64: {  	_ =	swait.ge [sflag:s24], $0x4000  }
0x65: {  	[sflag:s24] =	ssyncset.done $0x0  }
0x66: {  	[sflag:s24] =	ssyncadd.s32 $0xFFFFC000  }
0x67: {  	[spmem:s3] =	stream.indirect.scatter.add.f32 [tilespmem:s21], [sflag:$0x2], $0x80, s23, s23, $0xb8;
	[tilespmem:$0x18A00] =	vst v63  }
0x68: {  	_ =	swait.ge [sflag:s22], $0x4000  }
0x69: {  	[sflag:s22] =	ssyncset.done $0x0  }
0x6a: {  	[sflag:s22] =	ssyncadd.s32 $0xFFFFC000  }
0x6b: {  	[tilespmem:s25], [sflag:$0x2] =	stream.linear.gather [hbm4b:s11+s4], $0x10, $0x38;
	[tilespmem:$0x18A00] =	vst v63  }
0x6c: {  	_ =	swait.ge [sflag:s22], $0x10  }
0x6d: {  	[sflag:s22] =	ssyncset.done $0x0  }
0x6e: {  	[sflag:s22] =	ssyncadd.s32 $0xFFFFFFF0  }
0x6f: {  	[tilespmem:s26], [sflag:$0x2] =	stream.linear.gather [hbm4b:s12+s4], $0x10, $0x38;
	[tilespmem:$0x18A00] =	vst v63  }
0x70: {  	_ =	swait.ge [sflag:s22], $0x10  }
0x71: {  	[sflag:s22] =	ssyncset.done $0x0  }
0x72: {  	[sflag:s22] =	ssyncadd.s32 $0xFFFFFFF0  }
0x73: {  	v1 =	vld [tilespmem:$0x100];
	_ =	sdelay $0x4  }
0x74: {  	v1 =	vadd.s32 v0, v1  }
0x75: {  	[tilespmem:$0x100] =	vst v1  }
0x76: {  	[tilespmem:s29], [sflag:$0x1] =	stream.indirect.gather [hbm4b:s5+s28], $0x80, s25, s28, $0xb8;
	[tilespmem:$0x18A00] =	vst v63  }
0x77: {  	_ =	swait.ge [sflag:s24], $0x800  }
0x78: {  	[sflag:s24] =	ssyncset.done $0x0  }
0x79: {  	[sflag:s24] =	ssyncadd.s32 $0xFFFFF800  }
0x7a: {  	[spmem:s3] =	stream.indirect.scatter.add.f32 [tilespmem:s29], [sflag:$0x2], $0x80, s26, s28, $0xb8;
	[tilespmem:$0x18A00] =	vst v63  }
0x7b: {  	_ =	swait.ge [sflag:s22], $0x800  }
0x7c: {  	[sflag:s22] =	ssyncset.done $0x0  }
0x7d: {  	[sflag:s22] =	ssyncadd.s32 $0xFFFFF800  }
0x7e: {  	[bflag:$0x0] =	sbarrier.arrive $0xFFFF  }
0x7f: {  	[tilespmem:s21], [sflag:$0x2] =	stream.linear.gather [spmem:s6], $0x4000, $0x38;
	[tilespmem:$0x18A00] =	vst v63  }
0x80: {  	_ =	swait.ge [sflag:s22], $0x4000  }
0x81: {  	[sflag:s22] =	ssyncset.done $0x0  }
0x82: {  	[sflag:s22] =	ssyncadd.s32 $0xFFFFC000  }
0x83: {  	[hbm4b:s13+s4] =	stream.linear.scatter [tilespmem:s21], [sflag:$0x2], $0x4000, $0x38;
	[tilespmem:$0x18A00] =	vst v63  }
0x84: {  	_ =	swait.ge [sflag:s22], $0x4000  }
0x85: {  	[sflag:s22] =	ssyncset.done $0x0  }
0x86: {  	[sflag:s22] =	ssyncadd.s32 $0xFFFFC000  }
0x87: {  	[tilespmem:s21], [sflag:$0x2] =	stream.linear.gather [spmem:s7], $0x4000, $0x38;
	[tilespmem:$0x18A00] =	vst v63  }
0x88: {  	_ =	swait.ge [sflag:s22], $0x4000  }
0x89: {  	[sflag:s22] =	ssyncset.done $0x0  }
0x8a: {  	[sflag:s22] =	ssyncadd.s32 $0xFFFFC000  }
0x8b: {  	[hbm4b:s14+s4] =	stream.linear.scatter [tilespmem:s21], [sflag:$0x2], $0x4000, $0x38;
	[tilespmem:$0x18A00] =	vst v63  }
0x8c: {  	_ =	swait.ge [sflag:s22], $0x4000  }
0x8d: {  	[sflag:s22] =	ssyncset.done $0x0  }
0x8e: {  	[sflag:s22] =	ssyncadd.s32 $0xFFFFC000  }
0x8f: {  	[tilespmem:s21], [sflag:$0x2] =	stream.linear.gather [spmem:s8], $0x4000, $0x38;
	[tilespmem:$0x18A00] =	vst v63  }
0x90: {  	_ =	swait.ge [sflag:s22], $0x4000  }
0x91: {  	[sflag:s22] =	ssyncset.done $0x0  }
0x92: {  	[sflag:s22] =	ssyncadd.s32 $0xFFFFC000  }
0x93: {  	[hbm4b:s15+s4] =	stream.linear.scatter [tilespmem:s21], [sflag:$0x2], $0x4000, $0x38;
	[tilespmem:$0x18A00] =	vst v63  }
0x94: {  	_ =	swait.ge [sflag:s22], $0x4000  }
0x95: {  	[sflag:s22] =	ssyncset.done $0x0  }
0x96: {  	[sflag:s22] =	ssyncadd.s32 $0xFFFFC000  }
0x97: {  	[tilespmem:s21], [sflag:$0x2] =	stream.linear.gather [spmem:s9], $0x4000, $0x38;
	[tilespmem:$0x18A00] =	vst v63  }
0x98: {  	_ =	swait.ge [sflag:s22], $0x4000  }
0x99: {  	[sflag:s22] =	ssyncset.done $0x0  }
0x9a: {  	[sflag:s22] =	ssyncadd.s32 $0xFFFFC000  }
0x9b: {  	[hbm4b:s16+s4] =	stream.linear.scatter [tilespmem:s21], [sflag:$0x2], $0x4000, $0x38;
	[tilespmem:$0x18A00] =	vst v63  }
0x9c: {  	_ =	swait.ge [sflag:s22], $0x4000  }
0x9d: {  	[sflag:s22] =	ssyncset.done $0x0  }
0x9e: {  	[sflag:s22] =	ssyncadd.s32 $0xFFFFC000  }
0x9f: {  	[tilespmem:s21], [sflag:$0x2] =	stream.linear.gather [spmem:s10], $0x4000, $0x38;
	[tilespmem:$0x18A00] =	vst v63  }
0xa0: {  	s30 =	sadd.s32 $0x1, s30;
	_ =	swait.ge [sflag:s22], $0x4000  }
0xa1: {  	p0 =	sne.s32 s30, s18;
	[sflag:s22] =	ssyncset.done $0x0  }
.Ltmp1:
0xa2: {  	[sflag:s22] =	ssyncadd.s32 $0xFFFFC000;
	(pc) =	sbr.rel @p0 .LBB2_1-.Ltmp1, $4  }
0xa3: {  	[hbm4b:s17+s4] =	stream.linear.scatter [tilespmem:s21], [sflag:$0x2], $0x4000, $0x38;
	[tilespmem:$0x18A00] =	vst v63  }
0xa4: {  	_ =	swait.ge [sflag:s22], $0x4000  }
0xa5: {  	[sflag:s22] =	ssyncset.done $0x0  }
0xa6: {  	[sflag:s22] =	ssyncadd.s32 $0xFFFFC000  }
0xa7: {  	_ =	sfence.sel $0x180000  }
0xa8: {  	[bflag:$0x0] =	sbarrier.arrive $0xFFFF  }
0xa9: {  	_ =	strace $0x9000004D  }
0xaa: {  	s0 =	stileid.u32;
	[bflag:$0x2] =	sbarrier.arrive $0xFFFF  }
0xab: {  	p0 =	sne.s32 s0, $0x0;
	s0 =	rddreg [dreg:$0x4]  }
0xac: {  	s0 =	sadd.s32 @!p0 $0x100000, s0  }
0xad: {  	[sflag:s0] =	ssyncadd.tile.s32 @!p0 $0x1;
	_ =	shalt  }
.Lfunc_end2:
_tile_overlayer_lowered:
.L_overlay_start_2:
0xae: {  	(tag) =	ssettag $0x2  }
0xaf: {  	s0 =	rddreg [dreg:$0x0];
	s2 =	stileid.u32  }
0xb0: {  	s1 =	rddreg [dreg:$0x1];
	p0 =	sne.s32 s2, $0x0  }
0xb1: {  	s3 =	rddreg [dreg:$0x2];
	[bflag:$0x3] =	sbarrier.arrive $0xFFFF;
	s2 =	simm.s32 @!p0 $0x1C02  }
0xb2: {  	[timem:s3], [sflag:s2] =	dma.local @!p0 [hbm:s0], s1  }
0xb3: {  	s0 =	simm.s32 @!p0 $0x2  }
0xb4: {  	_ =	swait.ge @!p0 [sflag:s0], s1  }
0xb5: {  	s1 =	ssub.s32 @!p0 $0x0, s1;
	[sflag:s0] =	ssyncset.done @!p0 $0x0  }
0xb6: {  	[sflag:s0] =	ssyncadd.s32 @!p0 s1  }
0xb7: {  	[bflag:$0x3] =	sbarrier.arrive $0xFFFF  }
0xb8: {  	_ =	shalt  }

// kernel: kernel.8.cloned.1.call-start
scs
__scs_entry_jumppad:
0x0: {  	(pc) =	sbr.rel $0x88, $3  }
0x1: {  	(tag) =	ssettag $0x0;
	lr =	simm.s32 $0x1  }
0x2: {  	[smem:$0x3F9B] =	sst lr;
	_ =	strace $0xD0000000  }
0x3: {  	_ = 	snop  }
0x4: {  	_ = 	snop  }
0x5: {  	_ = 	snop  }
0x6: {  	_ = 	snop  }
0x7: {  	_ = 	snop  }
__scs_overlays_trampoline_lowered:
0x8: {  	[smem:$0x3FAA] =	sst s0  }
0x9: {  	[smem:$0x3FAB] =	sst s1  }
0xa: {  	[smem:$0x3FAC] =	sst s2  }
0xb: {  	[smem:$0x3FAD] =	sst s3  }
0xc: {  	[smem:$0x3FAE] =	sst s4  }
0xd: {  	[smem:$0x3FAF] =	sst s5  }
0xe: {  	[smem:$0x3FB0] =	sst s6  }
0xf: {  	[smem:$0x3FB1] =	sst s7  }
0x10: {  	[smem:$0x3FB2] =	sst s8  }
0x11: {  	[smem:$0x3FB3] =	sst s9;
	s0 =	simm.s32 @!p0 $0x0  }
0x12: {  	s1 =	sld [smem:$0x3F99];
	s0 =	simm.s32 @p0 $0x1  }
0x13: {  	[smem:$0x3FB4] =	sst s0;
	s0 =	simm.s32 @!p1 $0x0  }
0x14: {  	s2 =	sld [smem:$0x3F98];
	s0 =	simm.s32 @p1 $0x1  }
0x15: {  	[smem:$0x3FB5] =	sst s0;
	s0 =	simm.s32 @!p2 $0x0  }
0x16: {  	s3 =	sld [smem:$0x3FDB];
	s0 =	simm.s32 @p2 $0x1  }
0x17: {  	s4 =	simm.s32 $0x1BF5;
	[smem:$0x3FB7] =	sst s0  }
0x18: {  	s0 =	sld [smem:$0x3F9A];
	_ =	swait.ge [sflag:s4], $0x0  }
0x19: {  	s7 =	sld [smem:$0x3F9B]  }
0x1a: {  	s8 =	sadd.s32 $0xFFFFE003, lr  }
0x1b: {  	s9 =	sadd.s32 $0xFFFFFEF7, lr;
	s5 =	simm.s32 $0xFFFFFFFF;
	p2 =	slt.u32 s8, $0xFFFFF086  }
0x1c: {  	p1 =	slt.u32 s9, $0xF7A;
	s5 =	simm.s32 @!p2 $0x0  }
0x1d: {  	s5 =	simm.s32 @p1 $0x1;
	p0 =	seq.s32 s7, s2  }
0x1e: {  	s7 =	smul.u32 @!p0 $0xF7A, s2;
	p2 =	seq.s32 @!p0 s5, $0x0  }
0x1f: {  	s9 =	smul.u32 $0xF7A, s1;
	s8 =	simm.s32 @!p0 $0x1BF5;
	p2 =	por !p2, p0  }
0x20: {  	[sflag:s8] =	ssyncset.s32 @!p0 $0xFFFFF086;
	s6 =	sadd.s32 @!p0 s3, s7;
	s7 =	simm.s32 @!p0 $0x108  }
0x21: {  	s3 =	sadd.s32 s3, s9;
	s6 =	sadd.s32 @!p0 $0x88, s6;
	s7 =	simm.s32 @p2 $0x1082  }
0x22: {  	[simem:s7], [sflag:s8] =	dma.local @!p0 [hbm:s6], $0xF7A  }
0x23: {  	s9 =	sor.u32 $0xD0000000, s2;
	s6 =	simm.s32 $0x108;
	_ =	swait.ge @!p0 [sflag:s8], $0x0  }
0x24: {  	s3 =	sadd.s32 $0x88, s3;
	s6 =	simm.s32 @!p1 $0x1082;
	[sflag:s4] =	ssyncset.s32 $0xFFFFF086  }
0x25: {  	[simem:s6], [sflag:s4] =	dma.local [hbm:s3], $0xF7A  }
0x26: {  	[smem:$0x3F9B] =	sst s1;
	(tag) =	ssettag s2;
	_ =	strace s9  }
0x27: {  	s1 =	sld [smem:$0x3FAB]  }
0x28: {  	s2 =	sld [smem:$0x3FAC]  }
0x29: {  	s4 =	sld [smem:$0x3FAE]  }
0x2a: {  	p0 =	seq.s32 s5, $0x0;
	s5 =	sld [smem:$0x3FAF]  }
0x2b: {  	s6 =	sld [smem:$0x3FB0]  }
0x2c: {  	s7 =	sld [smem:$0x3FB1]  }
0x2d: {  	s3 =	simm.s32 $0x108;
	s8 =	sld [smem:$0x3FB2]  }
0x2e: {  	s3 =	simm.s32 @!p0 $0x1082;
	s9 =	sld [smem:$0x3FB3]  }
0x2f: {  	lr =	sadd.s32 s0, s3;
	s0 =	sld [smem:$0x3FAA]  }
0x30: {  	s3 =	sld [smem:$0x3FAD]  }
0x31: {  	[smem:$0x3FB6] =	sst s10  }
0x32: {  	s10 =	sld [smem:$0x3FB4];
	_ =	sdelay $0x3  }
0x33: {  	p0 =	seq.s32 s10, $0x1;
	s10 =	sld [smem:$0x3FB6];
	_ =	sdelay $0x3  }
0x34: {  	[smem:$0x3FB6] =	sst s10  }
0x35: {  	s10 =	sld [smem:$0x3FB5];
	_ =	sdelay $0x3  }
0x36: {  	p1 =	seq.s32 s10, $0x1;
	s10 =	sld [smem:$0x3FB6];
	_ =	sdelay $0x3  }
0x37: {  	[smem:$0x3FB6] =	sst s10  }
0x38: {  	s10 =	sld [smem:$0x3FB7]  }
0x39: {  	_ = 	snop;
	(pc) =	sbr.ind lr, $3  }
0x3a: {  	_ = 	snop  }
0x3b: {  	_ = 	snop  }
0x3c: {  	p2 =	seq.s32 s10, $0x1;
	s10 =	sld [smem:$0x3FB6]  }
0x3d: {  	_ =	shalt  }
0x3e: {  	_ =	shalt  }
0x3f: {  	_ =	shalt  }
0x40: {  	_ =	shalt  }
0x41: {  	_ =	shalt  }
0x42: {  	_ =	shalt  }
0x43: {  	_ =	shalt  }
0x44: {  	_ =	shalt  }
0x45: {  	_ =	shalt  }
0x46: {  	_ =	shalt  }
0x47: {  	_ =	shalt  }
0x48: {  	_ =	shalt  }
0x49: {  	_ =	shalt  }
0x4a: {  	_ =	shalt  }
0x4b: {  	_ =	shalt  }
0x4c: {  	_ =	shalt  }
0x4d: {  	_ =	shalt  }
0x4e: {  	_ =	shalt  }
0x4f: {  	_ =	shalt  }
0x50: {  	_ =	shalt  }
0x51: {  	_ =	shalt  }
0x52: {  	_ =	shalt  }
0x53: {  	_ =	shalt  }
0x54: {  	_ =	shalt  }
0x55: {  	_ =	shalt  }
0x56: {  	_ =	shalt  }
0x57: {  	_ =	shalt  }
0x58: {  	_ =	shalt  }
0x59: {  	_ =	shalt  }
0x5a: {  	_ =	shalt  }
0x5b: {  	_ =	shalt  }
0x5c: {  	_ =	shalt  }
0x5d: {  	_ =	shalt  }
0x5e: {  	_ =	shalt  }
0x5f: {  	_ =	shalt  }
0x60: {  	_ =	shalt  }
0x61: {  	_ =	shalt  }
0x62: {  	_ =	shalt  }
0x63: {  	_ =	shalt  }
0x64: {  	_ =	shalt  }
0x65: {  	_ =	shalt  }
0x66: {  	_ =	shalt  }
0x67: {  	_ =	shalt  }
0x68: {  	_ =	shalt  }
0x69: {  	_ =	shalt  }
0x6a: {  	_ =	shalt  }
0x6b: {  	_ =	shalt  }
0x6c: {  	_ =	shalt  }
0x6d: {  	_ =	shalt  }
0x6e: {  	_ =	shalt  }
0x6f: {  	_ =	shalt  }
0x70: {  	_ =	shalt  }
0x71: {  	_ =	shalt  }
0x72: {  	_ =	shalt  }
0x73: {  	_ =	shalt  }
0x74: {  	_ =	shalt  }
0x75: {  	_ =	shalt  }
0x76: {  	_ =	shalt  }
0x77: {  	_ =	shalt  }
0x78: {  	_ =	shalt  }
0x79: {  	_ =	shalt  }
0x7a: {  	_ =	shalt  }
0x7b: {  	_ =	shalt  }
0x7c: {  	_ =	shalt  }
0x7d: {  	_ =	shalt  }
0x7e: {  	_ =	shalt  }
0x7f: {  	_ =	shalt  }
0x80: {  	_ =	shalt  }
0x81: {  	_ =	shalt  }
0x82: {  	_ =	shalt  }
0x83: {  	_ =	shalt  }
0x84: {  	_ =	shalt  }
0x85: {  	_ =	shalt  }
0x86: {  	_ =	shalt  }
0x87: {  	_ =	shalt  }
.Lfunc_end0:
.L_simem_size_0:
called_computation_lowered:
.L_overlay_start_0:
0x88: {  	s2 =	sld [smem:$0x3FD9]  }
0x89: {  	s3 =	sld [smem:$0x3FFE];
	_ =	sdelay $0x1  }
0x8a: {  	s1 =	srdreg.scid  }
0x8b: {  	s0 =	sand.u32 $0x1, s1  }
0x8c: {  	s14 =	sshll.u32 s0, $0xA;
	s2 =	sadd.s32 s3, s2  }
0x8d: {  	s2 =	sadd.s32 s2, s14  }
0x8e: {  	[smem:$0x3FC2] =	sst s2  }
0x8f: {  	_ = 	snop  }
0x90: {  	s2 =	sld [smem:$0x3FD0];
	_ =	sdelay $0x2  }
0x91: {  	s15 =	simm.s32 $0xA;
	s4 =	simm.s32 $0x10  }
0x92: {  	[smem:s4], [sflag:s15] =	dma.local [hbm:s2], $0x1  }
0x93: {  	_ =	swait.eq [sflag:s15], $0x1  }
0x94: {  	[sflag:s15] =	ssyncset.done $0x0  }
0x95: {  	[sflag:s15] =	ssyncadd.s32 $0xFFFFFFFF  }
0x96: {  	s16 =	sld [smem:$0x11];
	(tm) =	ssettm $0x1  }
0x97: {  	s17 =	sld [smem:$0x3FFB];
	_ =	sdelay $0x3  }
0x98: {  	_ =	strace s17  }
0x99: {  	s3 =	sld [smem:$0x3FFC];
	_ =	sdelay $0x3  }
0x9a: {  	_ =	strace s3  }
0x9b: {  	s3 =	sld [smem:$0x3FFD];
	_ =	sdelay $0x3  }
0x9c: {  	_ =	strace s3  }
0x9d: {  	_ =	strace $0x8FFFFFFF  }
0x9e: {  	s18 =	sld [smem:$0x3FDB];
	_ =	sdelay $0x1  }
0x9f: {  	s19 =	simm.s32 $_scs_section_size  }
0xa0: {  	s5 =	simm.s32 $_size__tile_overlayer_lowered;
	s6 =	simm.s32 $_tile_overlayer_lowered  }
0xa1: {  	s22 =	simm.s32 $0x1BFF;
	s21 =	sshll.u32 s6, $0x1;
	s3 =	sadd.s32 s19, s18  }
0xa2: {  	s7 =	simm.s32 $0x0;
	s20 =	sshll.u32 s5, $0x1;
	s5 =	sadd.s32 s21, s3  }
0xa3: {  	[timem:s7], [sflag:s22] =	dma.local [hbm:s5], s20  }
0xa4: {  	_ =	swait.ge [sflag:s22], s20  }
0xa5: {  	s4 =	ssub.s32 $0x0, s20;
	[sflag:s22] =	ssyncset.done $0x0  }
0xa6: {  	[sflag:s22] =	ssyncadd.s32 s4;
	_ =	sdelay $0x1  }
0xa7: {  	s23 =	simm.s32 $0x1B8B  }
0xa8: {  	_ =	swait.ge [sflag:s23], $0x1  }
0xa9: {  	[sflag:s23] =	ssyncset.done $0x0  }
0xaa: {  	s25 =	simm.s32 $0x1B8E;
	s24 =	sld [smem:$0x3FFE];
	[sflag:s23] =	ssyncadd.s32 $0xFFFFFFFF  }
0xab: {  	s26 =	simm.s32 $execute0_lowered;
	[smem:$0x3FD2] =	sst s25  }
0xac: {  	s5 =	sshll.u32 s26, $0x1;
	_ =	strace $0x80000046;
	[dreg:$0x1] =	wrdreg $0xFFFFFFFF  }
0xad: {  	s28 =	simm.s32 $_size_execute0_lowered;
	s3 =	sadd.s32 s3, s5;
	[dreg:$0x0] =	wrdreg $0x0  }
0xae: {  	s5 =	sshll.u32 s28, $0x1;
	[dreg:$0x2] =	wrdreg s3  }
0xaf: {  	[dreg:$0x3] =	wrdreg s5  }
0xb0: {  	[dreg:$0x4] =	wrdreg $0xC0  }
0xb1: {  	_ =	task [dreg:s7], $0x5FFFF  }
0xb2: {  	[dreg:$0x1] =	wrdreg $0xFFFFFFFF  }
0xb3: {  	[dreg:$0x0] =	wrdreg $0x60  }
0xb4: {  	[dreg:$0x2] =	wrdreg s16  }
0xb5: {  	[dreg:$0x3] =	wrdreg s24  }
0xb6: {  	[dreg:$0x4] =	wrdreg $0x17000  }
0xb7: {  	[dreg:$0x5] =	wrdreg $0x9  }
0xb8: {  	_ =	task.clear_ibuf [dreg:s7], $0x6FFFF;
	_ =	strace $0x90000046  }
0xb9: {  	s29 =	simm.s32 $0x9;
	_ =	strace $0x80000048  }
0xba: {  	_ =	swait.ge [sflag:s29], $0x1  }
0xbb: {  	[sflag:s29] =	ssyncadd.s32 $0xFFFFFFFF  }
0xbc: {  	_ =	strace $0x90000048  }
0xbd: {  	_ =	sfence  }
0xbe: {  	s30 =	sld [smem:$0x0];
	_ =	sdelay $0x2  }
0xbf: {  	s31 =	sshll.u32 s1, $0xD;
	s1 =	sshrl.u32 s1, $0x2  }
0xc0: {  	s3 =	sand.u32 $0x4000, s31;
	s1 =	sadd.s32 s1, s30  }
0xc1: {  	s0 =	sor.u32 s3, s0;
	s1 =	sshll.u32 s1, $0x11  }
0xc2: {  	s0 =	sor.u32 s1, s0  }
0xc3: {  	s0 =	sadd.s32 $0x8F2B, s0  }
0xc4: {  	[sflag:s0] =	ssyncadd.remote.s32 $0x1  }
0xc5: {  	_ =	sfence.sel $0xFFFF  }
0xc6: {  	[dreg:$0x0] =	wrdreg $0xFFFFFFFF;
	(pc) =	sbr.abs _section_cstart, $3  }
0xc7: {  	[dreg:$0x1] =	wrdreg $0xFFFFFFFF  }
0xc8: {  	_ =	task.clear_ibuf [dreg:s7], $0x2FFFF;
	_ =	strace $0x9FFFFFFF  }
0xc9: {  	(tm) =	ssettm $0x7FFFFFFF  }
tec
execute0_lowered:
.L_overlay_start_1:
0x0: {  	(tag) =	ssettag $0x1  }
0x1: {  	s4 =	rddreg [dreg:$0x0]  }
0x2: {  	s5 =	rddreg [dreg:$0x1];
	s1 =	srdreg.scid  }
0x3: {  	s0 =	stileid.u32;
	s2 =	rddreg [dreg:$0x2];
	s3 =	simm.s32 $0x0  }
0x4: {  	s11 =	simm.s32 $0x280;
	s6 =	sand.u32 $0x1, s1;
	s7 =	smul.u32 $0x280, s0  }
0x5: {  	s1 =	rddreg [dreg:$0x3];
	s8 =	smul.u32 $0x2800, s6;
	s9 =	sshll.u32 s6, $0x4  }
0x6: {  	s12 =	simm.s32 $0x0;
	[smem:$0x7FF] =	sst s3;
	s9 =	sor.u32 s0, s9  }
0x7: {  	s6 =	ssub.s32 $0x2, s6;
	s8 =	sadd.s32 s7, s8;
	s9 =	smul.u32 $0x280, s9  }
0x8: {  	_ =	strace $0x80000047;
	s10 =	sshrl.u32 s6, $0x1;
	s8 =	sshrl.u32 s8, $0x3  }
0x9: {  	s10 =	ssub.s32 s6, s10;
	s8 =	sadd.s32 s8, s5;
	s4 =	sadd.s32 s4, s9  }
0xa: {  	s5 =	sadd.s32 s7, s2;
	s7 =	smax.u32 s10, $0x1;
	s9 =	simm.s32 $0x1  }
0xb: {  	v0 =	vimm.f32 $0.0e+00;
	v1 =	vimm.f32 $1.000000000e+00;
	s10 =	simm.s32 $0x80;
	s6 =	sadd.s32 $0x6400, s8;
	s8 =	simm.s32 $0x300  }
.LBB2_1:
0xc: {  	[tilespmem:$0x0] =	vst v0  }
0xd: {  	[tilespmem:$0x10] =	vst v0  }
0xe: {  	[tilespmem:$0x20] =	vst v0  }
0xf: {  	[tilespmem:$0x30] =	vst v0  }
0x10: {  	[tilespmem:$0x40] =	vst v0  }
0x11: {  	[tilespmem:$0x50] =	vst v0  }
0x12: {  	[tilespmem:$0x60] =	vst v0  }
0x13: {  	[tilespmem:$0x70] =	vst v0  }
0x14: {  	[tilespmem:$0x80] =	vst v0  }
0x15: {  	[tilespmem:$0x90] =	vst v0  }
0x16: {  	[tilespmem:$0xA0] =	vst v0  }
0x17: {  	[tilespmem:$0xB0] =	vst v0  }
0x18: {  	[tilespmem:$0xC0] =	vst v0  }
0x19: {  	[tilespmem:$0xD0] =	vst v0  }
0x1a: {  	[tilespmem:$0xE0] =	vst v0  }
0x1b: {  	[tilespmem:$0xF0] =	vst v0  }
0x1c: {  	[tilespmem:$0x100] =	vst v0  }
0x1d: {  	[tilespmem:$0x110] =	vst v0  }
0x1e: {  	[tilespmem:$0x120] =	vst v0  }
0x1f: {  	[tilespmem:$0x130] =	vst v0  }
0x20: {  	[tilespmem:$0x140] =	vst v0  }
0x21: {  	[tilespmem:$0x150] =	vst v0  }
0x22: {  	[tilespmem:$0x160] =	vst v0  }
0x23: {  	[tilespmem:$0x170] =	vst v0  }
0x24: {  	[tilespmem:$0x180] =	vst v0  }
0x25: {  	[tilespmem:$0x190] =	vst v0  }
0x26: {  	[tilespmem:$0x1A0] =	vst v0  }
0x27: {  	[tilespmem:$0x1B0] =	vst v0  }
0x28: {  	[tilespmem:$0x1C0] =	vst v0  }
0x29: {  	[tilespmem:$0x1D0] =	vst v0  }
0x2a: {  	[tilespmem:$0x1E0] =	vst v0  }
0x2b: {  	[tilespmem:$0x1F0] =	vst v0  }
0x2c: {  	[tilespmem:$0x200] =	vst v0  }
0x2d: {  	[tilespmem:$0x210] =	vst v0  }
0x2e: {  	[tilespmem:$0x220] =	vst v0  }
0x2f: {  	[tilespmem:$0x230] =	vst v0  }
0x30: {  	[tilespmem:$0x240] =	vst v0  }
0x31: {  	[tilespmem:$0x250] =	vst v0  }
0x32: {  	[tilespmem:$0x260] =	vst v0  }
0x33: {  	[tilespmem:$0x270] =	vst v0  }
0x34: {  	[tilespmem:$0x280] =	vst v1  }
0x35: {  	[tilespmem:$0x290] =	vst v1  }
0x36: {  	[tilespmem:$0x2A0] =	vst v1  }
0x37: {  	[tilespmem:$0x2B0] =	vst v1  }
0x38: {  	[tilespmem:$0x2C0] =	vst v1  }
0x39: {  	[tilespmem:$0x2D0] =	vst v1  }
0x3a: {  	[tilespmem:$0x2E0] =	vst v1  }
0x3b: {  	[tilespmem:$0x2F0] =	vst v1  }
0x3c: {  	[tilespmem:s8], [sflag:$0x1] =	stream.linear.gather [hbm4b:s4+s3], $0x1400, $0x38;
	[tilespmem:$0x1980] =	vst v63  }
0x3d: {  	_ =	swait.ge [sflag:s9], $0x1400  }
0x3e: {  	[sflag:s9] =	ssyncset.done $0x0  }
0x3f: {  	[sflag:s9] =	ssyncadd.s32 $0xFFFFEC00  }
0x40: {  	[spmem:s5] =	stream.linear.scatter [tilespmem:s3], [sflag:$0x1], $0x280, $0x38;
	[tilespmem:$0x1980] =	vst v63  }
0x41: {  	_ =	swait.ge [sflag:s9], $0x280  }
0x42: {  	[sflag:s9] =	ssyncset.done $0x0  }
0x43: {  	[sflag:s9] =	ssyncadd.s32 $0xFFFFFD80  }
0x44: {  	s13 =	simm.s32 $0x300;
	[bflag:$0x0] =	sbarrier.arrive $0xFFFF  }
0x45: {  	[spmem:s2] =	stream.indirect.scatter.add.f32 [tilespmem:s11], [sflag:$0x1], $0x1, s13, s10, $0xb8;
	[tilespmem:$0x1980] =	vst v63  }
0x46: {  	s13 =	simm.s32 $0x200;
	_ =	swait.ge [sflag:s9], $0x80  }
.LBB2_2:
0x47: {  	s14 =	sshra.s32 s13, $0x2;
	[sflag:s9] =	ssyncset.done $0x0;
	p0 =	sne.s32 s13, $0x4E00  }
.Ltmp0:
0x48: {  	s14 =	sadd.s32 $0x300, s14;
	[sflag:s9] =	ssyncadd.s32 $0xFFFFFF80;
	(pc) =	sbr.rel @p0 .LBB2_2-.Ltmp0, $3  }
0x49: {  	[spmem:s2] =	stream.indirect.scatter.add.f32 [tilespmem:s11], [sflag:$0x1], $0x1, s14, s10, $0xb8;
	[tilespmem:$0x1980] =	vst v63  }
0x4a: {  	s13 =	sadd.s32 $0x200, s13;
	_ =	sdelay $0x1  }
0x4b: {  	_ =	swait.ge [sflag:s9], $0x80  }
0x4c: {  	[sflag:s9] =	ssyncset.done $0x0  }
0x4d: {  	[sflag:s9] =	ssyncadd.s32 $0xFFFFFF80  }
0x4e: {  	[bflag:$0x0] =	sbarrier.arrive $0xFFFF  }
0x4f: {  	[tilespmem:s3], [sflag:$0x1] =	stream.linear.gather [spmem:s5], $0x280, $0x38;
	[tilespmem:$0x1980] =	vst v63  }
0x50: {  	s12 =	sadd.s32 $0x1, s12;
	_ =	swait.ge [sflag:s9], $0x280  }
0x51: {  	p0 =	sne.s32 s12, s7;
	[sflag:s9] =	ssyncset.done $0x0  }
.Ltmp1:
0x52: {  	[sflag:s9] =	ssyncadd.s32 $0xFFFFFD80;
	(pc) =	sbr.rel @p0 .LBB2_1-.Ltmp1, $4  }
0x53: {  	[hbm4b:s6+s3] =	stream.linear.scatter [tilespmem:s3], [sflag:$0x1], $0x280, $0x38;
	[tilespmem:$0x1980] =	vst v63  }
0x54: {  	_ =	swait.ge [sflag:s9], $0x280  }
0x55: {  	[sflag:s9] =	ssyncset.done $0x0  }
0x56: {  	[sflag:s9] =	ssyncadd.s32 $0xFFFFFD80  }
0x57: {  	_ =	sfence.sel $0x180000  }
0x58: {  	[bflag:$0x0] =	sbarrier.arrive $0xFFFF  }
0x59: {  	p0 =	sne.s32 s0, $0x0;
	_ =	strace $0x90000047  }
0x5a: {  	s0 =	sadd.s32 @!p0 $0x100000, s1;
	[bflag:$0x2] =	sbarrier.arrive $0xFFFF  }
0x5b: {  	[sflag:s0] =	ssyncadd.tile.s32 @!p0 $0x1;
	_ =	shalt  }
.Lfunc_end2:
_tile_overlayer_lowered:
.L_overlay_start_2:
0x5c: {  	(tag) =	ssettag $0x2  }
0x5d: {  	s0 =	rddreg [dreg:$0x0];
	s2 =	stileid.u32  }
0x5e: {  	s1 =	rddreg [dreg:$0x1];
	p0 =	sne.s32 s2, $0x0  }
0x5f: {  	s3 =	rddreg [dreg:$0x2];
	[bflag:$0x3] =	sbarrier.arrive $0xFFFF;
	s2 =	simm.s32 @!p0 $0x1C01  }
0x60: {  	[timem:s3], [sflag:s2] =	dma.local @!p0 [hbm:s0], s1  }
0x61: {  	s0 =	simm.s32 @!p0 $0x1  }
0x62: {  	_ =	swait.ge @!p0 [sflag:s0], s1  }
0x63: {  	s1 =	ssub.s32 @!p0 $0x0, s1;
	[sflag:s0] =	ssyncset.done @!p0 $0x0  }
0x64: {  	[sflag:s0] =	ssyncadd.s32 @!p0 s1  }
0x65: {  	[bflag:$0x3] =	sbarrier.arrive $0xFFFF  }
0x66: {  	_ =	shalt  }

</sc_bundles>
